<compile_context>
chip_gen: v7x
topology: tpu7x:2x2x1
jax: 0.10.2.dev20260603
libtpu: 0.0.44.dev20260713+nightly
codegen_flags: <defaults>
</compile_context>

<pallas_src>
import functools

import jax
import jax.numpy as jnp
from jax import lax
from jax.experimental import pallas as pl
from jax.experimental.pallas import tpu as pltpu
from jax.experimental.pallas import tpu_sc as plsc

VOCAB = 65536
MD = 512
HALF = MD // 2
LANE = 128
BL = 16384 * 20

NC, NS = 2, 16
NW = NC * NS
NSLAB = 5
SLAB = BL // NSLAB
PER_W = SLAB // NW
CHUNK = 256
NCHUNK = PER_W // CHUNK
PAD = 2 * CHUNK

RM = 2048
NM = VOCAB // RM
RF = 2048

_SQRT_HALF = 0.7071067811865476


def _pre_body(emb_ref, w1ct_ref, w1tt_ref, task_ref, b1_ref, g_ref):
    t2 = jnp.dot(task_ref[...], w1tt_ref[...],
                 preferred_element_type=jnp.float32) + b1_ref[...]
    gblk = jnp.dot(emb_ref[...], w1ct_ref[...],
                   preferred_element_type=jnp.float32)
    for e in range(2):
        gb = gblk + t2[e:e + 1, :]
        u = lax.bitcast_convert_type(gb, jnp.uint32)
        r = (u + jnp.uint32(0x7FFF) + ((u >> 16) & jnp.uint32(1))) >> 16
        packed = r[:, :LANE] | (r[:, LANE:] << 16)
        g_ref[e, :, :] = lax.bitcast_convert_type(packed, jnp.float32)


_pre_call = pl.pallas_call(
    _pre_body,
    grid=(NM,),
    in_specs=[
        pl.BlockSpec((RM, MD), lambda i: (i, 0)),
        pl.BlockSpec((MD, HALF), lambda i: (0, 0)),
        pl.BlockSpec((MD, HALF), lambda i: (0, 0)),
        pl.BlockSpec((2, MD), lambda i: (0, 0)),
        pl.BlockSpec((1, HALF), lambda i: (0, 0)),
    ],
    out_specs=pl.BlockSpec((2, RM, LANE), lambda i: (0, i, 0)),
    out_shape=jax.ShapeDtypeStruct((2, VOCAB, LANE), jnp.float32),
)


def _gather_body(slab_off, tbl, idx, out, idx0, idx1, rows0, rows1, sem0, sem1):
    wid = lax.axis_index("s") * NC + lax.axis_index("c")
    base = slab_off + wid * PER_W
    obase = wid * PER_W

    def fire(idx_ref, rows_ref, sem, chunk):
        off = base + chunk * CHUNK
        pltpu.sync_copy(idx.at[pl.ds(off, CHUNK)], idx_ref)
        pltpu.make_async_copy(tbl.at[idx_ref], rows_ref, sem).start()

    fire(idx0, rows0, sem0, 0)
    fire(idx1, rows1, sem1, 1)

    def body(i, carry):
        j = 2 * i
        pltpu.make_async_copy(tbl.at[idx0], rows0, sem0).wait()
        pltpu.sync_copy(rows0, out.at[pl.ds(obase + j * CHUNK, CHUNK)])
        fire(idx0, rows0, sem0, j + 2)
        pltpu.make_async_copy(tbl.at[idx1], rows1, sem1).wait()
        pltpu.sync_copy(rows1, out.at[pl.ds(obase + (j + 1) * CHUNK, CHUNK)])
        fire(idx1, rows1, sem1, j + 3)
        return carry

    lax.fori_loop(0, NCHUNK // 2, body, 0)
    pltpu.make_async_copy(tbl.at[idx0], rows0, sem0).wait()
    pltpu.make_async_copy(tbl.at[idx1], rows1, sem1).wait()


def _make_gather_call(slab):
    return functools.partial(
        pl.kernel,
        mesh=plsc.VectorSubcoreMesh(core_axis_name="c", subcore_axis_name="s",
                                    num_cores=NC, num_subcores=NS),
        out_type=jax.ShapeDtypeStruct((SLAB, LANE), jnp.float32),
        scratch_types=[
            pltpu.VMEM((CHUNK,), jnp.int32),
            pltpu.VMEM((CHUNK,), jnp.int32),
            pltpu.VMEM((CHUNK, LANE), jnp.float32),
            pltpu.VMEM((CHUNK, LANE), jnp.float32),
            pltpu.SemaphoreType.DMA,
            pltpu.SemaphoreType.DMA,
        ],
    )(functools.partial(_gather_body, slab * SLAB))


def _ffn_body(g_ref, w2t_ref, b2_ref, *o_refs):
    o_ref = o_refs[-1]
    u = lax.bitcast_convert_type(g_ref[...], jnp.uint32)
    lo = lax.bitcast_convert_type(u << 16, jnp.float32)
    hi = lax.bitcast_convert_type(u & jnp.uint32(0xFFFF0000), jnp.float32)
    h = jnp.concatenate([lo, hi], axis=1)
    h = 0.5 * h * (1.0 + lax.erf(h * _SQRT_HALF))
    o_ref[...] = jnp.dot(h.astype(jnp.bfloat16), w2t_ref[...],
                         preferred_element_type=jnp.float32) + b2_ref[...]


def _make_ffn_call(slab):
    specs = [
        pl.BlockSpec((RF, LANE), lambda i: (i, 0)),
        pl.BlockSpec((HALF, MD), lambda i: (0, 0)),
        pl.BlockSpec((1, MD), lambda i: (0, 0)),
    ]
    aliases = {}
    if slab > 0:
        specs.append(pl.BlockSpec(memory_space=pl.ANY))
        aliases = {3: 0}
    return pl.pallas_call(
        _ffn_body,
        grid=(SLAB // RF,),
        in_specs=specs,
        out_specs=pl.BlockSpec((RF, MD),
                               lambda i, s=slab: (s * (SLAB // RF) + i, 0)),
        out_shape=jax.ShapeDtypeStruct((BL, MD), jnp.float32),
        input_output_aliases=aliases,
    )


def kernel(t, l, emb_w, task_w, W1, b1, W2, b2):
    B, L = t.shape
    tl = (t + VOCAB * l).T.reshape(-1).astype(jnp.int32)
    tf = jnp.concatenate([tl, jnp.zeros((PAD,), jnp.int32)])
    w1ct = W1[:, :MD].T
    w1tt = W1[:, MD:].T
    w2t = W2.T.astype(jnp.bfloat16)

    g_tbl = _pre_call(emb_w, w1ct, w1tt, task_w,
                      b1.reshape(1, HALF)).reshape(2 * VOCAB, LANE)
    b2r = b2.reshape(1, MD)
    o = None
    for s in range(NSLAB):
        g_s = _make_gather_call(s)(g_tbl, tf)
        args = (g_s, w2t, b2r) if o is None else (g_s, w2t, b2r, o)
        o = _make_ffn_call(s)(*args)
    return o.reshape(L, B, MD).transpose(1, 0, 2)

# --- scband reference (transcript-rebuilt; emitter-appended) ---
"""Pipeline reference for scband-autoencoder-24318104830310 (READ-ONLY COPY).

The authoritative reference and input builder live on the scoring server;
editing this copy changes nothing except your own understanding.
"""

import jax, jax.numpy as jnp
import numpy as np

VOCAB = 65536
MD = 512
B, L = 16384, 20

def setup_inputs(seed: int = 0) -> dict:
    key = jax.random.key(seed)
    ks = jax.random.split(key, 8)
    t = jax.random.randint(ks[0], (B, L), 0, VOCAB, dtype=jnp.int64) if jax.config.jax_enable_x64 else jax.random.randint(ks[0], (B, L), 0, VOCAB, dtype=jnp.int32)
    l = jax.random.randint(ks[1], (B, L), 0, 2, dtype=t.dtype)
    emb_w = jax.random.normal(ks[2], (VOCAB, MD), dtype=jnp.float32) * 0.02
    task_w = jax.random.normal(ks[3], (2, MD), dtype=jnp.float32) * 0.02
    W1 = jax.random.normal(ks[4], (MD // 2, MD * 2), dtype=jnp.float32) * 0.02
    b1 = jnp.zeros((MD // 2,), dtype=jnp.float32)
    W2 = jax.random.normal(ks[5], (MD, MD // 2), dtype=jnp.float32) * 0.02
    b2 = jnp.zeros((MD,), dtype=jnp.float32)
    return {"t": t, "l": l, "emb_w": emb_w, "task_w": task_w, "W1": W1, "b1": b1, "W2": W2, "b2": b2}

def reference(t, l, emb_w, task_w, W1, b1, W2, b2):
    # content_emb = self.emb.weight[t]  (gather from [65536, MD] table)
    content_emb = jnp.take(emb_w, t, axis=0)
    # task_emb = self.task_emb.weight[l]  (gather from [2, MD] table)
    task_emb = jnp.take(task_w, l, axis=0)
    x = jnp.concatenate([content_emb, task_emb], axis=-1)
    # ffn: Linear(2*MD, MD//2) -> GELU(exact) -> Linear(MD//2, MD)
    h = jnp.dot(x, W1.T) + b1
    h = jax.nn.gelu(h, approximate=False)
    o = jnp.dot(h, W2.T) + b2
    return o

if __name__ == "__main__":
    import jax
    _d = setup_inputs()
    print(jax.jit(kernel)(*tuple(_d.values())))

</pallas_src>

<mosaic_0001>
#map = affine_map<(d0, d1) -> (0, 0)>
#map1 = affine_map<(d0, d1) -> (0)>
module attributes {stable_mosaic.version = 14 : i64} {
  func.func @_gather_body(%arg0: i32, %arg1: i32, %arg2: memref<131072x128xf32, #tpu.memory_space<hbm>>, %arg3: memref<328192xi32, #tpu.memory_space<hbm>>, %arg4: memref<65536x128xf32, #tpu.memory_space<hbm>>, %arg5: memref<256xi32, #tpu.memory_space<vmem>>, %arg6: memref<256xi32, #tpu.memory_space<vmem>>, %arg7: memref<256x128xf32, #tpu.memory_space<vmem>>, %arg8: memref<256x128xf32, #tpu.memory_space<vmem>>, %arg9: memref<!tpu.dma_semaphore, #tpu.memory_space<semaphore_mem>>, %arg10: memref<!tpu.dma_semaphore, #tpu.memory_space<semaphore_mem>>) attributes {dimension_semantics = [#tpu.dimension_semantics<core_parallel>, #tpu.dimension_semantics<subcore_parallel>], iteration_bounds = array<i64: 2, 16>, scalar_prefetch = 0 : i64, scratch_operands = 6 : i64, tpu.core_type = #tpu.core_type<sc_vector_subcore>, window_params = [{transform_indices = #map}, {transform_indices = #map1}, {transform_indices = #map}]} {
    %mul3A = arith.constant 2 : i32
    %mul3A_0 = arith.muli %arg1, %mul3A : i32
    %add3A = arith.addi %mul3A_0, %arg0 : i32
    %mul3A_1 = arith.constant 2048 : i32
    %mul3A_2 = arith.muli %add3A, %mul3A_1 : i32
    %add3A_3 = arith.constant 0 : i32
    %add3A_4 = arith.addi %add3A_3, %mul3A_2 : i32
    %mul3A_5 = arith.constant 2048 : i32
    %mul3A_6 = arith.muli %add3A, %mul3A_5 : i32
    %add3A_7 = arith.constant 0 : i32
    %add3A_8 = arith.addi %add3A_4, %add3A_7 : i32
    "tpu.region"() ({
      %run_scoped3A = tpu.sem_alloc : memref<!tpu.dma_semaphore, #tpu.memory_space<semaphore_mem>>
      %dma_start3A_26 = tpu.memref_slice %arg3[%add3A_8] : memref<328192xi32, #tpu.memory_space<hbm>> -> memref<256xi32, #tpu.memory_space<hbm>>
      %dma_start3A_27 = tpu.memref_slice %arg3[%add3A_8] : memref<328192xi32, #tpu.memory_space<hbm>> -> memref<256xi32, #tpu.memory_space<hbm>>
      tpu.enqueue_dma source(%dma_start3A_27 : memref<256xi32, #tpu.memory_space<hbm>>) target(%arg5 : memref<256xi32, #tpu.memory_space<vmem>>) target_semaphore(%run_scoped3A : memref<!tpu.dma_semaphore, #tpu.memory_space<semaphore_mem>>)
      %dma_wait3A_28 = tpu.memref_slice %arg3[%add3A_8] : memref<328192xi32, #tpu.memory_space<hbm>> -> memref<256xi32, #tpu.memory_space<hbm>>
      %dma_wait3A_29 = tpu.memref_slice %arg3[%add3A_8] : memref<328192xi32, #tpu.memory_space<hbm>> -> memref<256xi32, #tpu.memory_space<hbm>>
      tpu.wait_dma2 semaphore(%run_scoped3A : memref<!tpu.dma_semaphore, #tpu.memory_space<semaphore_mem>>) src(%dma_wait3A_29 : memref<256xi32, #tpu.memory_space<hbm>>) dst(%arg5 : memref<256xi32, #tpu.memory_space<vmem>>)
      tpu.yield
    }) : () -> ()
    %dma_start3A = arith.constant 0 : i32
    %dma_start3A_9 = arith.constant 0 : i32
    %dma_start3A_10 = tpu.memref_slice %arg2[%dma_start3A, %dma_start3A_9] : memref<131072x128xf32, #tpu.memory_space<hbm>> -> memref<131072x128xf32, #tpu.memory_space<hbm>>
    tpu.enqueue_indirect_dma source(%dma_start3A_10 : memref<131072x128xf32, #tpu.memory_space<hbm>>) target(%arg7 : memref<256x128xf32, #tpu.memory_space<vmem>>) offsets(%arg5 : memref<256xi32, #tpu.memory_space<vmem>>) semaphore(%arg9 : memref<!tpu.dma_semaphore, #tpu.memory_space<semaphore_mem>>)
    %add3A_11 = arith.constant 256 : i32
    %add3A_12 = arith.addi %add3A_4, %add3A_11 : i32
    "tpu.region"() ({
      %run_scoped3A = tpu.sem_alloc : memref<!tpu.dma_semaphore, #tpu.memory_space<semaphore_mem>>
      %dma_start3A_26 = tpu.memref_slice %arg3[%add3A_12] : memref<328192xi32, #tpu.memory_space<hbm>> -> memref<256xi32, #tpu.memory_space<hbm>>
      %dma_start3A_27 = tpu.memref_slice %arg3[%add3A_12] : memref<328192xi32, #tpu.memory_space<hbm>> -> memref<256xi32, #tpu.memory_space<hbm>>
      tpu.enqueue_dma source(%dma_start3A_27 : memref<256xi32, #tpu.memory_space<hbm>>) target(%arg6 : memref<256xi32, #tpu.memory_space<vmem>>) target_semaphore(%run_scoped3A : memref<!tpu.dma_semaphore, #tpu.memory_space<semaphore_mem>>)
      %dma_wait3A_28 = tpu.memref_slice %arg3[%add3A_12] : memref<328192xi32, #tpu.memory_space<hbm>> -> memref<256xi32, #tpu.memory_space<hbm>>
      %dma_wait3A_29 = tpu.memref_slice %arg3[%add3A_12] : memref<328192xi32, #tpu.memory_space<hbm>> -> memref<256xi32, #tpu.memory_space<hbm>>
      tpu.wait_dma2 semaphore(%run_scoped3A : memref<!tpu.dma_semaphore, #tpu.memory_space<semaphore_mem>>) src(%dma_wait3A_29 : memref<256xi32, #tpu.memory_space<hbm>>) dst(%arg6 : memref<256xi32, #tpu.memory_space<vmem>>)
      tpu.yield
    }) : () -> ()
    %dma_start3A_13 = arith.constant 0 : i32
    %dma_start3A_14 = arith.constant 0 : i32
    %dma_start3A_15 = tpu.memref_slice %arg2[%dma_start3A_13, %dma_start3A_14] : memref<131072x128xf32, #tpu.memory_space<hbm>> -> memref<131072x128xf32, #tpu.memory_space<hbm>>
    tpu.enqueue_indirect_dma source(%dma_start3A_15 : memref<131072x128xf32, #tpu.memory_space<hbm>>) target(%arg8 : memref<256x128xf32, #tpu.memory_space<vmem>>) offsets(%arg6 : memref<256xi32, #tpu.memory_space<vmem>>) semaphore(%arg10 : memref<!tpu.dma_semaphore, #tpu.memory_space<semaphore_mem>>)
    %scan3A = arith.constant 0 : i32
    %scan3A_16 = arith.constant 0 : i32
    %scan3A_17 = arith.constant 4 : i32
    %scan3A_18 = arith.addi %scan3A_16, %scan3A_17 : i32
    %scan3A_19 = arith.constant 1 : i32
    scf.for %scan3A_26 = %scan3A_16 to %scan3A_18 step %scan3A_19  : i32 {
      %mul3A_27 = arith.constant 2 : i32
      %mul3A_28 = arith.muli %mul3A_27, %scan3A_26 : i32
      %dma_wait3A_29 = arith.constant 0 : i32
      %dma_wait3A_30 = arith.constant 0 : i32
      %dma_wait3A_31 = tpu.memref_slice %arg2[%dma_wait3A_29, %dma_wait3A_30] : memref<131072x128xf32, #tpu.memory_space<hbm>> -> memref<131072x128xf32, #tpu.memory_space<hbm>>
      tpu.wait_indirect_dma semaphore(%arg9 : memref<!tpu.dma_semaphore, #tpu.memory_space<semaphore_mem>>) src(%dma_wait3A_31 : memref<131072x128xf32, #tpu.memory_space<hbm>>) dst(%arg7 : memref<256x128xf32, #tpu.memory_space<vmem>>)
      %mul3A_32 = arith.constant 256 : i32
      %mul3A_33 = arith.muli %mul3A_28, %mul3A_32 : i32
      %add3A_34 = arith.addi %mul3A_6, %mul3A_33 : i32
      "tpu.region"() ({
        %run_scoped3A = tpu.sem_alloc : memref<!tpu.dma_semaphore, #tpu.memory_space<semaphore_mem>>
        %dma_start3A_59 = arith.constant 0 : i32
        %dma_start3A_60 = tpu.memref_slice %arg4[%add3A_34, %dma_start3A_59] : memref<65536x128xf32, #tpu.memory_space<hbm>> -> memref<256x128xf32, #tpu.memory_space<hbm>>
        %dma_start3A_61 = arith.constant 0 : i32
        %dma_start3A_62 = tpu.memref_slice %arg4[%add3A_34, %dma_start3A_61] : memref<65536x128xf32, #tpu.memory_space<hbm>> -> memref<256x128xf32, #tpu.memory_space<hbm>>
        tpu.enqueue_dma source(%arg7 : memref<256x128xf32, #tpu.memory_space<vmem>>) target(%dma_start3A_62 : memref<256x128xf32, #tpu.memory_space<hbm>>) target_semaphore(%run_scoped3A : memref<!tpu.dma_semaphore, #tpu.memory_space<semaphore_mem>>)
        %dma_wait3A_63 = arith.constant 0 : i32
        %dma_wait3A_64 = tpu.memref_slice %arg4[%add3A_34, %dma_wait3A_63] : memref<65536x128xf32, #tpu.memory_space<hbm>> -> memref<256x128xf32, #tpu.memory_space<hbm>>
        %dma_wait3A_65 = arith.constant 0 : i32
        %dma_wait3A_66 = tpu.memref_slice %arg4[%add3A_34, %dma_wait3A_65] : memref<65536x128xf32, #tpu.memory_space<hbm>> -> memref<256x128xf32, #tpu.memory_space<hbm>>
        tpu.wait_dma2 semaphore(%run_scoped3A : memref<!tpu.dma_semaphore, #tpu.memory_space<semaphore_mem>>) src(%arg7 : memref<256x128xf32, #tpu.memory_space<vmem>>) dst(%dma_wait3A_66 : memref<256x128xf32, #tpu.memory_space<hbm>>)
        tpu.yield
      }) : () -> ()
      %add3A_35 = arith.constant 2 : i32
      %add3A_36 = arith.addi %mul3A_28, %add3A_35 : i32
      %mul3A_37 = arith.constant 256 : i32
      %mul3A_38 = arith.muli %add3A_36, %mul3A_37 : i32
      %add3A_39 = arith.addi %add3A_4, %mul3A_38 : i32
      "tpu.region"() ({
        %run_scoped3A = tpu.sem_alloc : memref<!tpu.dma_semaphore, #tpu.memory_space<semaphore_mem>>
        %dma_start3A_59 = tpu.memref_slice %arg3[%add3A_39] : memref<328192xi32, #tpu.memory_space<hbm>> -> memref<256xi32, #tpu.memory_space<hbm>>
        %dma_start3A_60 = tpu.memref_slice %arg3[%add3A_39] : memref<328192xi32, #tpu.memory_space<hbm>> -> memref<256xi32, #tpu.memory_space<hbm>>
        tpu.enqueue_dma source(%dma_start3A_60 : memref<256xi32, #tpu.memory_space<hbm>>) target(%arg5 : memref<256xi32, #tpu.memory_space<vmem>>) target_semaphore(%run_scoped3A : memref<!tpu.dma_semaphore, #tpu.memory_space<semaphore_mem>>)
        %dma_wait3A_61 = tpu.memref_slice %arg3[%add3A_39] : memref<328192xi32, #tpu.memory_space<hbm>> -> memref<256xi32, #tpu.memory_space<hbm>>
        %dma_wait3A_62 = tpu.memref_slice %arg3[%add3A_39] : memref<328192xi32, #tpu.memory_space<hbm>> -> memref<256xi32, #tpu.memory_space<hbm>>
        tpu.wait_dma2 semaphore(%run_scoped3A : memref<!tpu.dma_semaphore, #tpu.memory_space<semaphore_mem>>) src(%dma_wait3A_62 : memref<256xi32, #tpu.memory_space<hbm>>) dst(%arg5 : memref<256xi32, #tpu.memory_space<vmem>>)
        tpu.yield
      }) : () -> ()
      %dma_start3A_40 = arith.constant 0 : i32
      %dma_start3A_41 = arith.constant 0 : i32
      %dma_start3A_42 = tpu.memref_slice %arg2[%dma_start3A_40, %dma_start3A_41] : memref<131072x128xf32, #tpu.memory_space<hbm>> -> memref<131072x128xf32, #tpu.memory_space<hbm>>
      tpu.enqueue_indirect_dma source(%dma_start3A_42 : memref<131072x128xf32, #tpu.memory_space<hbm>>) target(%arg7 : memref<256x128xf32, #tpu.memory_space<vmem>>) offsets(%arg5 : memref<256xi32, #tpu.memory_space<vmem>>) semaphore(%arg9 : memref<!tpu.dma_semaphore, #tpu.memory_space<semaphore_mem>>)
      %dma_wait3A_43 = arith.constant 0 : i32
      %dma_wait3A_44 = arith.constant 0 : i32
      %dma_wait3A_45 = tpu.memref_slice %arg2[%dma_wait3A_43, %dma_wait3A_44] : memref<131072x128xf32, #tpu.memory_space<hbm>> -> memref<131072x128xf32, #tpu.memory_space<hbm>>
      tpu.wait_indirect_dma semaphore(%arg10 : memref<!tpu.dma_semaphore, #tpu.memory_space<semaphore_mem>>) src(%dma_wait3A_45 : memref<131072x128xf32, #tpu.memory_space<hbm>>) dst(%arg8 : memref<256x128xf32, #tpu.memory_space<vmem>>)
      %add3A_46 = arith.constant 1 : i32
      %add3A_47 = arith.addi %mul3A_28, %add3A_46 : i32
      %mul3A_48 = arith.constant 256 : i32
      %mul3A_49 = arith.muli %add3A_47, %mul3A_48 : i32
      %add3A_50 = arith.addi %mul3A_6, %mul3A_49 : i32
      "tpu.region"() ({
        %run_scoped3A = tpu.sem_alloc : memref<!tpu.dma_semaphore, #tpu.memory_space<semaphore_mem>>
        %dma_start3A_59 = arith.constant 0 : i32
        %dma_start3A_60 = tpu.memref_slice %arg4[%add3A_50, %dma_start3A_59] : memref<65536x128xf32, #tpu.memory_space<hbm>> -> memref<256x128xf32, #tpu.memory_space<hbm>>
        %dma_start3A_61 = arith.constant 0 : i32
        %dma_start3A_62 = tpu.memref_slice %arg4[%add3A_50, %dma_start3A_61] : memref<65536x128xf32, #tpu.memory_space<hbm>> -> memref<256x128xf32, #tpu.memory_space<hbm>>
        tpu.enqueue_dma source(%arg8 : memref<256x128xf32, #tpu.memory_space<vmem>>) target(%dma_start3A_62 : memref<256x128xf32, #tpu.memory_space<hbm>>) target_semaphore(%run_scoped3A : memref<!tpu.dma_semaphore, #tpu.memory_space<semaphore_mem>>)
        %dma_wait3A_63 = arith.constant 0 : i32
        %dma_wait3A_64 = tpu.memref_slice %arg4[%add3A_50, %dma_wait3A_63] : memref<65536x128xf32, #tpu.memory_space<hbm>> -> memref<256x128xf32, #tpu.memory_space<hbm>>
        %dma_wait3A_65 = arith.constant 0 : i32
        %dma_wait3A_66 = tpu.memref_slice %arg4[%add3A_50, %dma_wait3A_65] : memref<65536x128xf32, #tpu.memory_space<hbm>> -> memref<256x128xf32, #tpu.memory_space<hbm>>
        tpu.wait_dma2 semaphore(%run_scoped3A : memref<!tpu.dma_semaphore, #tpu.memory_space<semaphore_mem>>) src(%arg8 : memref<256x128xf32, #tpu.memory_space<vmem>>) dst(%dma_wait3A_66 : memref<256x128xf32, #tpu.memory_space<hbm>>)
        tpu.yield
      }) : () -> ()
      %add3A_51 = arith.constant 3 : i32
      %add3A_52 = arith.addi %mul3A_28, %add3A_51 : i32
      %mul3A_53 = arith.constant 256 : i32
      %mul3A_54 = arith.muli %add3A_52, %mul3A_53 : i32
      %add3A_55 = arith.addi %add3A_4, %mul3A_54 : i32
      "tpu.region"() ({
        %run_scoped3A = tpu.sem_alloc : memref<!tpu.dma_semaphore, #tpu.memory_space<semaphore_mem>>
        %dma_start3A_59 = tpu.memref_slice %arg3[%add3A_55] : memref<328192xi32, #tpu.memory_space<hbm>> -> memref<256xi32, #tpu.memory_space<hbm>>
        %dma_start3A_60 = tpu.memref_slice %arg3[%add3A_55] : memref<328192xi32, #tpu.memory_space<hbm>> -> memref<256xi32, #tpu.memory_space<hbm>>
        tpu.enqueue_dma source(%dma_start3A_60 : memref<256xi32, #tpu.memory_space<hbm>>) target(%arg6 : memref<256xi32, #tpu.memory_space<vmem>>) target_semaphore(%run_scoped3A : memref<!tpu.dma_semaphore, #tpu.memory_space<semaphore_mem>>)
        %dma_wait3A_61 = tpu.memref_slice %arg3[%add3A_55] : memref<328192xi32, #tpu.memory_space<hbm>> -> memref<256xi32, #tpu.memory_space<hbm>>
        %dma_wait3A_62 = tpu.memref_slice %arg3[%add3A_55] : memref<328192xi32, #tpu.memory_space<hbm>> -> memref<256xi32, #tpu.memory_space<hbm>>
        tpu.wait_dma2 semaphore(%run_scoped3A : memref<!tpu.dma_semaphore, #tpu.memory_space<semaphore_mem>>) src(%dma_wait3A_62 : memref<256xi32, #tpu.memory_space<hbm>>) dst(%arg6 : memref<256xi32, #tpu.memory_space<vmem>>)
        tpu.yield
      }) : () -> ()
      %dma_start3A_56 = arith.constant 0 : i32
      %dma_start3A_57 = arith.constant 0 : i32
      %dma_start3A_58 = tpu.memref_slice %arg2[%dma_start3A_56, %dma_start3A_57] : memref<131072x128xf32, #tpu.memory_space<hbm>> -> memref<131072x128xf32, #tpu.memory_space<hbm>>
      tpu.enqueue_indirect_dma source(%dma_start3A_58 : memref<131072x128xf32, #tpu.memory_space<hbm>>) target(%arg8 : memref<256x128xf32, #tpu.memory_space<vmem>>) offsets(%arg6 : memref<256xi32, #tpu.memory_space<vmem>>) semaphore(%arg10 : memref<!tpu.dma_semaphore, #tpu.memory_space<semaphore_mem>>)
    }
    %scan3A_20 = arith.constant 4 : i32
    %dma_wait3A = arith.constant 0 : i32
    %dma_wait3A_21 = arith.constant 0 : i32
    %dma_wait3A_22 = tpu.memref_slice %arg2[%dma_wait3A, %dma_wait3A_21] : memref<131072x128xf32, #tpu.memory_space<hbm>> -> memref<131072x128xf32, #tpu.memory_space<hbm>>
    tpu.wait_indirect_dma semaphore(%arg9 : memref<!tpu.dma_semaphore, #tpu.memory_space<semaphore_mem>>) src(%dma_wait3A_22 : memref<131072x128xf32, #tpu.memory_space<hbm>>) dst(%arg7 : memref<256x128xf32, #tpu.memory_space<vmem>>)
    %dma_wait3A_23 = arith.constant 0 : i32
    %dma_wait3A_24 = arith.constant 0 : i32
    %dma_wait3A_25 = tpu.memref_slice %arg2[%dma_wait3A_23, %dma_wait3A_24] : memref<131072x128xf32, #tpu.memory_space<hbm>> -> memref<131072x128xf32, #tpu.memory_space<hbm>>
    tpu.wait_indirect_dma semaphore(%arg10 : memref<!tpu.dma_semaphore, #tpu.memory_space<semaphore_mem>>) src(%dma_wait3A_25 : memref<131072x128xf32, #tpu.memory_space<hbm>>) dst(%arg8 : memref<256x128xf32, #tpu.memory_space<vmem>>)
    return
  }
}

#map = affine_map<(d0, d1) -> (0, 0)>
#map1 = affine_map<(d0, d1) -> (0)>
module attributes {stable_mosaic.version = 14 : i64} {
  func.func @_gather_body(%arg0: i32, %arg1: i32, %arg2: memref<131072x128xf32, #tpu.memory_space<hbm>>, %arg3: memref<328192xi32, #tpu.memory_space<hbm>>, %arg4: memref<65536x128xf32, #tpu.memory_space<hbm>>, %arg5: memref<256xi32, #tpu.memory_space<vmem>>, %arg6: memref<256xi32, #tpu.memory_space<vmem>>, %arg7: memref<256x128xf32, #tpu.memory_space<vmem>>, %arg8: memref<256x128xf32, #tpu.memory_space<vmem>>, %arg9: memref<!tpu.dma_semaphore, #tpu.memory_space<semaphore_mem>>, %arg10: memref<!tpu.dma_semaphore, #tpu.memory_space<semaphore_mem>>) attributes {dimension_semantics = [#tpu.dimension_semantics<core_parallel>, #tpu.dimension_semantics<subcore_parallel>], iteration_bounds = array<i64: 2, 16>, scalar_prefetch = 0 : i64, scratch_operands = 6 : i64, tpu.core_type = #tpu.core_type<sc_vector_subcore>, window_params = [{transform_indices = #map}, {transform_indices = #map1}, {transform_indices = #map}]} {
    %mul3A = arith.constant 2 : i32
    %mul3A_0 = arith.muli %arg1, %mul3A : i32
    %add3A = arith.addi %mul3A_0, %arg0 : i32
    %mul3A_1 = arith.constant 2048 : i32
    %mul3A_2 = arith.muli %add3A, %mul3A_1 : i32
    %add3A_3 = arith.constant 131072 : i32
    %add3A_4 = arith.addi %add3A_3, %mul3A_2 : i32
    %mul3A_5 = arith.constant 2048 : i32
    %mul3A_6 = arith.muli %add3A, %mul3A_5 : i32
    %add3A_7 = arith.constant 0 : i32
    %add3A_8 = arith.addi %add3A_4, %add3A_7 : i32
    "tpu.region"() ({
      %run_scoped3A = tpu.sem_alloc : memref<!tpu.dma_semaphore, #tpu.memory_space<semaphore_mem>>
      %dma_start3A_26 = tpu.memref_slice %arg3[%add3A_8] : memref<328192xi32, #tpu.memory_space<hbm>> -> memref<256xi32, #tpu.memory_space<hbm>>
      %dma_start3A_27 = tpu.memref_slice %arg3[%add3A_8] : memref<328192xi32, #tpu.memory_space<hbm>> -> memref<256xi32, #tpu.memory_space<hbm>>
      tpu.enqueue_dma source(%dma_start3A_27 : memref<256xi32, #tpu.memory_space<hbm>>) target(%arg5 : memref<256xi32, #tpu.memory_space<vmem>>) target_semaphore(%run_scoped3A : memref<!tpu.dma_semaphore, #tpu.memory_space<semaphore_mem>>)
      %dma_wait3A_28 = tpu.memref_slice %arg3[%add3A_8] : memref<328192xi32, #tpu.memory_space<hbm>> -> memref<256xi32, #tpu.memory_space<hbm>>
      %dma_wait3A_29 = tpu.memref_slice %arg3[%add3A_8] : memref<328192xi32, #tpu.memory_space<hbm>> -> memref<256xi32, #tpu.memory_space<hbm>>
      tpu.wait_dma2 semaphore(%run_scoped3A : memref<!tpu.dma_semaphore, #tpu.memory_space<semaphore_mem>>) src(%dma_wait3A_29 : memref<256xi32, #tpu.memory_space<hbm>>) dst(%arg5 : memref<256xi32, #tpu.memory_space<vmem>>)
      tpu.yield
    }) : () -> ()
    %dma_start3A = arith.constant 0 : i32
    %dma_start3A_9 = arith.constant 0 : i32
    %dma_start3A_10 = tpu.memref_slice %arg2[%dma_start3A, %dma_start3A_9] : memref<131072x128xf32, #tpu.memory_space<hbm>> -> memref<131072x128xf32, #tpu.memory_space<hbm>>
    tpu.enqueue_indirect_dma source(%dma_start3A_10 : memref<131072x128xf32, #tpu.memory_space<hbm>>) target(%arg7 : memref<256x128xf32, #tpu.memory_space<vmem>>) offsets(%arg5 : memref<256xi32, #tpu.memory_space<vmem>>) semaphore(%arg9 : memref<!tpu.dma_semaphore, #tpu.memory_space<semaphore_mem>>)
    %add3A_11 = arith.constant 256 : i32
    %add3A_12 = arith.addi %add3A_4, %add3A_11 : i32
    "tpu.region"() ({
      %run_scoped3A = tpu.sem_alloc : memref<!tpu.dma_semaphore, #tpu.memory_space<semaphore_mem>>
      %dma_start3A_26 = tpu.memref_slice %arg3[%add3A_12] : memref<328192xi32, #tpu.memory_space<hbm>> -> memref<256xi32, #tpu.memory_space<hbm>>
      %dma_start3A_27 = tpu.memref_slice %arg3[%add3A_12] : memref<328192xi32, #tpu.memory_space<hbm>> -> memref<256xi32, #tpu.memory_space<hbm>>
      tpu.enqueue_dma source(%dma_start3A_27 : memref<256xi32, #tpu.memory_space<hbm>>) target(%arg6 : memref<256xi32, #tpu.memory_space<vmem>>) target_semaphore(%run_scoped3A : memref<!tpu.dma_semaphore, #tpu.memory_space<semaphore_mem>>)
      %dma_wait3A_28 = tpu.memref_slice %arg3[%add3A_12] : memref<328192xi32, #tpu.memory_space<hbm>> -> memref<256xi32, #tpu.memory_space<hbm>>
      %dma_wait3A_29 = tpu.memref_slice %arg3[%add3A_12] : memref<328192xi32, #tpu.memory_space<hbm>> -> memref<256xi32, #tpu.memory_space<hbm>>
      tpu.wait_dma2 semaphore(%run_scoped3A : memref<!tpu.dma_semaphore, #tpu.memory_space<semaphore_mem>>) src(%dma_wait3A_29 : memref<256xi32, #tpu.memory_space<hbm>>) dst(%arg6 : memref<256xi32, #tpu.memory_space<vmem>>)
      tpu.yield
    }) : () -> ()
    %dma_start3A_13 = arith.constant 0 : i32
    %dma_start3A_14 = arith.constant 0 : i32
    %dma_start3A_15 = tpu.memref_slice %arg2[%dma_start3A_13, %dma_start3A_14] : memref<131072x128xf32, #tpu.memory_space<hbm>> -> memref<131072x128xf32, #tpu.memory_space<hbm>>
    tpu.enqueue_indirect_dma source(%dma_start3A_15 : memref<131072x128xf32, #tpu.memory_space<hbm>>) target(%arg8 : memref<256x128xf32, #tpu.memory_space<vmem>>) offsets(%arg6 : memref<256xi32, #tpu.memory_space<vmem>>) semaphore(%arg10 : memref<!tpu.dma_semaphore, #tpu.memory_space<semaphore_mem>>)
    %scan3A = arith.constant 0 : i32
    %scan3A_16 = arith.constant 0 : i32
    %scan3A_17 = arith.constant 4 : i32
    %scan3A_18 = arith.addi %scan3A_16, %scan3A_17 : i32
    %scan3A_19 = arith.constant 1 : i32
    scf.for %scan3A_26 = %scan3A_16 to %scan3A_18 step %scan3A_19  : i32 {
      %mul3A_27 = arith.constant 2 : i32
      %mul3A_28 = arith.muli %mul3A_27, %scan3A_26 : i32
      %dma_wait3A_29 = arith.constant 0 : i32
      %dma_wait3A_30 = arith.constant 0 : i32
      %dma_wait3A_31 = tpu.memref_slice %arg2[%dma_wait3A_29, %dma_wait3A_30] : memref<131072x128xf32, #tpu.memory_space<hbm>> -> memref<131072x128xf32, #tpu.memory_space<hbm>>
      tpu.wait_indirect_dma semaphore(%arg9 : memref<!tpu.dma_semaphore, #tpu.memory_space<semaphore_mem>>) src(%dma_wait3A_31 : memref<131072x128xf32, #tpu.memory_space<hbm>>) dst(%arg7 : memref<256x128xf32, #tpu.memory_space<vmem>>)
      %mul3A_32 = arith.constant 256 : i32
      %mul3A_33 = arith.muli %mul3A_28, %mul3A_32 : i32
      %add3A_34 = arith.addi %mul3A_6, %mul3A_33 : i32
      "tpu.region"() ({
        %run_scoped3A = tpu.sem_alloc : memref<!tpu.dma_semaphore, #tpu.memory_space<semaphore_mem>>
        %dma_start3A_59 = arith.constant 0 : i32
        %dma_start3A_60 = tpu.memref_slice %arg4[%add3A_34, %dma_start3A_59] : memref<65536x128xf32, #tpu.memory_space<hbm>> -> memref<256x128xf32, #tpu.memory_space<hbm>>
        %dma_start3A_61 = arith.constant 0 : i32
        %dma_start3A_62 = tpu.memref_slice %arg4[%add3A_34, %dma_start3A_61] : memref<65536x128xf32, #tpu.memory_space<hbm>> -> memref<256x128xf32, #tpu.memory_space<hbm>>
        tpu.enqueue_dma source(%arg7 : memref<256x128xf32, #tpu.memory_space<vmem>>) target(%dma_start3A_62 : memref<256x128xf32, #tpu.memory_space<hbm>>) target_semaphore(%run_scoped3A : memref<!tpu.dma_semaphore, #tpu.memory_space<semaphore_mem>>)
        %dma_wait3A_63 = arith.constant 0 : i32
        %dma_wait3A_64 = tpu.memref_slice %arg4[%add3A_34, %dma_wait3A_63] : memref<65536x128xf32, #tpu.memory_space<hbm>> -> memref<256x128xf32, #tpu.memory_space<hbm>>
        %dma_wait3A_65 = arith.constant 0 : i32
        %dma_wait3A_66 = tpu.memref_slice %arg4[%add3A_34, %dma_wait3A_65] : memref<65536x128xf32, #tpu.memory_space<hbm>> -> memref<256x128xf32, #tpu.memory_space<hbm>>
        tpu.wait_dma2 semaphore(%run_scoped3A : memref<!tpu.dma_semaphore, #tpu.memory_space<semaphore_mem>>) src(%arg7 : memref<256x128xf32, #tpu.memory_space<vmem>>) dst(%dma_wait3A_66 : memref<256x128xf32, #tpu.memory_space<hbm>>)
        tpu.yield
      }) : () -> ()
      %add3A_35 = arith.constant 2 : i32
      %add3A_36 = arith.addi %mul3A_28, %add3A_35 : i32
      %mul3A_37 = arith.constant 256 : i32
      %mul3A_38 = arith.muli %add3A_36, %mul3A_37 : i32
      %add3A_39 = arith.addi %add3A_4, %mul3A_38 : i32
      "tpu.region"() ({
        %run_scoped3A = tpu.sem_alloc : memref<!tpu.dma_semaphore, #tpu.memory_space<semaphore_mem>>
        %dma_start3A_59 = tpu.memref_slice %arg3[%add3A_39] : memref<328192xi32, #tpu.memory_space<hbm>> -> memref<256xi32, #tpu.memory_space<hbm>>
        %dma_start3A_60 = tpu.memref_slice %arg3[%add3A_39] : memref<328192xi32, #tpu.memory_space<hbm>> -> memref<256xi32, #tpu.memory_space<hbm>>
        tpu.enqueue_dma source(%dma_start3A_60 : memref<256xi32, #tpu.memory_space<hbm>>) target(%arg5 : memref<256xi32, #tpu.memory_space<vmem>>) target_semaphore(%run_scoped3A : memref<!tpu.dma_semaphore, #tpu.memory_space<semaphore_mem>>)
        %dma_wait3A_61 = tpu.memref_slice %arg3[%add3A_39] : memref<328192xi32, #tpu.memory_space<hbm>> -> memref<256xi32, #tpu.memory_space<hbm>>
        %dma_wait3A_62 = tpu.memref_slice %arg3[%add3A_39] : memref<328192xi32, #tpu.memory_space<hbm>> -> memref<256xi32, #tpu.memory_space<hbm>>
        tpu.wait_dma2 semaphore(%run_scoped3A : memref<!tpu.dma_semaphore, #tpu.memory_space<semaphore_mem>>) src(%dma_wait3A_62 : memref<256xi32, #tpu.memory_space<hbm>>) dst(%arg5 : memref<256xi32, #tpu.memory_space<vmem>>)
        tpu.yield
      }) : () -> ()
      %dma_start3A_40 = arith.constant 0 : i32
      %dma_start3A_41 = arith.constant 0 : i32
      %dma_start3A_42 = tpu.memref_slice %arg2[%dma_start3A_40, %dma_start3A_41] : memref<131072x128xf32, #tpu.memory_space<hbm>> -> memref<131072x128xf32, #tpu.memory_space<hbm>>
      tpu.enqueue_indirect_dma source(%dma_start3A_42 : memref<131072x128xf32, #tpu.memory_space<hbm>>) target(%arg7 : memref<256x128xf32, #tpu.memory_space<vmem>>) offsets(%arg5 : memref<256xi32, #tpu.memory_space<vmem>>) semaphore(%arg9 : memref<!tpu.dma_semaphore, #tpu.memory_space<semaphore_mem>>)
      %dma_wait3A_43 = arith.constant 0 : i32
      %dma_wait3A_44 = arith.constant 0 : i32
      %dma_wait3A_45 = tpu.memref_slice %arg2[%dma_wait3A_43, %dma_wait3A_44] : memref<131072x128xf32, #tpu.memory_space<hbm>> -> memref<131072x128xf32, #tpu.memory_space<hbm>>
      tpu.wait_indirect_dma semaphore(%arg10 : memref<!tpu.dma_semaphore, #tpu.memory_space<semaphore_mem>>) src(%dma_wait3A_45 : memref<131072x128xf32, #tpu.memory_space<hbm>>) dst(%arg8 : memref<256x128xf32, #tpu.memory_space<vmem>>)
      %add3A_46 = arith.constant 1 : i32
      %add3A_47 = arith.addi %mul3A_28, %add3A_46 : i32
      %mul3A_48 = arith.constant 256 : i32
      %mul3A_49 = arith.muli %add3A_47, %mul3A_48 : i32
      %add3A_50 = arith.addi %mul3A_6, %mul3A_49 : i32
      "tpu.region"() ({
        %run_scoped3A = tpu.sem_alloc : memref<!tpu.dma_semaphore, #tpu.memory_space<semaphore_mem>>
        %dma_start3A_59 = arith.constant 0 : i32
        %dma_start3A_60 = tpu.memref_slice %arg4[%add3A_50, %dma_start3A_59] : memref<65536x128xf32, #tpu.memory_space<hbm>> -> memref<256x128xf32, #tpu.memory_space<hbm>>
        %dma_start3A_61 = arith.constant 0 : i32
        %dma_start3A_62 = tpu.memref_slice %arg4[%add3A_50, %dma_start3A_61] : memref<65536x128xf32, #tpu.memory_space<hbm>> -> memref<256x128xf32, #tpu.memory_space<hbm>>
        tpu.enqueue_dma source(%arg8 : memref<256x128xf32, #tpu.memory_space<vmem>>) target(%dma_start3A_62 : memref<256x128xf32, #tpu.memory_space<hbm>>) target_semaphore(%run_scoped3A : memref<!tpu.dma_semaphore, #tpu.memory_space<semaphore_mem>>)
        %dma_wait3A_63 = arith.constant 0 : i32
        %dma_wait3A_64 = tpu.memref_slice %arg4[%add3A_50, %dma_wait3A_63] : memref<65536x128xf32, #tpu.memory_space<hbm>> -> memref<256x128xf32, #tpu.memory_space<hbm>>
        %dma_wait3A_65 = arith.constant 0 : i32
        %dma_wait3A_66 = tpu.memref_slice %arg4[%add3A_50, %dma_wait3A_65] : memref<65536x128xf32, #tpu.memory_space<hbm>> -> memref<256x128xf32, #tpu.memory_space<hbm>>
        tpu.wait_dma2 semaphore(%run_scoped3A : memref<!tpu.dma_semaphore, #tpu.memory_space<semaphore_mem>>) src(%arg8 : memref<256x128xf32, #tpu.memory_space<vmem>>) dst(%dma_wait3A_66 : memref<256x128xf32, #tpu.memory_space<hbm>>)
        tpu.yield
      }) : () -> ()
      %add3A_51 = arith.constant 3 : i32
      %add3A_52 = arith.addi %mul3A_28, %add3A_51 : i32
      %mul3A_53 = arith.constant 256 : i32
      %mul3A_54 = arith.muli %add3A_52, %mul3A_53 : i32
      %add3A_55 = arith.addi %add3A_4, %mul3A_54 : i32
      "tpu.region"() ({
        %run_scoped3A = tpu.sem_alloc : memref<!tpu.dma_semaphore, #tpu.memory_space<semaphore_mem>>
        %dma_start3A_59 = tpu.memref_slice %arg3[%add3A_55] : memref<328192xi32, #tpu.memory_space<hbm>> -> memref<256xi32, #tpu.memory_space<hbm>>
        %dma_start3A_60 = tpu.memref_slice %arg3[%add3A_55] : memref<328192xi32, #tpu.memory_space<hbm>> -> memref<256xi32, #tpu.memory_space<hbm>>
        tpu.enqueue_dma source(%dma_start3A_60 : memref<256xi32, #tpu.memory_space<hbm>>) target(%arg6 : memref<256xi32, #tpu.memory_space<vmem>>) target_semaphore(%run_scoped3A : memref<!tpu.dma_semaphore, #tpu.memory_space<semaphore_mem>>)
        %dma_wait3A_61 = tpu.memref_slice %arg3[%add3A_55] : memref<328192xi32, #tpu.memory_space<hbm>> -> memref<256xi32, #tpu.memory_space<hbm>>
        %dma_wait3A_62 = tpu.memref_slice %arg3[%add3A_55] : memref<328192xi32, #tpu.memory_space<hbm>> -> memref<256xi32, #tpu.memory_space<hbm>>
        tpu.wait_dma2 semaphore(%run_scoped3A : memref<!tpu.dma_semaphore, #tpu.memory_space<semaphore_mem>>) src(%dma_wait3A_62 : memref<256xi32, #tpu.memory_space<hbm>>) dst(%arg6 : memref<256xi32, #tpu.memory_space<vmem>>)
        tpu.yield
      }) : () -> ()
      %dma_start3A_56 = arith.constant 0 : i32
      %dma_start3A_57 = arith.constant 0 : i32
      %dma_start3A_58 = tpu.memref_slice %arg2[%dma_start3A_56, %dma_start3A_57] : memref<131072x128xf32, #tpu.memory_space<hbm>> -> memref<131072x128xf32, #tpu.memory_space<hbm>>
      tpu.enqueue_indirect_dma source(%dma_start3A_58 : memref<131072x128xf32, #tpu.memory_space<hbm>>) target(%arg8 : memref<256x128xf32, #tpu.memory_space<vmem>>) offsets(%arg6 : memref<256xi32, #tpu.memory_space<vmem>>) semaphore(%arg10 : memref<!tpu.dma_semaphore, #tpu.memory_space<semaphore_mem>>)
    }
    %scan3A_20 = arith.constant 4 : i32
    %dma_wait3A = arith.constant 0 : i32
    %dma_wait3A_21 = arith.constant 0 : i32
    %dma_wait3A_22 = tpu.memref_slice %arg2[%dma_wait3A, %dma_wait3A_21] : memref<131072x128xf32, #tpu.memory_space<hbm>> -> memref<131072x128xf32, #tpu.memory_space<hbm>>
    tpu.wait_indirect_dma semaphore(%arg9 : memref<!tpu.dma_semaphore, #tpu.memory_space<semaphore_mem>>) src(%dma_wait3A_22 : memref<131072x128xf32, #tpu.memory_space<hbm>>) dst(%arg7 : memref<256x128xf32, #tpu.memory_space<vmem>>)
    %dma_wait3A_23 = arith.constant 0 : i32
    %dma_wait3A_24 = arith.constant 0 : i32
    %dma_wait3A_25 = tpu.memref_slice %arg2[%dma_wait3A_23, %dma_wait3A_24] : memref<131072x128xf32, #tpu.memory_space<hbm>> -> memref<131072x128xf32, #tpu.memory_space<hbm>>
    tpu.wait_indirect_dma semaphore(%arg10 : memref<!tpu.dma_semaphore, #tpu.memory_space<semaphore_mem>>) src(%dma_wait3A_25 : memref<131072x128xf32, #tpu.memory_space<hbm>>) dst(%arg8 : memref<256x128xf32, #tpu.memory_space<vmem>>)
    return
  }
}

#map = affine_map<(d0, d1) -> (0, 0)>
#map1 = affine_map<(d0, d1) -> (0)>
module attributes {stable_mosaic.version = 14 : i64} {
  func.func @_gather_body(%arg0: i32, %arg1: i32, %arg2: memref<131072x128xf32, #tpu.memory_space<hbm>>, %arg3: memref<328192xi32, #tpu.memory_space<hbm>>, %arg4: memref<65536x128xf32, #tpu.memory_space<hbm>>, %arg5: memref<256xi32, #tpu.memory_space<vmem>>, %arg6: memref<256xi32, #tpu.memory_space<vmem>>, %arg7: memref<256x128xf32, #tpu.memory_space<vmem>>, %arg8: memref<256x128xf32, #tpu.memory_space<vmem>>, %arg9: memref<!tpu.dma_semaphore, #tpu.memory_space<semaphore_mem>>, %arg10: memref<!tpu.dma_semaphore, #tpu.memory_space<semaphore_mem>>) attributes {dimension_semantics = [#tpu.dimension_semantics<core_parallel>, #tpu.dimension_semantics<subcore_parallel>], iteration_bounds = array<i64: 2, 16>, scalar_prefetch = 0 : i64, scratch_operands = 6 : i64, tpu.core_type = #tpu.core_type<sc_vector_subcore>, window_params = [{transform_indices = #map}, {transform_indices = #map1}, {transform_indices = #map}]} {
    %mul3A = arith.constant 2 : i32
    %mul3A_0 = arith.muli %arg1, %mul3A : i32
    %add3A = arith.addi %mul3A_0, %arg0 : i32
    %mul3A_1 = arith.constant 2048 : i32
    %mul3A_2 = arith.muli %add3A, %mul3A_1 : i32
    %add3A_3 = arith.constant 196608 : i32
    %add3A_4 = arith.addi %add3A_3, %mul3A_2 : i32
    %mul3A_5 = arith.constant 2048 : i32
    %mul3A_6 = arith.muli %add3A, %mul3A_5 : i32
    %add3A_7 = arith.constant 0 : i32
    %add3A_8 = arith.addi %add3A_4, %add3A_7 : i32
    "tpu.region"() ({
      %run_scoped3A = tpu.sem_alloc : memref<!tpu.dma_semaphore, #tpu.memory_space<semaphore_mem>>
      %dma_start3A_26 = tpu.memref_slice %arg3[%add3A_8] : memref<328192xi32, #tpu.memory_space<hbm>> -> memref<256xi32, #tpu.memory_space<hbm>>
      %dma_start3A_27 = tpu.memref_slice %arg3[%add3A_8] : memref<328192xi32, #tpu.memory_space<hbm>> -> memref<256xi32, #tpu.memory_space<hbm>>
      tpu.enqueue_dma source(%dma_start3A_27 : memref<256xi32, #tpu.memory_space<hbm>>) target(%arg5 : memref<256xi32, #tpu.memory_space<vmem>>) target_semaphore(%run_scoped3A : memref<!tpu.dma_semaphore, #tpu.memory_space<semaphore_mem>>)
      %dma_wait3A_28 = tpu.memref_slice %arg3[%add3A_8] : memref<328192xi32, #tpu.memory_space<hbm>> -> memref<256xi32, #tpu.memory_space<hbm>>
      %dma_wait3A_29 = tpu.memref_slice %arg3[%add3A_8] : memref<328192xi32, #tpu.memory_space<hbm>> -> memref<256xi32, #tpu.memory_space<hbm>>
      tpu.wait_dma2 semaphore(%run_scoped3A : memref<!tpu.dma_semaphore, #tpu.memory_space<semaphore_mem>>) src(%dma_wait3A_29 : memref<256xi32, #tpu.memory_space<hbm>>) dst(%arg5 : memref<256xi32, #tpu.memory_space<vmem>>)
      tpu.yield
    }) : () -> ()
    %dma_start3A = arith.constant 0 : i32
    %dma_start3A_9 = arith.constant 0 : i32
    %dma_start3A_10 = tpu.memref_slice %arg2[%dma_start3A, %dma_start3A_9] : memref<131072x128xf32, #tpu.memory_space<hbm>> -> memref<131072x128xf32, #tpu.memory_space<hbm>>
    tpu.enqueue_indirect_dma source(%dma_start3A_10 : memref<131072x128xf32, #tpu.memory_space<hbm>>) target(%arg7 : memref<256x128xf32, #tpu.memory_space<vmem>>) offsets(%arg5 : memref<256xi32, #tpu.memory_space<vmem>>) semaphore(%arg9 : memref<!tpu.dma_semaphore, #tpu.memory_space<semaphore_mem>>)
    %add3A_11 = arith.constant 256 : i32
    %add3A_12 = arith.addi %add3A_4, %add3A_11 : i32
    "tpu.region"() ({
      %run_scoped3A = tpu.sem_alloc : memref<!tpu.dma_semaphore, #tpu.memory_space<semaphore_mem>>
      %dma_start3A_26 = tpu.memref_slice %arg3[%add3A_12] : memref<328192xi32, #tpu.memory_space<hbm>> -> memref<256xi32, #tpu.memory_space<hbm>>
      %dma_start3A_27 = tpu.memref_slice %arg3[%add3A_12] : memref<328192xi32, #tpu.memory_space<hbm>> -> memref<256xi32, #tpu.memory_space<hbm>>
      tpu.enqueue_dma source(%dma_start3A_27 : memref<256xi32, #tpu.memory_space<hbm>>) target(%arg6 : memref<256xi32, #tpu.memory_space<vmem>>) target_semaphore(%run_scoped3A : memref<!tpu.dma_semaphore, #tpu.memory_space<semaphore_mem>>)
      %dma_wait3A_28 = tpu.memref_slice %arg3[%add3A_12] : memref<328192xi32, #tpu.memory_space<hbm>> -> memref<256xi32, #tpu.memory_space<hbm>>
      %dma_wait3A_29 = tpu.memref_slice %arg3[%add3A_12] : memref<328192xi32, #tpu.memory_space<hbm>> -> memref<256xi32, #tpu.memory_space<hbm>>
      tpu.wait_dma2 semaphore(%run_scoped3A : memref<!tpu.dma_semaphore, #tpu.memory_space<semaphore_mem>>) src(%dma_wait3A_29 : memref<256xi32, #tpu.memory_space<hbm>>) dst(%arg6 : memref<256xi32, #tpu.memory_space<vmem>>)
      tpu.yield
    }) : () -> ()
    %dma_start3A_13 = arith.constant 0 : i32
    %dma_start3A_14 = arith.constant 0 : i32
    %dma_start3A_15 = tpu.memref_slice %arg2[%dma_start3A_13, %dma_start3A_14] : memref<131072x128xf32, #tpu.memory_space<hbm>> -> memref<131072x128xf32, #tpu.memory_space<hbm>>
    tpu.enqueue_indirect_dma source(%dma_start3A_15 : memref<131072x128xf32, #tpu.memory_space<hbm>>) target(%arg8 : memref<256x128xf32, #tpu.memory_space<vmem>>) offsets(%arg6 : memref<256xi32, #tpu.memory_space<vmem>>) semaphore(%arg10 : memref<!tpu.dma_semaphore, #tpu.memory_space<semaphore_mem>>)
    %scan3A = arith.constant 0 : i32
    %scan3A_16 = arith.constant 0 : i32
    %scan3A_17 = arith.constant 4 : i32
    %scan3A_18 = arith.addi %scan3A_16, %scan3A_17 : i32
    %scan3A_19 = arith.constant 1 : i32
    scf.for %scan3A_26 = %scan3A_16 to %scan3A_18 step %scan3A_19  : i32 {
      %mul3A_27 = arith.constant 2 : i32
      %mul3A_28 = arith.muli %mul3A_27, %scan3A_26 : i32
      %dma_wait3A_29 = arith.constant 0 : i32
      %dma_wait3A_30 = arith.constant 0 : i32
      %dma_wait3A_31 = tpu.memref_slice %arg2[%dma_wait3A_29, %dma_wait3A_30] : memref<131072x128xf32, #tpu.memory_space<hbm>> -> memref<131072x128xf32, #tpu.memory_space<hbm>>
      tpu.wait_indirect_dma semaphore(%arg9 : memref<!tpu.dma_semaphore, #tpu.memory_space<semaphore_mem>>) src(%dma_wait3A_31 : memref<131072x128xf32, #tpu.memory_space<hbm>>) dst(%arg7 : memref<256x128xf32, #tpu.memory_space<vmem>>)
      %mul3A_32 = arith.constant 256 : i32
      %mul3A_33 = arith.muli %mul3A_28, %mul3A_32 : i32
      %add3A_34 = arith.addi %mul3A_6, %mul3A_33 : i32
      "tpu.region"() ({
        %run_scoped3A = tpu.sem_alloc : memref<!tpu.dma_semaphore, #tpu.memory_space<semaphore_mem>>
        %dma_start3A_59 = arith.constant 0 : i32
        %dma_start3A_60 = tpu.memref_slice %arg4[%add3A_34, %dma_start3A_59] : memref<65536x128xf32, #tpu.memory_space<hbm>> -> memref<256x128xf32, #tpu.memory_space<hbm>>
        %dma_start3A_61 = arith.constant 0 : i32
        %dma_start3A_62 = tpu.memref_slice %arg4[%add3A_34, %dma_start3A_61] : memref<65536x128xf32, #tpu.memory_space<hbm>> -> memref<256x128xf32, #tpu.memory_space<hbm>>
        tpu.enqueue_dma source(%arg7 : memref<256x128xf32, #tpu.memory_space<vmem>>) target(%dma_start3A_62 : memref<256x128xf32, #tpu.memory_space<hbm>>) target_semaphore(%run_scoped3A : memref<!tpu.dma_semaphore, #tpu.memory_space<semaphore_mem>>)
        %dma_wait3A_63 = arith.constant 0 : i32
        %dma_wait3A_64 = tpu.memref_slice %arg4[%add3A_34, %dma_wait3A_63] : memref<65536x128xf32, #tpu.memory_space<hbm>> -> memref<256x128xf32, #tpu.memory_space<hbm>>
        %dma_wait3A_65 = arith.constant 0 : i32
        %dma_wait3A_66 = tpu.memref_slice %arg4[%add3A_34, %dma_wait3A_65] : memref<65536x128xf32, #tpu.memory_space<hbm>> -> memref<256x128xf32, #tpu.memory_space<hbm>>
        tpu.wait_dma2 semaphore(%run_scoped3A : memref<!tpu.dma_semaphore, #tpu.memory_space<semaphore_mem>>) src(%arg7 : memref<256x128xf32, #tpu.memory_space<vmem>>) dst(%dma_wait3A_66 : memref<256x128xf32, #tpu.memory_space<hbm>>)
        tpu.yield
      }) : () -> ()
      %add3A_35 = arith.constant 2 : i32
      %add3A_36 = arith.addi %mul3A_28, %add3A_35 : i32
      %mul3A_37 = arith.constant 256 : i32
      %mul3A_38 = arith.muli %add3A_36, %mul3A_37 : i32
      %add3A_39 = arith.addi %add3A_4, %mul3A_38 : i32
      "tpu.region"() ({
        %run_scoped3A = tpu.sem_alloc : memref<!tpu.dma_semaphore, #tpu.memory_space<semaphore_mem>>
        %dma_start3A_59 = tpu.memref_slice %arg3[%add3A_39] : memref<328192xi32, #tpu.memory_space<hbm>> -> memref<256xi32, #tpu.memory_space<hbm>>
        %dma_start3A_60 = tpu.memref_slice %arg3[%add3A_39] : memref<328192xi32, #tpu.memory_space<hbm>> -> memref<256xi32, #tpu.memory_space<hbm>>
        tpu.enqueue_dma source(%dma_start3A_60 : memref<256xi32, #tpu.memory_space<hbm>>) target(%arg5 : memref<256xi32, #tpu.memory_space<vmem>>) target_semaphore(%run_scoped3A : memref<!tpu.dma_semaphore, #tpu.memory_space<semaphore_mem>>)
        %dma_wait3A_61 = tpu.memref_slice %arg3[%add3A_39] : memref<328192xi32, #tpu.memory_space<hbm>> -> memref<256xi32, #tpu.memory_space<hbm>>
        %dma_wait3A_62 = tpu.memref_slice %arg3[%add3A_39] : memref<328192xi32, #tpu.memory_space<hbm>> -> memref<256xi32, #tpu.memory_space<hbm>>
        tpu.wait_dma2 semaphore(%run_scoped3A : memref<!tpu.dma_semaphore, #tpu.memory_space<semaphore_mem>>) src(%dma_wait3A_62 : memref<256xi32, #tpu.memory_space<hbm>>) dst(%arg5 : memref<256xi32, #tpu.memory_space<vmem>>)
        tpu.yield
      }) : () -> ()
      %dma_start3A_40 = arith.constant 0 : i32
      %dma_start3A_41 = arith.constant 0 : i32
      %dma_start3A_42 = tpu.memref_slice %arg2[%dma_start3A_40, %dma_start3A_41] : memref<131072x128xf32, #tpu.memory_space<hbm>> -> memref<131072x128xf32, #tpu.memory_space<hbm>>
      tpu.enqueue_indirect_dma source(%dma_start3A_42 : memref<131072x128xf32, #tpu.memory_space<hbm>>) target(%arg7 : memref<256x128xf32, #tpu.memory_space<vmem>>) offsets(%arg5 : memref<256xi32, #tpu.memory_space<vmem>>) semaphore(%arg9 : memref<!tpu.dma_semaphore, #tpu.memory_space<semaphore_mem>>)
      %dma_wait3A_43 = arith.constant 0 : i32
      %dma_wait3A_44 = arith.constant 0 : i32
      %dma_wait3A_45 = tpu.memref_slice %arg2[%dma_wait3A_43, %dma_wait3A_44] : memref<131072x128xf32, #tpu.memory_space<hbm>> -> memref<131072x128xf32, #tpu.memory_space<hbm>>
      tpu.wait_indirect_dma semaphore(%arg10 : memref<!tpu.dma_semaphore, #tpu.memory_space<semaphore_mem>>) src(%dma_wait3A_45 : memref<131072x128xf32, #tpu.memory_space<hbm>>) dst(%arg8 : memref<256x128xf32, #tpu.memory_space<vmem>>)
      %add3A_46 = arith.constant 1 : i32
      %add3A_47 = arith.addi %mul3A_28, %add3A_46 : i32
      %mul3A_48 = arith.constant 256 : i32
      %mul3A_49 = arith.muli %add3A_47, %mul3A_48 : i32
      %add3A_50 = arith.addi %mul3A_6, %mul3A_49 : i32
      "tpu.region"() ({
        %run_scoped3A = tpu.sem_alloc : memref<!tpu.dma_semaphore, #tpu.memory_space<semaphore_mem>>
        %dma_start3A_59 = arith.constant 0 : i32
        %dma_start3A_60 = tpu.memref_slice %arg4[%add3A_50, %dma_start3A_59] : memref<65536x128xf32, #tpu.memory_space<hbm>> -> memref<256x128xf32, #tpu.memory_space<hbm>>
        %dma_start3A_61 = arith.constant 0 : i32
        %dma_start3A_62 = tpu.memref_slice %arg4[%add3A_50, %dma_start3A_61] : memref<65536x128xf32, #tpu.memory_space<hbm>> -> memref<256x128xf32, #tpu.memory_space<hbm>>
        tpu.enqueue_dma source(%arg8 : memref<256x128xf32, #tpu.memory_space<vmem>>) target(%dma_start3A_62 : memref<256x128xf32, #tpu.memory_space<hbm>>) target_semaphore(%run_scoped3A : memref<!tpu.dma_semaphore, #tpu.memory_space<semaphore_mem>>)
        %dma_wait3A_63 = arith.constant 0 : i32
        %dma_wait3A_64 = tpu.memref_slice %arg4[%add3A_50, %dma_wait3A_63] : memref<65536x128xf32, #tpu.memory_space<hbm>> -> memref<256x128xf32, #tpu.memory_space<hbm>>
        %dma_wait3A_65 = arith.constant 0 : i32
        %dma_wait3A_66 = tpu.memref_slice %arg4[%add3A_50, %dma_wait3A_65] : memref<65536x128xf32, #tpu.memory_space<hbm>> -> memref<256x128xf32, #tpu.memory_space<hbm>>
        tpu.wait_dma2 semaphore(%run_scoped3A : memref<!tpu.dma_semaphore, #tpu.memory_space<semaphore_mem>>) src(%arg8 : memref<256x128xf32, #tpu.memory_space<vmem>>) dst(%dma_wait3A_66 : memref<256x128xf32, #tpu.memory_space<hbm>>)
        tpu.yield
      }) : () -> ()
      %add3A_51 = arith.constant 3 : i32
      %add3A_52 = arith.addi %mul3A_28, %add3A_51 : i32
      %mul3A_53 = arith.constant 256 : i32
      %mul3A_54 = arith.muli %add3A_52, %mul3A_53 : i32
      %add3A_55 = arith.addi %add3A_4, %mul3A_54 : i32
      "tpu.region"() ({
        %run_scoped3A = tpu.sem_alloc : memref<!tpu.dma_semaphore, #tpu.memory_space<semaphore_mem>>
        %dma_start3A_59 = tpu.memref_slice %arg3[%add3A_55] : memref<328192xi32, #tpu.memory_space<hbm>> -> memref<256xi32, #tpu.memory_space<hbm>>
        %dma_start3A_60 = tpu.memref_slice %arg3[%add3A_55] : memref<328192xi32, #tpu.memory_space<hbm>> -> memref<256xi32, #tpu.memory_space<hbm>>
        tpu.enqueue_dma source(%dma_start3A_60 : memref<256xi32, #tpu.memory_space<hbm>>) target(%arg6 : memref<256xi32, #tpu.memory_space<vmem>>) target_semaphore(%run_scoped3A : memref<!tpu.dma_semaphore, #tpu.memory_space<semaphore_mem>>)
        %dma_wait3A_61 = tpu.memref_slice %arg3[%add3A_55] : memref<328192xi32, #tpu.memory_space<hbm>> -> memref<256xi32, #tpu.memory_space<hbm>>
        %dma_wait3A_62 = tpu.memref_slice %arg3[%add3A_55] : memref<328192xi32, #tpu.memory_space<hbm>> -> memref<256xi32, #tpu.memory_space<hbm>>
        tpu.wait_dma2 semaphore(%run_scoped3A : memref<!tpu.dma_semaphore, #tpu.memory_space<semaphore_mem>>) src(%dma_wait3A_62 : memref<256xi32, #tpu.memory_space<hbm>>) dst(%arg6 : memref<256xi32, #tpu.memory_space<vmem>>)
        tpu.yield
      }) : () -> ()
      %dma_start3A_56 = arith.constant 0 : i32
      %dma_start3A_57 = arith.constant 0 : i32
      %dma_start3A_58 = tpu.memref_slice %arg2[%dma_start3A_56, %dma_start3A_57] : memref<131072x128xf32, #tpu.memory_space<hbm>> -> memref<131072x128xf32, #tpu.memory_space<hbm>>
      tpu.enqueue_indirect_dma source(%dma_start3A_58 : memref<131072x128xf32, #tpu.memory_space<hbm>>) target(%arg8 : memref<256x128xf32, #tpu.memory_space<vmem>>) offsets(%arg6 : memref<256xi32, #tpu.memory_space<vmem>>) semaphore(%arg10 : memref<!tpu.dma_semaphore, #tpu.memory_space<semaphore_mem>>)
    }
    %scan3A_20 = arith.constant 4 : i32
    %dma_wait3A = arith.constant 0 : i32
    %dma_wait3A_21 = arith.constant 0 : i32
    %dma_wait3A_22 = tpu.memref_slice %arg2[%dma_wait3A, %dma_wait3A_21] : memref<131072x128xf32, #tpu.memory_space<hbm>> -> memref<131072x128xf32, #tpu.memory_space<hbm>>
    tpu.wait_indirect_dma semaphore(%arg9 : memref<!tpu.dma_semaphore, #tpu.memory_space<semaphore_mem>>) src(%dma_wait3A_22 : memref<131072x128xf32, #tpu.memory_space<hbm>>) dst(%arg7 : memref<256x128xf32, #tpu.memory_space<vmem>>)
    %dma_wait3A_23 = arith.constant 0 : i32
    %dma_wait3A_24 = arith.constant 0 : i32
    %dma_wait3A_25 = tpu.memref_slice %arg2[%dma_wait3A_23, %dma_wait3A_24] : memref<131072x128xf32, #tpu.memory_space<hbm>> -> memref<131072x128xf32, #tpu.memory_space<hbm>>
    tpu.wait_indirect_dma semaphore(%arg10 : memref<!tpu.dma_semaphore, #tpu.memory_space<semaphore_mem>>) src(%dma_wait3A_25 : memref<131072x128xf32, #tpu.memory_space<hbm>>) dst(%arg8 : memref<256x128xf32, #tpu.memory_space<vmem>>)
    return
  }
}

#map = affine_map<(d0, d1) -> (0, 0)>
#map1 = affine_map<(d0, d1) -> (0)>
module attributes {stable_mosaic.version = 14 : i64} {
  func.func @_gather_body(%arg0: i32, %arg1: i32, %arg2: memref<131072x128xf32, #tpu.memory_space<hbm>>, %arg3: memref<328192xi32, #tpu.memory_space<hbm>>, %arg4: memref<65536x128xf32, #tpu.memory_space<hbm>>, %arg5: memref<256xi32, #tpu.memory_space<vmem>>, %arg6: memref<256xi32, #tpu.memory_space<vmem>>, %arg7: memref<256x128xf32, #tpu.memory_space<vmem>>, %arg8: memref<256x128xf32, #tpu.memory_space<vmem>>, %arg9: memref<!tpu.dma_semaphore, #tpu.memory_space<semaphore_mem>>, %arg10: memref<!tpu.dma_semaphore, #tpu.memory_space<semaphore_mem>>) attributes {dimension_semantics = [#tpu.dimension_semantics<core_parallel>, #tpu.dimension_semantics<subcore_parallel>], iteration_bounds = array<i64: 2, 16>, scalar_prefetch = 0 : i64, scratch_operands = 6 : i64, tpu.core_type = #tpu.core_type<sc_vector_subcore>, window_params = [{transform_indices = #map}, {transform_indices = #map1}, {transform_indices = #map}]} {
    %mul3A = arith.constant 2 : i32
    %mul3A_0 = arith.muli %arg1, %mul3A : i32
    %add3A = arith.addi %mul3A_0, %arg0 : i32
    %mul3A_1 = arith.constant 2048 : i32
    %mul3A_2 = arith.muli %add3A, %mul3A_1 : i32
    %add3A_3 = arith.constant 65536 : i32
    %add3A_4 = arith.addi %add3A_3, %mul3A_2 : i32
    %mul3A_5 = arith.constant 2048 : i32
    %mul3A_6 = arith.muli %add3A, %mul3A_5 : i32
    %add3A_7 = arith.constant 0 : i32
    %add3A_8 = arith.addi %add3A_4, %add3A_7 : i32
    "tpu.region"() ({
      %run_scoped3A = tpu.sem_alloc : memref<!tpu.dma_semaphore, #tpu.memory_space<semaphore_mem>>
      %dma_start3A_26 = tpu.memref_slice %arg3[%add3A_8] : memref<328192xi32, #tpu.memory_space<hbm>> -> memref<256xi32, #tpu.memory_space<hbm>>
      %dma_start3A_27 = tpu.memref_slice %arg3[%add3A_8] : memref<328192xi32, #tpu.memory_space<hbm>> -> memref<256xi32, #tpu.memory_space<hbm>>
      tpu.enqueue_dma source(%dma_start3A_27 : memref<256xi32, #tpu.memory_space<hbm>>) target(%arg5 : memref<256xi32, #tpu.memory_space<vmem>>) target_semaphore(%run_scoped3A : memref<!tpu.dma_semaphore, #tpu.memory_space<semaphore_mem>>)
      %dma_wait3A_28 = tpu.memref_slice %arg3[%add3A_8] : memref<328192xi32, #tpu.memory_space<hbm>> -> memref<256xi32, #tpu.memory_space<hbm>>
      %dma_wait3A_29 = tpu.memref_slice %arg3[%add3A_8] : memref<328192xi32, #tpu.memory_space<hbm>> -> memref<256xi32, #tpu.memory_space<hbm>>
      tpu.wait_dma2 semaphore(%run_scoped3A : memref<!tpu.dma_semaphore, #tpu.memory_space<semaphore_mem>>) src(%dma_wait3A_29 : memref<256xi32, #tpu.memory_space<hbm>>) dst(%arg5 : memref<256xi32, #tpu.memory_space<vmem>>)
      tpu.yield
    }) : () -> ()
    %dma_start3A = arith.constant 0 : i32
    %dma_start3A_9 = arith.constant 0 : i32
    %dma_start3A_10 = tpu.memref_slice %arg2[%dma_start3A, %dma_start3A_9] : memref<131072x128xf32, #tpu.memory_space<hbm>> -> memref<131072x128xf32, #tpu.memory_space<hbm>>
    tpu.enqueue_indirect_dma source(%dma_start3A_10 : memref<131072x128xf32, #tpu.memory_space<hbm>>) target(%arg7 : memref<256x128xf32, #tpu.memory_space<vmem>>) offsets(%arg5 : memref<256xi32, #tpu.memory_space<vmem>>) semaphore(%arg9 : memref<!tpu.dma_semaphore, #tpu.memory_space<semaphore_mem>>)
    %add3A_11 = arith.constant 256 : i32
    %add3A_12 = arith.addi %add3A_4, %add3A_11 : i32
    "tpu.region"() ({
      %run_scoped3A = tpu.sem_alloc : memref<!tpu.dma_semaphore, #tpu.memory_space<semaphore_mem>>
      %dma_start3A_26 = tpu.memref_slice %arg3[%add3A_12] : memref<328192xi32, #tpu.memory_space<hbm>> -> memref<256xi32, #tpu.memory_space<hbm>>
      %dma_start3A_27 = tpu.memref_slice %arg3[%add3A_12] : memref<328192xi32, #tpu.memory_space<hbm>> -> memref<256xi32, #tpu.memory_space<hbm>>
      tpu.enqueue_dma source(%dma_start3A_27 : memref<256xi32, #tpu.memory_space<hbm>>) target(%arg6 : memref<256xi32, #tpu.memory_space<vmem>>) target_semaphore(%run_scoped3A : memref<!tpu.dma_semaphore, #tpu.memory_space<semaphore_mem>>)
      %dma_wait3A_28 = tpu.memref_slice %arg3[%add3A_12] : memref<328192xi32, #tpu.memory_space<hbm>> -> memref<256xi32, #tpu.memory_space<hbm>>
      %dma_wait3A_29 = tpu.memref_slice %arg3[%add3A_12] : memref<328192xi32, #tpu.memory_space<hbm>> -> memref<256xi32, #tpu.memory_space<hbm>>
      tpu.wait_dma2 semaphore(%run_scoped3A : memref<!tpu.dma_semaphore, #tpu.memory_space<semaphore_mem>>) src(%dma_wait3A_29 : memref<256xi32, #tpu.memory_space<hbm>>) dst(%arg6 : memref<256xi32, #tpu.memory_space<vmem>>)
      tpu.yield
    }) : () -> ()
    %dma_start3A_13 = arith.constant 0 : i32
    %dma_start3A_14 = arith.constant 0 : i32
    %dma_start3A_15 = tpu.memref_slice %arg2[%dma_start3A_13, %dma_start3A_14] : memref<131072x128xf32, #tpu.memory_space<hbm>> -> memref<131072x128xf32, #tpu.memory_space<hbm>>
    tpu.enqueue_indirect_dma source(%dma_start3A_15 : memref<131072x128xf32, #tpu.memory_space<hbm>>) target(%arg8 : memref<256x128xf32, #tpu.memory_space<vmem>>) offsets(%arg6 : memref<256xi32, #tpu.memory_space<vmem>>) semaphore(%arg10 : memref<!tpu.dma_semaphore, #tpu.memory_space<semaphore_mem>>)
    %scan3A = arith.constant 0 : i32
    %scan3A_16 = arith.constant 0 : i32
    %scan3A_17 = arith.constant 4 : i32
    %scan3A_18 = arith.addi %scan3A_16, %scan3A_17 : i32
    %scan3A_19 = arith.constant 1 : i32
    scf.for %scan3A_26 = %scan3A_16 to %scan3A_18 step %scan3A_19  : i32 {
      %mul3A_27 = arith.constant 2 : i32
      %mul3A_28 = arith.muli %mul3A_27, %scan3A_26 : i32
      %dma_wait3A_29 = arith.constant 0 : i32
      %dma_wait3A_30 = arith.constant 0 : i32
      %dma_wait3A_31 = tpu.memref_slice %arg2[%dma_wait3A_29, %dma_wait3A_30] : memref<131072x128xf32, #tpu.memory_space<hbm>> -> memref<131072x128xf32, #tpu.memory_space<hbm>>
      tpu.wait_indirect_dma semaphore(%arg9 : memref<!tpu.dma_semaphore, #tpu.memory_space<semaphore_mem>>) src(%dma_wait3A_31 : memref<131072x128xf32, #tpu.memory_space<hbm>>) dst(%arg7 : memref<256x128xf32, #tpu.memory_space<vmem>>)
      %mul3A_32 = arith.constant 256 : i32
      %mul3A_33 = arith.muli %mul3A_28, %mul3A_32 : i32
      %add3A_34 = arith.addi %mul3A_6, %mul3A_33 : i32
      "tpu.region"() ({
        %run_scoped3A = tpu.sem_alloc : memref<!tpu.dma_semaphore, #tpu.memory_space<semaphore_mem>>
        %dma_start3A_59 = arith.constant 0 : i32
        %dma_start3A_60 = tpu.memref_slice %arg4[%add3A_34, %dma_start3A_59] : memref<65536x128xf32, #tpu.memory_space<hbm>> -> memref<256x128xf32, #tpu.memory_space<hbm>>
        %dma_start3A_61 = arith.constant 0 : i32
        %dma_start3A_62 = tpu.memref_slice %arg4[%add3A_34, %dma_start3A_61] : memref<65536x128xf32, #tpu.memory_space<hbm>> -> memref<256x128xf32, #tpu.memory_space<hbm>>
        tpu.enqueue_dma source(%arg7 : memref<256x128xf32, #tpu.memory_space<vmem>>) target(%dma_start3A_62 : memref<256x128xf32, #tpu.memory_space<hbm>>) target_semaphore(%run_scoped3A : memref<!tpu.dma_semaphore, #tpu.memory_space<semaphore_mem>>)
        %dma_wait3A_63 = arith.constant 0 : i32
        %dma_wait3A_64 = tpu.memref_slice %arg4[%add3A_34, %dma_wait3A_63] : memref<65536x128xf32, #tpu.memory_space<hbm>> -> memref<256x128xf32, #tpu.memory_space<hbm>>
        %dma_wait3A_65 = arith.constant 0 : i32
        %dma_wait3A_66 = tpu.memref_slice %arg4[%add3A_34, %dma_wait3A_65] : memref<65536x128xf32, #tpu.memory_space<hbm>> -> memref<256x128xf32, #tpu.memory_space<hbm>>
        tpu.wait_dma2 semaphore(%run_scoped3A : memref<!tpu.dma_semaphore, #tpu.memory_space<semaphore_mem>>) src(%arg7 : memref<256x128xf32, #tpu.memory_space<vmem>>) dst(%dma_wait3A_66 : memref<256x128xf32, #tpu.memory_space<hbm>>)
        tpu.yield
      }) : () -> ()
      %add3A_35 = arith.constant 2 : i32
      %add3A_36 = arith.addi %mul3A_28, %add3A_35 : i32
      %mul3A_37 = arith.constant 256 : i32
      %mul3A_38 = arith.muli %add3A_36, %mul3A_37 : i32
      %add3A_39 = arith.addi %add3A_4, %mul3A_38 : i32
      "tpu.region"() ({
        %run_scoped3A = tpu.sem_alloc : memref<!tpu.dma_semaphore, #tpu.memory_space<semaphore_mem>>
        %dma_start3A_59 = tpu.memref_slice %arg3[%add3A_39] : memref<328192xi32, #tpu.memory_space<hbm>> -> memref<256xi32, #tpu.memory_space<hbm>>
        %dma_start3A_60 = tpu.memref_slice %arg3[%add3A_39] : memref<328192xi32, #tpu.memory_space<hbm>> -> memref<256xi32, #tpu.memory_space<hbm>>
        tpu.enqueue_dma source(%dma_start3A_60 : memref<256xi32, #tpu.memory_space<hbm>>) target(%arg5 : memref<256xi32, #tpu.memory_space<vmem>>) target_semaphore(%run_scoped3A : memref<!tpu.dma_semaphore, #tpu.memory_space<semaphore_mem>>)
        %dma_wait3A_61 = tpu.memref_slice %arg3[%add3A_39] : memref<328192xi32, #tpu.memory_space<hbm>> -> memref<256xi32, #tpu.memory_space<hbm>>
        %dma_wait3A_62 = tpu.memref_slice %arg3[%add3A_39] : memref<328192xi32, #tpu.memory_space<hbm>> -> memref<256xi32, #tpu.memory_space<hbm>>
        tpu.wait_dma2 semaphore(%run_scoped3A : memref<!tpu.dma_semaphore, #tpu.memory_space<semaphore_mem>>) src(%dma_wait3A_62 : memref<256xi32, #tpu.memory_space<hbm>>) dst(%arg5 : memref<256xi32, #tpu.memory_space<vmem>>)
        tpu.yield
      }) : () -> ()
      %dma_start3A_40 = arith.constant 0 : i32
      %dma_start3A_41 = arith.constant 0 : i32
      %dma_start3A_42 = tpu.memref_slice %arg2[%dma_start3A_40, %dma_start3A_41] : memref<131072x128xf32, #tpu.memory_space<hbm>> -> memref<131072x128xf32, #tpu.memory_space<hbm>>
      tpu.enqueue_indirect_dma source(%dma_start3A_42 : memref<131072x128xf32, #tpu.memory_space<hbm>>) target(%arg7 : memref<256x128xf32, #tpu.memory_space<vmem>>) offsets(%arg5 : memref<256xi32, #tpu.memory_space<vmem>>) semaphore(%arg9 : memref<!tpu.dma_semaphore, #tpu.memory_space<semaphore_mem>>)
      %dma_wait3A_43 = arith.constant 0 : i32
      %dma_wait3A_44 = arith.constant 0 : i32
      %dma_wait3A_45 = tpu.memref_slice %arg2[%dma_wait3A_43, %dma_wait3A_44] : memref<131072x128xf32, #tpu.memory_space<hbm>> -> memref<131072x128xf32, #tpu.memory_space<hbm>>
      tpu.wait_indirect_dma semaphore(%arg10 : memref<!tpu.dma_semaphore, #tpu.memory_space<semaphore_mem>>) src(%dma_wait3A_45 : memref<131072x128xf32, #tpu.memory_space<hbm>>) dst(%arg8 : memref<256x128xf32, #tpu.memory_space<vmem>>)
      %add3A_46 = arith.constant 1 : i32
      %add3A_47 = arith.addi %mul3A_28, %add3A_46 : i32
      %mul3A_48 = arith.constant 256 : i32
      %mul3A_49 = arith.muli %add3A_47, %mul3A_48 : i32
      %add3A_50 = arith.addi %mul3A_6, %mul3A_49 : i32
      "tpu.region"() ({
        %run_scoped3A = tpu.sem_alloc : memref<!tpu.dma_semaphore, #tpu.memory_space<semaphore_mem>>
        %dma_start3A_59 = arith.constant 0 : i32
        %dma_start3A_60 = tpu.memref_slice %arg4[%add3A_50, %dma_start3A_59] : memref<65536x128xf32, #tpu.memory_space<hbm>> -> memref<256x128xf32, #tpu.memory_space<hbm>>
        %dma_start3A_61 = arith.constant 0 : i32
        %dma_start3A_62 = tpu.memref_slice %arg4[%add3A_50, %dma_start3A_61] : memref<65536x128xf32, #tpu.memory_space<hbm>> -> memref<256x128xf32, #tpu.memory_space<hbm>>
        tpu.enqueue_dma source(%arg8 : memref<256x128xf32, #tpu.memory_space<vmem>>) target(%dma_start3A_62 : memref<256x128xf32, #tpu.memory_space<hbm>>) target_semaphore(%run_scoped3A : memref<!tpu.dma_semaphore, #tpu.memory_space<semaphore_mem>>)
        %dma_wait3A_63 = arith.constant 0 : i32
        %dma_wait3A_64 = tpu.memref_slice %arg4[%add3A_50, %dma_wait3A_63] : memref<65536x128xf32, #tpu.memory_space<hbm>> -> memref<256x128xf32, #tpu.memory_space<hbm>>
        %dma_wait3A_65 = arith.constant 0 : i32
        %dma_wait3A_66 = tpu.memref_slice %arg4[%add3A_50, %dma_wait3A_65] : memref<65536x128xf32, #tpu.memory_space<hbm>> -> memref<256x128xf32, #tpu.memory_space<hbm>>
        tpu.wait_dma2 semaphore(%run_scoped3A : memref<!tpu.dma_semaphore, #tpu.memory_space<semaphore_mem>>) src(%arg8 : memref<256x128xf32, #tpu.memory_space<vmem>>) dst(%dma_wait3A_66 : memref<256x128xf32, #tpu.memory_space<hbm>>)
        tpu.yield
      }) : () -> ()
      %add3A_51 = arith.constant 3 : i32
      %add3A_52 = arith.addi %mul3A_28, %add3A_51 : i32
      %mul3A_53 = arith.constant 256 : i32
      %mul3A_54 = arith.muli %add3A_52, %mul3A_53 : i32
      %add3A_55 = arith.addi %add3A_4, %mul3A_54 : i32
      "tpu.region"() ({
        %run_scoped3A = tpu.sem_alloc : memref<!tpu.dma_semaphore, #tpu.memory_space<semaphore_mem>>
        %dma_start3A_59 = tpu.memref_slice %arg3[%add3A_55] : memref<328192xi32, #tpu.memory_space<hbm>> -> memref<256xi32, #tpu.memory_space<hbm>>
        %dma_start3A_60 = tpu.memref_slice %arg3[%add3A_55] : memref<328192xi32, #tpu.memory_space<hbm>> -> memref<256xi32, #tpu.memory_space<hbm>>
        tpu.enqueue_dma source(%dma_start3A_60 : memref<256xi32, #tpu.memory_space<hbm>>) target(%arg6 : memref<256xi32, #tpu.memory_space<vmem>>) target_semaphore(%run_scoped3A : memref<!tpu.dma_semaphore, #tpu.memory_space<semaphore_mem>>)
        %dma_wait3A_61 = tpu.memref_slice %arg3[%add3A_55] : memref<328192xi32, #tpu.memory_space<hbm>> -> memref<256xi32, #tpu.memory_space<hbm>>
        %dma_wait3A_62 = tpu.memref_slice %arg3[%add3A_55] : memref<328192xi32, #tpu.memory_space<hbm>> -> memref<256xi32, #tpu.memory_space<hbm>>
        tpu.wait_dma2 semaphore(%run_scoped3A : memref<!tpu.dma_semaphore, #tpu.memory_space<semaphore_mem>>) src(%dma_wait3A_62 : memref<256xi32, #tpu.memory_space<hbm>>) dst(%arg6 : memref<256xi32, #tpu.memory_space<vmem>>)
        tpu.yield
      }) : () -> ()
      %dma_start3A_56 = arith.constant 0 : i32
      %dma_start3A_57 = arith.constant 0 : i32
      %dma_start3A_58 = tpu.memref_slice %arg2[%dma_start3A_56, %dma_start3A_57] : memref<131072x128xf32, #tpu.memory_space<hbm>> -> memref<131072x128xf32, #tpu.memory_space<hbm>>
      tpu.enqueue_indirect_dma source(%dma_start3A_58 : memref<131072x128xf32, #tpu.memory_space<hbm>>) target(%arg8 : memref<256x128xf32, #tpu.memory_space<vmem>>) offsets(%arg6 : memref<256xi32, #tpu.memory_space<vmem>>) semaphore(%arg10 : memref<!tpu.dma_semaphore, #tpu.memory_space<semaphore_mem>>)
    }
    %scan3A_20 = arith.constant 4 : i32
    %dma_wait3A = arith.constant 0 : i32
    %dma_wait3A_21 = arith.constant 0 : i32
    %dma_wait3A_22 = tpu.memref_slice %arg2[%dma_wait3A, %dma_wait3A_21] : memref<131072x128xf32, #tpu.memory_space<hbm>> -> memref<131072x128xf32, #tpu.memory_space<hbm>>
    tpu.wait_indirect_dma semaphore(%arg9 : memref<!tpu.dma_semaphore, #tpu.memory_space<semaphore_mem>>) src(%dma_wait3A_22 : memref<131072x128xf32, #tpu.memory_space<hbm>>) dst(%arg7 : memref<256x128xf32, #tpu.memory_space<vmem>>)
    %dma_wait3A_23 = arith.constant 0 : i32
    %dma_wait3A_24 = arith.constant 0 : i32
    %dma_wait3A_25 = tpu.memref_slice %arg2[%dma_wait3A_23, %dma_wait3A_24] : memref<131072x128xf32, #tpu.memory_space<hbm>> -> memref<131072x128xf32, #tpu.memory_space<hbm>>
    tpu.wait_indirect_dma semaphore(%arg10 : memref<!tpu.dma_semaphore, #tpu.memory_space<semaphore_mem>>) src(%dma_wait3A_25 : memref<131072x128xf32, #tpu.memory_space<hbm>>) dst(%arg8 : memref<256x128xf32, #tpu.memory_space<vmem>>)
    return
  }
}

#map = affine_map<(d0, d1) -> (0, 0)>
#map1 = affine_map<(d0, d1) -> (0)>
module attributes {stable_mosaic.version = 14 : i64} {
  func.func @_gather_body(%arg0: i32, %arg1: i32, %arg2: memref<131072x128xf32, #tpu.memory_space<hbm>>, %arg3: memref<328192xi32, #tpu.memory_space<hbm>>, %arg4: memref<65536x128xf32, #tpu.memory_space<hbm>>, %arg5: memref<256xi32, #tpu.memory_space<vmem>>, %arg6: memref<256xi32, #tpu.memory_space<vmem>>, %arg7: memref<256x128xf32, #tpu.memory_space<vmem>>, %arg8: memref<256x128xf32, #tpu.memory_space<vmem>>, %arg9: memref<!tpu.dma_semaphore, #tpu.memory_space<semaphore_mem>>, %arg10: memref<!tpu.dma_semaphore, #tpu.memory_space<semaphore_mem>>) attributes {dimension_semantics = [#tpu.dimension_semantics<core_parallel>, #tpu.dimension_semantics<subcore_parallel>], iteration_bounds = array<i64: 2, 16>, scalar_prefetch = 0 : i64, scratch_operands = 6 : i64, tpu.core_type = #tpu.core_type<sc_vector_subcore>, window_params = [{transform_indices = #map}, {transform_indices = #map1}, {transform_indices = #map}]} {
    %mul3A = arith.constant 2 : i32
    %mul3A_0 = arith.muli %arg1, %mul3A : i32
    %add3A = arith.addi %mul3A_0, %arg0 : i32
    %mul3A_1 = arith.constant 2048 : i32
    %mul3A_2 = arith.muli %add3A, %mul3A_1 : i32
    %add3A_3 = arith.constant 262144 : i32
    %add3A_4 = arith.addi %add3A_3, %mul3A_2 : i32
    %mul3A_5 = arith.constant 2048 : i32
    %mul3A_6 = arith.muli %add3A, %mul3A_5 : i32
    %add3A_7 = arith.constant 0 : i32
    %add3A_8 = arith.addi %add3A_4, %add3A_7 : i32
    "tpu.region"() ({
      %run_scoped3A = tpu.sem_alloc : memref<!tpu.dma_semaphore, #tpu.memory_space<semaphore_mem>>
      %dma_start3A_26 = tpu.memref_slice %arg3[%add3A_8] : memref<328192xi32, #tpu.memory_space<hbm>> -> memref<256xi32, #tpu.memory_space<hbm>>
      %dma_start3A_27 = tpu.memref_slice %arg3[%add3A_8] : memref<328192xi32, #tpu.memory_space<hbm>> -> memref<256xi32, #tpu.memory_space<hbm>>
      tpu.enqueue_dma source(%dma_start3A_27 : memref<256xi32, #tpu.memory_space<hbm>>) target(%arg5 : memref<256xi32, #tpu.memory_space<vmem>>) target_semaphore(%run_scoped3A : memref<!tpu.dma_semaphore, #tpu.memory_space<semaphore_mem>>)
      %dma_wait3A_28 = tpu.memref_slice %arg3[%add3A_8] : memref<328192xi32, #tpu.memory_space<hbm>> -> memref<256xi32, #tpu.memory_space<hbm>>
      %dma_wait3A_29 = tpu.memref_slice %arg3[%add3A_8] : memref<328192xi32, #tpu.memory_space<hbm>> -> memref<256xi32, #tpu.memory_space<hbm>>
      tpu.wait_dma2 semaphore(%run_scoped3A : memref<!tpu.dma_semaphore, #tpu.memory_space<semaphore_mem>>) src(%dma_wait3A_29 : memref<256xi32, #tpu.memory_space<hbm>>) dst(%arg5 : memref<256xi32, #tpu.memory_space<vmem>>)
      tpu.yield
    }) : () -> ()
    %dma_start3A = arith.constant 0 : i32
    %dma_start3A_9 = arith.constant 0 : i32
    %dma_start3A_10 = tpu.memref_slice %arg2[%dma_start3A, %dma_start3A_9] : memref<131072x128xf32, #tpu.memory_space<hbm>> -> memref<131072x128xf32, #tpu.memory_space<hbm>>
    tpu.enqueue_indirect_dma source(%dma_start3A_10 : memref<131072x128xf32, #tpu.memory_space<hbm>>) target(%arg7 : memref<256x128xf32, #tpu.memory_space<vmem>>) offsets(%arg5 : memref<256xi32, #tpu.memory_space<vmem>>) semaphore(%arg9 : memref<!tpu.dma_semaphore, #tpu.memory_space<semaphore_mem>>)
    %add3A_11 = arith.constant 256 : i32
    %add3A_12 = arith.addi %add3A_4, %add3A_11 : i32
    "tpu.region"() ({
      %run_scoped3A = tpu.sem_alloc : memref<!tpu.dma_semaphore, #tpu.memory_space<semaphore_mem>>
      %dma_start3A_26 = tpu.memref_slice %arg3[%add3A_12] : memref<328192xi32, #tpu.memory_space<hbm>> -> memref<256xi32, #tpu.memory_space<hbm>>
      %dma_start3A_27 = tpu.memref_slice %arg3[%add3A_12] : memref<328192xi32, #tpu.memory_space<hbm>> -> memref<256xi32, #tpu.memory_space<hbm>>
      tpu.enqueue_dma source(%dma_start3A_27 : memref<256xi32, #tpu.memory_space<hbm>>) target(%arg6 : memref<256xi32, #tpu.memory_space<vmem>>) target_semaphore(%run_scoped3A : memref<!tpu.dma_semaphore, #tpu.memory_space<semaphore_mem>>)
      %dma_wait3A_28 = tpu.memref_slice %arg3[%add3A_12] : memref<328192xi32, #tpu.memory_space<hbm>> -> memref<256xi32, #tpu.memory_space<hbm>>
      %dma_wait3A_29 = tpu.memref_slice %arg3[%add3A_12] : memref<328192xi32, #tpu.memory_space<hbm>> -> memref<256xi32, #tpu.memory_space<hbm>>
      tpu.wait_dma2 semaphore(%run_scoped3A : memref<!tpu.dma_semaphore, #tpu.memory_space<semaphore_mem>>) src(%dma_wait3A_29 : memref<256xi32, #tpu.memory_space<hbm>>) dst(%arg6 : memref<256xi32, #tpu.memory_space<vmem>>)
      tpu.yield
    }) : () -> ()
    %dma_start3A_13 = arith.constant 0 : i32
    %dma_start3A_14 = arith.constant 0 : i32
    %dma_start3A_15 = tpu.memref_slice %arg2[%dma_start3A_13, %dma_start3A_14] : memref<131072x128xf32, #tpu.memory_space<hbm>> -> memref<131072x128xf32, #tpu.memory_space<hbm>>
    tpu.enqueue_indirect_dma source(%dma_start3A_15 : memref<131072x128xf32, #tpu.memory_space<hbm>>) target(%arg8 : memref<256x128xf32, #tpu.memory_space<vmem>>) offsets(%arg6 : memref<256xi32, #tpu.memory_space<vmem>>) semaphore(%arg10 : memref<!tpu.dma_semaphore, #tpu.memory_space<semaphore_mem>>)
    %scan3A = arith.constant 0 : i32
    %scan3A_16 = arith.constant 0 : i32
    %scan3A_17 = arith.constant 4 : i32
    %scan3A_18 = arith.addi %scan3A_16, %scan3A_17 : i32
    %scan3A_19 = arith.constant 1 : i32
    scf.for %scan3A_26 = %scan3A_16 to %scan3A_18 step %scan3A_19  : i32 {
      %mul3A_27 = arith.constant 2 : i32
      %mul3A_28 = arith.muli %mul3A_27, %scan3A_26 : i32
      %dma_wait3A_29 = arith.constant 0 : i32
      %dma_wait3A_30 = arith.constant 0 : i32
      %dma_wait3A_31 = tpu.memref_slice %arg2[%dma_wait3A_29, %dma_wait3A_30] : memref<131072x128xf32, #tpu.memory_space<hbm>> -> memref<131072x128xf32, #tpu.memory_space<hbm>>
      tpu.wait_indirect_dma semaphore(%arg9 : memref<!tpu.dma_semaphore, #tpu.memory_space<semaphore_mem>>) src(%dma_wait3A_31 : memref<131072x128xf32, #tpu.memory_space<hbm>>) dst(%arg7 : memref<256x128xf32, #tpu.memory_space<vmem>>)
      %mul3A_32 = arith.constant 256 : i32
      %mul3A_33 = arith.muli %mul3A_28, %mul3A_32 : i32
      %add3A_34 = arith.addi %mul3A_6, %mul3A_33 : i32
      "tpu.region"() ({
        %run_scoped3A = tpu.sem_alloc : memref<!tpu.dma_semaphore, #tpu.memory_space<semaphore_mem>>
        %dma_start3A_59 = arith.constant 0 : i32
        %dma_start3A_60 = tpu.memref_slice %arg4[%add3A_34, %dma_start3A_59] : memref<65536x128xf32, #tpu.memory_space<hbm>> -> memref<256x128xf32, #tpu.memory_space<hbm>>
        %dma_start3A_61 = arith.constant 0 : i32
        %dma_start3A_62 = tpu.memref_slice %arg4[%add3A_34, %dma_start3A_61] : memref<65536x128xf32, #tpu.memory_space<hbm>> -> memref<256x128xf32, #tpu.memory_space<hbm>>
        tpu.enqueue_dma source(%arg7 : memref<256x128xf32, #tpu.memory_space<vmem>>) target(%dma_start3A_62 : memref<256x128xf32, #tpu.memory_space<hbm>>) target_semaphore(%run_scoped3A : memref<!tpu.dma_semaphore, #tpu.memory_space<semaphore_mem>>)
        %dma_wait3A_63 = arith.constant 0 : i32
        %dma_wait3A_64 = tpu.memref_slice %arg4[%add3A_34, %dma_wait3A_63] : memref<65536x128xf32, #tpu.memory_space<hbm>> -> memref<256x128xf32, #tpu.memory_space<hbm>>
        %dma_wait3A_65 = arith.constant 0 : i32
        %dma_wait3A_66 = tpu.memref_slice %arg4[%add3A_34, %dma_wait3A_65] : memref<65536x128xf32, #tpu.memory_space<hbm>> -> memref<256x128xf32, #tpu.memory_space<hbm>>
        tpu.wait_dma2 semaphore(%run_scoped3A : memref<!tpu.dma_semaphore, #tpu.memory_space<semaphore_mem>>) src(%arg7 : memref<256x128xf32, #tpu.memory_space<vmem>>) dst(%dma_wait3A_66 : memref<256x128xf32, #tpu.memory_space<hbm>>)
        tpu.yield
      }) : () -> ()
      %add3A_35 = arith.constant 2 : i32
      %add3A_36 = arith.addi %mul3A_28, %add3A_35 : i32
      %mul3A_37 = arith.constant 256 : i32
      %mul3A_38 = arith.muli %add3A_36, %mul3A_37 : i32
      %add3A_39 = arith.addi %add3A_4, %mul3A_38 : i32
      "tpu.region"() ({
        %run_scoped3A = tpu.sem_alloc : memref<!tpu.dma_semaphore, #tpu.memory_space<semaphore_mem>>
        %dma_start3A_59 = tpu.memref_slice %arg3[%add3A_39] : memref<328192xi32, #tpu.memory_space<hbm>> -> memref<256xi32, #tpu.memory_space<hbm>>
        %dma_start3A_60 = tpu.memref_slice %arg3[%add3A_39] : memref<328192xi32, #tpu.memory_space<hbm>> -> memref<256xi32, #tpu.memory_space<hbm>>
        tpu.enqueue_dma source(%dma_start3A_60 : memref<256xi32, #tpu.memory_space<hbm>>) target(%arg5 : memref<256xi32, #tpu.memory_space<vmem>>) target_semaphore(%run_scoped3A : memref<!tpu.dma_semaphore, #tpu.memory_space<semaphore_mem>>)
        %dma_wait3A_61 = tpu.memref_slice %arg3[%add3A_39] : memref<328192xi32, #tpu.memory_space<hbm>> -> memref<256xi32, #tpu.memory_space<hbm>>
        %dma_wait3A_62 = tpu.memref_slice %arg3[%add3A_39] : memref<328192xi32, #tpu.memory_space<hbm>> -> memref<256xi32, #tpu.memory_space<hbm>>
        tpu.wait_dma2 semaphore(%run_scoped3A : memref<!tpu.dma_semaphore, #tpu.memory_space<semaphore_mem>>) src(%dma_wait3A_62 : memref<256xi32, #tpu.memory_space<hbm>>) dst(%arg5 : memref<256xi32, #tpu.memory_space<vmem>>)
        tpu.yield
      }) : () -> ()
      %dma_start3A_40 = arith.constant 0 : i32
      %dma_start3A_41 = arith.constant 0 : i32
      %dma_start3A_42 = tpu.memref_slice %arg2[%dma_start3A_40, %dma_start3A_41] : memref<131072x128xf32, #tpu.memory_space<hbm>> -> memref<131072x128xf32, #tpu.memory_space<hbm>>
      tpu.enqueue_indirect_dma source(%dma_start3A_42 : memref<131072x128xf32, #tpu.memory_space<hbm>>) target(%arg7 : memref<256x128xf32, #tpu.memory_space<vmem>>) offsets(%arg5 : memref<256xi32, #tpu.memory_space<vmem>>) semaphore(%arg9 : memref<!tpu.dma_semaphore, #tpu.memory_space<semaphore_mem>>)
      %dma_wait3A_43 = arith.constant 0 : i32
      %dma_wait3A_44 = arith.constant 0 : i32
      %dma_wait3A_45 = tpu.memref_slice %arg2[%dma_wait3A_43, %dma_wait3A_44] : memref<131072x128xf32, #tpu.memory_space<hbm>> -> memref<131072x128xf32, #tpu.memory_space<hbm>>
      tpu.wait_indirect_dma semaphore(%arg10 : memref<!tpu.dma_semaphore, #tpu.memory_space<semaphore_mem>>) src(%dma_wait3A_45 : memref<131072x128xf32, #tpu.memory_space<hbm>>) dst(%arg8 : memref<256x128xf32, #tpu.memory_space<vmem>>)
      %add3A_46 = arith.constant 1 : i32
      %add3A_47 = arith.addi %mul3A_28, %add3A_46 : i32
      %mul3A_48 = arith.constant 256 : i32
      %mul3A_49 = arith.muli %add3A_47, %mul3A_48 : i32
      %add3A_50 = arith.addi %mul3A_6, %mul3A_49 : i32
      "tpu.region"() ({
        %run_scoped3A = tpu.sem_alloc : memref<!tpu.dma_semaphore, #tpu.memory_space<semaphore_mem>>
        %dma_start3A_59 = arith.constant 0 : i32
        %dma_start3A_60 = tpu.memref_slice %arg4[%add3A_50, %dma_start3A_59] : memref<65536x128xf32, #tpu.memory_space<hbm>> -> memref<256x128xf32, #tpu.memory_space<hbm>>
        %dma_start3A_61 = arith.constant 0 : i32
        %dma_start3A_62 = tpu.memref_slice %arg4[%add3A_50, %dma_start3A_61] : memref<65536x128xf32, #tpu.memory_space<hbm>> -> memref<256x128xf32, #tpu.memory_space<hbm>>
        tpu.enqueue_dma source(%arg8 : memref<256x128xf32, #tpu.memory_space<vmem>>) target(%dma_start3A_62 : memref<256x128xf32, #tpu.memory_space<hbm>>) target_semaphore(%run_scoped3A : memref<!tpu.dma_semaphore, #tpu.memory_space<semaphore_mem>>)
        %dma_wait3A_63 = arith.constant 0 : i32
        %dma_wait3A_64 = tpu.memref_slice %arg4[%add3A_50, %dma_wait3A_63] : memref<65536x128xf32, #tpu.memory_space<hbm>> -> memref<256x128xf32, #tpu.memory_space<hbm>>
        %dma_wait3A_65 = arith.constant 0 : i32
        %dma_wait3A_66 = tpu.memref_slice %arg4[%add3A_50, %dma_wait3A_65] : memref<65536x128xf32, #tpu.memory_space<hbm>> -> memref<256x128xf32, #tpu.memory_space<hbm>>
        tpu.wait_dma2 semaphore(%run_scoped3A : memref<!tpu.dma_semaphore, #tpu.memory_space<semaphore_mem>>) src(%arg8 : memref<256x128xf32, #tpu.memory_space<vmem>>) dst(%dma_wait3A_66 : memref<256x128xf32, #tpu.memory_space<hbm>>)
        tpu.yield
      }) : () -> ()
      %add3A_51 = arith.constant 3 : i32
      %add3A_52 = arith.addi %mul3A_28, %add3A_51 : i32
      %mul3A_53 = arith.constant 256 : i32
      %mul3A_54 = arith.muli %add3A_52, %mul3A_53 : i32
      %add3A_55 = arith.addi %add3A_4, %mul3A_54 : i32
      "tpu.region"() ({
        %run_scoped3A = tpu.sem_alloc : memref<!tpu.dma_semaphore, #tpu.memory_space<semaphore_mem>>
        %dma_start3A_59 = tpu.memref_slice %arg3[%add3A_55] : memref<328192xi32, #tpu.memory_space<hbm>> -> memref<256xi32, #tpu.memory_space<hbm>>
        %dma_start3A_60 = tpu.memref_slice %arg3[%add3A_55] : memref<328192xi32, #tpu.memory_space<hbm>> -> memref<256xi32, #tpu.memory_space<hbm>>
        tpu.enqueue_dma source(%dma_start3A_60 : memref<256xi32, #tpu.memory_space<hbm>>) target(%arg6 : memref<256xi32, #tpu.memory_space<vmem>>) target_semaphore(%run_scoped3A : memref<!tpu.dma_semaphore, #tpu.memory_space<semaphore_mem>>)
        %dma_wait3A_61 = tpu.memref_slice %arg3[%add3A_55] : memref<328192xi32, #tpu.memory_space<hbm>> -> memref<256xi32, #tpu.memory_space<hbm>>
        %dma_wait3A_62 = tpu.memref_slice %arg3[%add3A_55] : memref<328192xi32, #tpu.memory_space<hbm>> -> memref<256xi32, #tpu.memory_space<hbm>>
        tpu.wait_dma2 semaphore(%run_scoped3A : memref<!tpu.dma_semaphore, #tpu.memory_space<semaphore_mem>>) src(%dma_wait3A_62 : memref<256xi32, #tpu.memory_space<hbm>>) dst(%arg6 : memref<256xi32, #tpu.memory_space<vmem>>)
        tpu.yield
      }) : () -> ()
      %dma_start3A_56 = arith.constant 0 : i32
      %dma_start3A_57 = arith.constant 0 : i32
      %dma_start3A_58 = tpu.memref_slice %arg2[%dma_start3A_56, %dma_start3A_57] : memref<131072x128xf32, #tpu.memory_space<hbm>> -> memref<131072x128xf32, #tpu.memory_space<hbm>>
      tpu.enqueue_indirect_dma source(%dma_start3A_58 : memref<131072x128xf32, #tpu.memory_space<hbm>>) target(%arg8 : memref<256x128xf32, #tpu.memory_space<vmem>>) offsets(%arg6 : memref<256xi32, #tpu.memory_space<vmem>>) semaphore(%arg10 : memref<!tpu.dma_semaphore, #tpu.memory_space<semaphore_mem>>)
    }
    %scan3A_20 = arith.constant 4 : i32
    %dma_wait3A = arith.constant 0 : i32
    %dma_wait3A_21 = arith.constant 0 : i32
    %dma_wait3A_22 = tpu.memref_slice %arg2[%dma_wait3A, %dma_wait3A_21] : memref<131072x128xf32, #tpu.memory_space<hbm>> -> memref<131072x128xf32, #tpu.memory_space<hbm>>
    tpu.wait_indirect_dma semaphore(%arg9 : memref<!tpu.dma_semaphore, #tpu.memory_space<semaphore_mem>>) src(%dma_wait3A_22 : memref<131072x128xf32, #tpu.memory_space<hbm>>) dst(%arg7 : memref<256x128xf32, #tpu.memory_space<vmem>>)
    %dma_wait3A_23 = arith.constant 0 : i32
    %dma_wait3A_24 = arith.constant 0 : i32
    %dma_wait3A_25 = tpu.memref_slice %arg2[%dma_wait3A_23, %dma_wait3A_24] : memref<131072x128xf32, #tpu.memory_space<hbm>> -> memref<131072x128xf32, #tpu.memory_space<hbm>>
    tpu.wait_indirect_dma semaphore(%arg10 : memref<!tpu.dma_semaphore, #tpu.memory_space<semaphore_mem>>) src(%dma_wait3A_25 : memref<131072x128xf32, #tpu.memory_space<hbm>>) dst(%arg8 : memref<256x128xf32, #tpu.memory_space<vmem>>)
    return
  }
}

module attributes {stable_mosaic.version = 14 : i64} {
  func.func @_pre_body(%arg0: i32, %arg1: memref<2048x512xf32, #tpu.memory_space<vmem>>, %arg2: memref<512x256xf32, #tpu.memory_space<vmem>>, %arg3: memref<512x256xf32, #tpu.memory_space<vmem>>, %arg4: memref<2x512xf32, #tpu.memory_space<vmem>>, %arg5: memref<1x256xf32, #tpu.memory_space<vmem>>, %arg6: memref<2x2048x128xf32, #tpu.memory_space<vmem>>) attributes {dimension_semantics = [#tpu.dimension_semantics<arbitrary>], iteration_bounds = array<i64: 32>, scalar_prefetch = 0 : i64, scratch_operands = 0 : i64, tpu.core_type = #tpu.core_type<tc>, window_params = [{transform_indices = @transform_0, window_bounds = array<i64: 2048, 512>}, {pipeline_mode = #tpu.pipeline_mode<synchronous>, transform_indices = @transform_1, window_bounds = array<i64: 512, 256>}, {pipeline_mode = #tpu.pipeline_mode<synchronous>, transform_indices = @transform_2, window_bounds = array<i64: 512, 256>}, {pipeline_mode = #tpu.pipeline_mode<synchronous>, transform_indices = @transform_3, window_bounds = array<i64: 2, 512>}, {pipeline_mode = #tpu.pipeline_mode<synchronous>, transform_indices = @transform_4, window_bounds = array<i64: 1, 256>}, {transform_indices = @transform_5, window_bounds = array<i64: 2, 2048, 128>}]} {
    %get3A = arith.constant 0 : index
    %get3A_0 = arith.constant 0 : index
    %get3A_1 = vector.load %arg4[%get3A, %get3A_0] : memref<2x512xf32, #tpu.memory_space<vmem>>, vector<2x512xf32>
    %get3A_2 = arith.constant 0 : index
    %get3A_3 = arith.constant 0 : index
    %get3A_4 = vector.load %arg3[%get3A_2, %get3A_3] : memref<512x256xf32, #tpu.memory_space<vmem>>, vector<512x256xf32>
    %dot_general3A = arith.constant dense<0.000000e+00> : vector<2x256xf32>
    %dot_general3A_5 = tpu.matmul %get3A_1, %get3A_4, %dot_general3A {dimension_numbers = #tpu.dot_dimension_numbers<[1], [0], [0], [1], [0, 0, 1, 1], [], []>, transpose_lhs_hint = false} : vector<2x512xf32>, vector<512x256xf32>, vector<2x256xf32> -> vector<2x256xf32>
    %get3A_6 = arith.constant 0 : index
    %get3A_7 = arith.constant 0 : index
    %get3A_8 = vector.load %arg5[%get3A_6, %get3A_7] : memref<1x256xf32, #tpu.memory_space<vmem>>, vector<1x256xf32>
    %add3A = vector.broadcast %get3A_8 : vector<1x256xf32> to vector<2x256xf32>
    %add3A_9 = arith.addf %dot_general3A_5, %add3A : vector<2x256xf32>
    %get3A_10 = arith.constant 0 : index
    %get3A_11 = arith.constant 0 : index
    %get3A_12 = vector.load %arg1[%get3A_10, %get3A_11] : memref<2048x512xf32, #tpu.memory_space<vmem>>, vector<2048x512xf32>
    %get3A_13 = arith.constant 0 : index
    %get3A_14 = arith.constant 0 : index
    %get3A_15 = vector.load %arg2[%get3A_13, %get3A_14] : memref<512x256xf32, #tpu.memory_space<vmem>>, vector<512x256xf32>
    %dot_general3A_16 = arith.constant dense<0.000000e+00> : vector<2048x256xf32>
    %dot_general3A_17 = tpu.matmul %get3A_12, %get3A_15, %dot_general3A_16 {dimension_numbers = #tpu.dot_dimension_numbers<[1], [0], [0], [1], [0, 0, 1, 1], [], []>, transpose_lhs_hint = false} : vector<2048x512xf32>, vector<512x256xf32>, vector<2048x256xf32> -> vector<2048x256xf32>
    %slice3A = vector.extract_strided_slice %add3A_9 {offsets = [0, 0], sizes = [1, 256], strides = [1, 1]} : vector<2x256xf32> to vector<1x256xf32>
    %add3A_18 = vector.broadcast %slice3A : vector<1x256xf32> to vector<2048x256xf32>
    %add3A_19 = arith.addf %dot_general3A_17, %add3A_18 : vector<2048x256xf32>
    %bitcast_convert_type3A = tpu.bitcast %add3A_19 : vector<2048x256xf32> -> vector<2048x256xi32>
    %add3A_20 = arith.constant 32767 : i32
    %add3A_21 = vector.broadcast %add3A_20 : i32 to vector<2048x256xi32>
    %add3A_22 = arith.addi %bitcast_convert_type3A, %add3A_21 : vector<2048x256xi32>
    %shift_right_logical3A = arith.constant 16 : i32
    %shift_right_logical3A_23 = vector.broadcast %shift_right_logical3A : i32 to vector<2048x256xi32>
    %shift_right_logical3A_24 = arith.shrui %bitcast_convert_type3A, %shift_right_logical3A_23 : vector<2048x256xi32>
    %and3A = arith.constant 1 : i32
    %and3A_25 = vector.broadcast %and3A : i32 to vector<2048x256xi32>
    %and3A_26 = arith.andi %shift_right_logical3A_24, %and3A_25 : vector<2048x256xi32>
    %add3A_27 = arith.addi %add3A_22, %and3A_26 : vector<2048x256xi32>
    %shift_right_logical3A_28 = arith.constant 16 : i32
    %shift_right_logical3A_29 = vector.broadcast %shift_right_logical3A_28 : i32 to vector<2048x256xi32>
    %shift_right_logical3A_30 = arith.shrui %add3A_27, %shift_right_logical3A_29 : vector<2048x256xi32>
    %slice3A_31 = vector.extract_strided_slice %shift_right_logical3A_30 {offsets = [0, 0], sizes = [2048, 128], strides = [1, 1]} : vector<2048x256xi32> to vector<2048x128xi32>
    %slice3A_32 = vector.extract_strided_slice %shift_right_logical3A_30 {offsets = [0, 128], sizes = [2048, 128], strides = [1, 1]} : vector<2048x256xi32> to vector<2048x128xi32>
    %shift_left3A = arith.constant 16 : i32
    %shift_left3A_33 = vector.broadcast %shift_left3A : i32 to vector<2048x128xi32>
    %shift_left3A_34 = arith.shli %slice3A_32, %shift_left3A_33 : vector<2048x128xi32>
    %or3A = arith.ori %slice3A_31, %shift_left3A_34 : vector<2048x128xi32>
    %bitcast_convert_type3A_35 = tpu.bitcast %or3A : vector<2048x128xi32> -> vector<2048x128xf32>
    %swap3A = arith.constant 0 : index
    %swap3A_36 = arith.constant 0 : index
    %swap3A_37 = arith.constant 0 : index
    %swap3A_38 = vector.load %arg6[%swap3A, %swap3A_36, %swap3A_37] : memref<2x2048x128xf32, #tpu.memory_space<vmem>>, vector<1x2048x128xf32>
    %swap3A_39 = vector.shape_cast %swap3A_38 : vector<1x2048x128xf32> to vector<2048x128xf32>
    %swap3A_40 = vector.shape_cast %bitcast_convert_type3A_35 : vector<2048x128xf32> to vector<1x2048x128xf32>
    tpu.vector_store %arg6[%swap3A, %swap3A_36, %swap3A_37], %swap3A_40 {strides = array<i32>} : memref<2x2048x128xf32, #tpu.memory_space<vmem>>, vector<1x2048x128xf32>,
    %slice3A_41 = vector.extract_strided_slice %add3A_9 {offsets = [1, 0], sizes = [1, 256], strides = [1, 1]} : vector<2x256xf32> to vector<1x256xf32>
    %add3A_42 = vector.broadcast %slice3A_41 : vector<1x256xf32> to vector<2048x256xf32>
    %add3A_43 = arith.addf %dot_general3A_17, %add3A_42 : vector<2048x256xf32>
    %bitcast_convert_type3A_44 = tpu.bitcast %add3A_43 : vector<2048x256xf32> -> vector<2048x256xi32>
    %add3A_45 = arith.constant 32767 : i32
    %add3A_46 = vector.broadcast %add3A_45 : i32 to vector<2048x256xi32>
    %add3A_47 = arith.addi %bitcast_convert_type3A_44, %add3A_46 : vector<2048x256xi32>
    %shift_right_logical3A_48 = arith.constant 16 : i32
    %shift_right_logical3A_49 = vector.broadcast %shift_right_logical3A_48 : i32 to vector<2048x256xi32>
    %shift_right_logical3A_50 = arith.shrui %bitcast_convert_type3A_44, %shift_right_logical3A_49 : vector<2048x256xi32>
    %and3A_51 = arith.constant 1 : i32
    %and3A_52 = vector.broadcast %and3A_51 : i32 to vector<2048x256xi32>
    %and3A_53 = arith.andi %shift_right_logical3A_50, %and3A_52 : vector<2048x256xi32>
    %add3A_54 = arith.addi %add3A_47, %and3A_53 : vector<2048x256xi32>
    %shift_right_logical3A_55 = arith.constant 16 : i32
    %shift_right_logical3A_56 = vector.broadcast %shift_right_logical3A_55 : i32 to vector<2048x256xi32>
    %shift_right_logical3A_57 = arith.shrui %add3A_54, %shift_right_logical3A_56 : vector<2048x256xi32>
    %slice3A_58 = vector.extract_strided_slice %shift_right_logical3A_57 {offsets = [0, 0], sizes = [2048, 128], strides = [1, 1]} : vector<2048x256xi32> to vector<2048x128xi32>
    %slice3A_59 = vector.extract_strided_slice %shift_right_logical3A_57 {offsets = [0, 128], sizes = [2048, 128], strides = [1, 1]} : vector<2048x256xi32> to vector<2048x128xi32>
    %shift_left3A_60 = arith.constant 16 : i32
    %shift_left3A_61 = vector.broadcast %shift_left3A_60 : i32 to vector<2048x128xi32>
    %shift_left3A_62 = arith.shli %slice3A_59, %shift_left3A_61 : vector<2048x128xi32>
    %or3A_63 = arith.ori %slice3A_58, %shift_left3A_62 : vector<2048x128xi32>
    %bitcast_convert_type3A_64 = tpu.bitcast %or3A_63 : vector<2048x128xi32> -> vector<2048x128xf32>
    %swap3A_65 = arith.constant 1 : index
    %swap3A_66 = arith.constant 0 : index
    %swap3A_67 = arith.constant 0 : index
    %swap3A_68 = vector.load %arg6[%swap3A_65, %swap3A_66, %swap3A_67] : memref<2x2048x128xf32, #tpu.memory_space<vmem>>, vector<1x2048x128xf32>
    %swap3A_69 = vector.shape_cast %swap3A_68 : vector<1x2048x128xf32> to vector<2048x128xf32>
    %swap3A_70 = vector.shape_cast %bitcast_convert_type3A_64 : vector<2048x128xf32> to vector<1x2048x128xf32>
    tpu.vector_store %arg6[%swap3A_65, %swap3A_66, %swap3A_67], %swap3A_70 {strides = array<i32>} : memref<2x2048x128xf32, #tpu.memory_space<vmem>>, vector<1x2048x128xf32>,
    return
  }
  func.func @transform_0(%arg0: i32) -> (i32, i32) {
    %c0_i32 = arith.constant 0 : i32
    %c0_i32_0 = arith.constant 0 : i32
    return %arg0, %c0_i32 : i32, i32
  }
  func.func @transform_1(%arg0: i32) -> (i32, i32) {
    %c0_i32 = arith.constant 0 : i32
    %c0_i32_0 = arith.constant 0 : i32
    %c0_i32_1 = arith.constant 0 : i32
    return %c0_i32, %c0_i32_0 : i32, i32
  }
  func.func @transform_2(%arg0: i32) -> (i32, i32) {
    %c0_i32 = arith.constant 0 : i32
    %c0_i32_0 = arith.constant 0 : i32
    %c0_i32_1 = arith.constant 0 : i32
    return %c0_i32, %c0_i32_0 : i32, i32
  }
  func.func @transform_3(%arg0: i32) -> (i32, i32) {
    %c0_i32 = arith.constant 0 : i32
    %c0_i32_0 = arith.constant 0 : i32
    %c0_i32_1 = arith.constant 0 : i32
    return %c0_i32, %c0_i32_0 : i32, i32
  }
  func.func @transform_4(%arg0: i32) -> (i32, i32) {
    %c0_i32 = arith.constant 0 : i32
    %c0_i32_0 = arith.constant 0 : i32
    %c0_i32_1 = arith.constant 0 : i32
    return %c0_i32, %c0_i32_0 : i32, i32
  }
  func.func @transform_5(%arg0: i32) -> (i32, i32, i32) {
    %c0_i32 = arith.constant 0 : i32
    %c0_i32_0 = arith.constant 0 : i32
    %c0_i32_1 = arith.constant 0 : i32
    return %c0_i32, %arg0, %c0_i32_0 : i32, i32, i32
  }
}

module attributes {stable_mosaic.version = 14 : i64} {
  func.func @_ffn_body(%arg0: i32, %arg1: memref<2048x128xf32, #tpu.memory_space<vmem>>, %arg2: memref<256x512xbf16, #tpu.memory_space<vmem>>, %arg3: memref<1x512xf32, #tpu.memory_space<vmem>>, %arg4: memref<2048x512xf32, #tpu.memory_space<vmem>>) attributes {dimension_semantics = [#tpu.dimension_semantics<arbitrary>], iteration_bounds = array<i64: 32>, scalar_prefetch = 0 : i64, scratch_operands = 0 : i64, tpu.core_type = #tpu.core_type<tc>, window_params = [{transform_indices = @transform_0, window_bounds = array<i64: 2048, 128>}, {pipeline_mode = #tpu.pipeline_mode<synchronous>, transform_indices = @transform_1, window_bounds = array<i64: 256, 512>}, {pipeline_mode = #tpu.pipeline_mode<synchronous>, transform_indices = @transform_2, window_bounds = array<i64: 1, 512>}, {transform_indices = @transform_3, window_bounds = array<i64: 2048, 512>}]} {
    %get3A = arith.constant 0 : index
    %get3A_0 = arith.constant 0 : index
    %get3A_1 = vector.load %arg1[%get3A, %get3A_0] : memref<2048x128xf32, #tpu.memory_space<vmem>>, vector<2048x128xf32>
    %bitcast_convert_type3A = tpu.bitcast %get3A_1 : vector<2048x128xf32> -> vector<2048x128xi32>
    %shift_left3A = arith.constant 16 : i32
    %shift_left3A_2 = vector.broadcast %shift_left3A : i32 to vector<2048x128xi32>
    %shift_left3A_3 = arith.shli %bitcast_convert_type3A, %shift_left3A_2 : vector<2048x128xi32>
    %bitcast_convert_type3A_4 = tpu.bitcast %shift_left3A_3 : vector<2048x128xi32> -> vector<2048x128xf32>
    %and3A = arith.constant -65536 : i32
    %and3A_5 = vector.broadcast %and3A : i32 to vector<2048x128xi32>
    %and3A_6 = arith.andi %bitcast_convert_type3A, %and3A_5 : vector<2048x128xi32>
    %bitcast_convert_type3A_7 = tpu.bitcast %and3A_6 : vector<2048x128xi32> -> vector<2048x128xf32>
    %concatenate3A = tpu.concatenate %bitcast_convert_type3A_4, %bitcast_convert_type3A_7 in 1 : vector<2048x128xf32>, vector<2048x128xf32> -> vector<2048x256xf32>
    %mul3A = arith.constant 5.000000e-01 : f32
    %mul3A_8 = vector.broadcast %mul3A : f32 to vector<2048x256xf32>
    %mul3A_9 = arith.mulf %mul3A_8, %concatenate3A : vector<2048x256xf32>
    %mul3A_10 = arith.constant 0.707106769 : f32
    %mul3A_11 = vector.broadcast %mul3A_10 : f32 to vector<2048x256xf32>
    %mul3A_12 = arith.mulf %concatenate3A, %mul3A_11 : vector<2048x256xf32>
    %erf3A = math.erf %mul3A_12 : vector<2048x256xf32>
    %add3A = arith.constant 1.000000e+00 : f32
    %add3A_13 = vector.broadcast %add3A : f32 to vector<2048x256xf32>
    %add3A_14 = arith.addf %add3A_13, %erf3A : vector<2048x256xf32>
    %mul3A_15 = arith.mulf %mul3A_9, %add3A_14 : vector<2048x256xf32>
    %convert_element_type3A = arith.truncf %mul3A_15 : vector<2048x256xf32> to vector<2048x256xbf16>
    %get3A_16 = arith.constant 0 : index
    %get3A_17 = arith.constant 0 : index
    %get3A_18 = vector.load %arg2[%get3A_16, %get3A_17] : memref<256x512xbf16, #tpu.memory_space<vmem>>, vector<256x512xbf16>
    %dot_general3A = arith.constant dense<0.000000e+00> : vector<2048x512xf32>
    %dot_general3A_19 = tpu.matmul %convert_element_type3A, %get3A_18, %dot_general3A {dimension_numbers = #tpu.dot_dimension_numbers<[1], [0], [0], [1], [0, 0, 1, 1], [], []>, transpose_lhs_hint = false} : vector<2048x256xbf16>, vector<256x512xbf16>, vector<2048x512xf32> -> vector<2048x512xf32>
    %get3A_20 = arith.constant 0 : index
    %get3A_21 = arith.constant 0 : index
    %get3A_22 = vector.load %arg3[%get3A_20, %get3A_21] : memref<1x512xf32, #tpu.memory_space<vmem>>, vector<1x512xf32>
    %add3A_23 = vector.broadcast %get3A_22 : vector<1x512xf32> to vector<2048x512xf32>
    %add3A_24 = arith.addf %dot_general3A_19, %add3A_23 : vector<2048x512xf32>
    %swap3A = arith.constant 0 : index
    %swap3A_25 = arith.constant 0 : index
    %swap3A_26 = vector.load %arg4[%swap3A, %swap3A_25] : memref<2048x512xf32, #tpu.memory_space<vmem>>, vector<2048x512xf32>
    tpu.vector_store %arg4[%swap3A, %swap3A_25], %add3A_24 {strides = array<i32>} : memref<2048x512xf32, #tpu.memory_space<vmem>>, vector<2048x512xf32>,
    return
  }
  func.func @transform_0(%arg0: i32) -> (i32, i32) {
    %c0_i32 = arith.constant 0 : i32
    %c0_i32_0 = arith.constant 0 : i32
    return %arg0, %c0_i32 : i32, i32
  }
  func.func @transform_1(%arg0: i32) -> (i32, i32) {
    %c0_i32 = arith.constant 0 : i32
    %c0_i32_0 = arith.constant 0 : i32
    %c0_i32_1 = arith.constant 0 : i32
    return %c0_i32, %c0_i32_0 : i32, i32
  }
  func.func @transform_2(%arg0: i32) -> (i32, i32) {
    %c0_i32 = arith.constant 0 : i32
    %c0_i32_0 = arith.constant 0 : i32
    %c0_i32_1 = arith.constant 0 : i32
    return %c0_i32, %c0_i32_0 : i32, i32
  }
  func.func @transform_3(%arg0: i32) -> (i32, i32) {
    %add3A = arith.constant 0 : i32
    %add3A_0 = arith.addi %add3A, %arg0 : i32
    %c0_i32 = arith.constant 0 : i32
    %c0_i32_1 = arith.constant 0 : i32
    return %add3A_0, %c0_i32 : i32, i32
  }
}

module attributes {stable_mosaic.version = 14 : i64} {
  func.func @_ffn_body(%arg0: i32, %arg1: memref<2048x128xf32, #tpu.memory_space<vmem>>, %arg2: memref<256x512xbf16, #tpu.memory_space<vmem>>, %arg3: memref<1x512xf32, #tpu.memory_space<vmem>>, %arg4: memref<327680x512xf32, #tpu.memory_space<any>>, %arg5: memref<2048x512xf32, #tpu.memory_space<vmem>>) attributes {dimension_semantics = [#tpu.dimension_semantics<arbitrary>], iteration_bounds = array<i64: 32>, scalar_prefetch = 0 : i64, scratch_operands = 0 : i64, tpu.core_type = #tpu.core_type<tc>, window_params = [{transform_indices = @transform_0, window_bounds = array<i64: 2048, 128>}, {pipeline_mode = #tpu.pipeline_mode<synchronous>, transform_indices = @transform_1, window_bounds = array<i64: 256, 512>}, {pipeline_mode = #tpu.pipeline_mode<synchronous>, transform_indices = @transform_2, window_bounds = array<i64: 1, 512>}, {}, {transform_indices = @transform_4, window_bounds = array<i64: 2048, 512>}]} {
    %get3A = arith.constant 0 : index
    %get3A_0 = arith.constant 0 : index
    %get3A_1 = vector.load %arg1[%get3A, %get3A_0] : memref<2048x128xf32, #tpu.memory_space<vmem>>, vector<2048x128xf32>
    %bitcast_convert_type3A = tpu.bitcast %get3A_1 : vector<2048x128xf32> -> vector<2048x128xi32>
    %shift_left3A = arith.constant 16 : i32
    %shift_left3A_2 = vector.broadcast %shift_left3A : i32 to vector<2048x128xi32>
    %shift_left3A_3 = arith.shli %bitcast_convert_type3A, %shift_left3A_2 : vector<2048x128xi32>
    %bitcast_convert_type3A_4 = tpu.bitcast %shift_left3A_3 : vector<2048x128xi32> -> vector<2048x128xf32>
    %and3A = arith.constant -65536 : i32
    %and3A_5 = vector.broadcast %and3A : i32 to vector<2048x128xi32>
    %and3A_6 = arith.andi %bitcast_convert_type3A, %and3A_5 : vector<2048x128xi32>
    %bitcast_convert_type3A_7 = tpu.bitcast %and3A_6 : vector<2048x128xi32> -> vector<2048x128xf32>
    %concatenate3A = tpu.concatenate %bitcast_convert_type3A_4, %bitcast_convert_type3A_7 in 1 : vector<2048x128xf32>, vector<2048x128xf32> -> vector<2048x256xf32>
    %mul3A = arith.constant 5.000000e-01 : f32
    %mul3A_8 = vector.broadcast %mul3A : f32 to vector<2048x256xf32>
    %mul3A_9 = arith.mulf %mul3A_8, %concatenate3A : vector<2048x256xf32>
    %mul3A_10 = arith.constant 0.707106769 : f32
    %mul3A_11 = vector.broadcast %mul3A_10 : f32 to vector<2048x256xf32>
    %mul3A_12 = arith.mulf %concatenate3A, %mul3A_11 : vector<2048x256xf32>
    %erf3A = math.erf %mul3A_12 : vector<2048x256xf32>
    %add3A = arith.constant 1.000000e+00 : f32
    %add3A_13 = vector.broadcast %add3A : f32 to vector<2048x256xf32>
    %add3A_14 = arith.addf %add3A_13, %erf3A : vector<2048x256xf32>
    %mul3A_15 = arith.mulf %mul3A_9, %add3A_14 : vector<2048x256xf32>
    %convert_element_type3A = arith.truncf %mul3A_15 : vector<2048x256xf32> to vector<2048x256xbf16>
    %get3A_16 = arith.constant 0 : index
    %get3A_17 = arith.constant 0 : index
    %get3A_18 = vector.load %arg2[%get3A_16, %get3A_17] : memref<256x512xbf16, #tpu.memory_space<vmem>>, vector<256x512xbf16>
    %dot_general3A = arith.constant dense<0.000000e+00> : vector<2048x512xf32>
    %dot_general3A_19 = tpu.matmul %convert_element_type3A, %get3A_18, %dot_general3A {dimension_numbers = #tpu.dot_dimension_numbers<[1], [0], [0], [1], [0, 0, 1, 1], [], []>, transpose_lhs_hint = false} : vector<2048x256xbf16>, vector<256x512xbf16>, vector<2048x512xf32> -> vector<2048x512xf32>
    %get3A_20 = arith.constant 0 : index
    %get3A_21 = arith.constant 0 : index
    %get3A_22 = vector.load %arg3[%get3A_20, %get3A_21] : memref<1x512xf32, #tpu.memory_space<vmem>>, vector<1x512xf32>
    %add3A_23 = vector.broadcast %get3A_22 : vector<1x512xf32> to vector<2048x512xf32>
    %add3A_24 = arith.addf %dot_general3A_19, %add3A_23 : vector<2048x512xf32>
    %swap3A = arith.constant 0 : index
    %swap3A_25 = arith.constant 0 : index
    %swap3A_26 = vector.load %arg5[%swap3A, %swap3A_25] : memref<2048x512xf32, #tpu.memory_space<vmem>>, vector<2048x512xf32>
    tpu.vector_store %arg5[%swap3A, %swap3A_25], %add3A_24 {strides = array<i32>} : memref<2048x512xf32, #tpu.memory_space<vmem>>, vector<2048x512xf32>,
    return
  }
  func.func @transform_0(%arg0: i32) -> (i32, i32) {
    %c0_i32 = arith.constant 0 : i32
    %c0_i32_0 = arith.constant 0 : i32
    return %arg0, %c0_i32 : i32, i32
  }
  func.func @transform_1(%arg0: i32) -> (i32, i32) {
    %c0_i32 = arith.constant 0 : i32
    %c0_i32_0 = arith.constant 0 : i32
    %c0_i32_1 = arith.constant 0 : i32
    return %c0_i32, %c0_i32_0 : i32, i32
  }
  func.func @transform_2(%arg0: i32) -> (i32, i32) {
    %c0_i32 = arith.constant 0 : i32
    %c0_i32_0 = arith.constant 0 : i32
    %c0_i32_1 = arith.constant 0 : i32
    return %c0_i32, %c0_i32_0 : i32, i32
  }
  func.func @transform_4(%arg0: i32) -> (i32, i32) {
    %add3A = arith.constant 32 : i32
    %add3A_0 = arith.addi %add3A, %arg0 : i32
    %c0_i32 = arith.constant 0 : i32
    %c0_i32_1 = arith.constant 0 : i32
    return %add3A_0, %c0_i32 : i32, i32
  }
}

module attributes {stable_mosaic.version = 14 : i64} {
  func.func @_ffn_body(%arg0: i32, %arg1: memref<2048x128xf32, #tpu.memory_space<vmem>>, %arg2: memref<256x512xbf16, #tpu.memory_space<vmem>>, %arg3: memref<1x512xf32, #tpu.memory_space<vmem>>, %arg4: memref<327680x512xf32, #tpu.memory_space<any>>, %arg5: memref<2048x512xf32, #tpu.memory_space<vmem>>) attributes {dimension_semantics = [#tpu.dimension_semantics<arbitrary>], iteration_bounds = array<i64: 32>, scalar_prefetch = 0 : i64, scratch_operands = 0 : i64, tpu.core_type = #tpu.core_type<tc>, window_params = [{transform_indices = @transform_0, window_bounds = array<i64: 2048, 128>}, {pipeline_mode = #tpu.pipeline_mode<synchronous>, transform_indices = @transform_1, window_bounds = array<i64: 256, 512>}, {pipeline_mode = #tpu.pipeline_mode<synchronous>, transform_indices = @transform_2, window_bounds = array<i64: 1, 512>}, {}, {transform_indices = @transform_4, window_bounds = array<i64: 2048, 512>}]} {
    %get3A = arith.constant 0 : index
    %get3A_0 = arith.constant 0 : index
    %get3A_1 = vector.load %arg1[%get3A, %get3A_0] : memref<2048x128xf32, #tpu.memory_space<vmem>>, vector<2048x128xf32>
    %bitcast_convert_type3A = tpu.bitcast %get3A_1 : vector<2048x128xf32> -> vector<2048x128xi32>
    %shift_left3A = arith.constant 16 : i32
    %shift_left3A_2 = vector.broadcast %shift_left3A : i32 to vector<2048x128xi32>
    %shift_left3A_3 = arith.shli %bitcast_convert_type3A, %shift_left3A_2 : vector<2048x128xi32>
    %bitcast_convert_type3A_4 = tpu.bitcast %shift_left3A_3 : vector<2048x128xi32> -> vector<2048x128xf32>
    %and3A = arith.constant -65536 : i32
    %and3A_5 = vector.broadcast %and3A : i32 to vector<2048x128xi32>
    %and3A_6 = arith.andi %bitcast_convert_type3A, %and3A_5 : vector<2048x128xi32>
    %bitcast_convert_type3A_7 = tpu.bitcast %and3A_6 : vector<2048x128xi32> -> vector<2048x128xf32>
    %concatenate3A = tpu.concatenate %bitcast_convert_type3A_4, %bitcast_convert_type3A_7 in 1 : vector<2048x128xf32>, vector<2048x128xf32> -> vector<2048x256xf32>
    %mul3A = arith.constant 5.000000e-01 : f32
    %mul3A_8 = vector.broadcast %mul3A : f32 to vector<2048x256xf32>
    %mul3A_9 = arith.mulf %mul3A_8, %concatenate3A : vector<2048x256xf32>
    %mul3A_10 = arith.constant 0.707106769 : f32
    %mul3A_11 = vector.broadcast %mul3A_10 : f32 to vector<2048x256xf32>
    %mul3A_12 = arith.mulf %concatenate3A, %mul3A_11 : vector<2048x256xf32>
    %erf3A = math.erf %mul3A_12 : vector<2048x256xf32>
    %add3A = arith.constant 1.000000e+00 : f32
    %add3A_13 = vector.broadcast %add3A : f32 to vector<2048x256xf32>
    %add3A_14 = arith.addf %add3A_13, %erf3A : vector<2048x256xf32>
    %mul3A_15 = arith.mulf %mul3A_9, %add3A_14 : vector<2048x256xf32>
    %convert_element_type3A = arith.truncf %mul3A_15 : vector<2048x256xf32> to vector<2048x256xbf16>
    %get3A_16 = arith.constant 0 : index
    %get3A_17 = arith.constant 0 : index
    %get3A_18 = vector.load %arg2[%get3A_16, %get3A_17] : memref<256x512xbf16, #tpu.memory_space<vmem>>, vector<256x512xbf16>
    %dot_general3A = arith.constant dense<0.000000e+00> : vector<2048x512xf32>
    %dot_general3A_19 = tpu.matmul %convert_element_type3A, %get3A_18, %dot_general3A {dimension_numbers = #tpu.dot_dimension_numbers<[1], [0], [0], [1], [0, 0, 1, 1], [], []>, transpose_lhs_hint = false} : vector<2048x256xbf16>, vector<256x512xbf16>, vector<2048x512xf32> -> vector<2048x512xf32>
    %get3A_20 = arith.constant 0 : index
    %get3A_21 = arith.constant 0 : index
    %get3A_22 = vector.load %arg3[%get3A_20, %get3A_21] : memref<1x512xf32, #tpu.memory_space<vmem>>, vector<1x512xf32>
    %add3A_23 = vector.broadcast %get3A_22 : vector<1x512xf32> to vector<2048x512xf32>
    %add3A_24 = arith.addf %dot_general3A_19, %add3A_23 : vector<2048x512xf32>
    %swap3A = arith.constant 0 : index
    %swap3A_25 = arith.constant 0 : index
    %swap3A_26 = vector.load %arg5[%swap3A, %swap3A_25] : memref<2048x512xf32, #tpu.memory_space<vmem>>, vector<2048x512xf32>
    tpu.vector_store %arg5[%swap3A, %swap3A_25], %add3A_24 {strides = array<i32>} : memref<2048x512xf32, #tpu.memory_space<vmem>>, vector<2048x512xf32>,
    return
  }
  func.func @transform_0(%arg0: i32) -> (i32, i32) {
    %c0_i32 = arith.constant 0 : i32
    %c0_i32_0 = arith.constant 0 : i32
    return %arg0, %c0_i32 : i32, i32
  }
  func.func @transform_1(%arg0: i32) -> (i32, i32) {
    %c0_i32 = arith.constant 0 : i32
    %c0_i32_0 = arith.constant 0 : i32
    %c0_i32_1 = arith.constant 0 : i32
    return %c0_i32, %c0_i32_0 : i32, i32
  }
  func.func @transform_2(%arg0: i32) -> (i32, i32) {
    %c0_i32 = arith.constant 0 : i32
    %c0_i32_0 = arith.constant 0 : i32
    %c0_i32_1 = arith.constant 0 : i32
    return %c0_i32, %c0_i32_0 : i32, i32
  }
  func.func @transform_4(%arg0: i32) -> (i32, i32) {
    %add3A = arith.constant 64 : i32
    %add3A_0 = arith.addi %add3A, %arg0 : i32
    %c0_i32 = arith.constant 0 : i32
    %c0_i32_1 = arith.constant 0 : i32
    return %add3A_0, %c0_i32 : i32, i32
  }
}

module attributes {stable_mosaic.version = 14 : i64} {
  func.func @_ffn_body(%arg0: i32, %arg1: memref<2048x128xf32, #tpu.memory_space<vmem>>, %arg2: memref<256x512xbf16, #tpu.memory_space<vmem>>, %arg3: memref<1x512xf32, #tpu.memory_space<vmem>>, %arg4: memref<327680x512xf32, #tpu.memory_space<any>>, %arg5: memref<2048x512xf32, #tpu.memory_space<vmem>>) attributes {dimension_semantics = [#tpu.dimension_semantics<arbitrary>], iteration_bounds = array<i64: 32>, scalar_prefetch = 0 : i64, scratch_operands = 0 : i64, tpu.core_type = #tpu.core_type<tc>, window_params = [{transform_indices = @transform_0, window_bounds = array<i64: 2048, 128>}, {pipeline_mode = #tpu.pipeline_mode<synchronous>, transform_indices = @transform_1, window_bounds = array<i64: 256, 512>}, {pipeline_mode = #tpu.pipeline_mode<synchronous>, transform_indices = @transform_2, window_bounds = array<i64: 1, 512>}, {}, {transform_indices = @transform_4, window_bounds = array<i64: 2048, 512>}]} {
    %get3A = arith.constant 0 : index
    %get3A_0 = arith.constant 0 : index
    %get3A_1 = vector.load %arg1[%get3A, %get3A_0] : memref<2048x128xf32, #tpu.memory_space<vmem>>, vector<2048x128xf32>
    %bitcast_convert_type3A = tpu.bitcast %get3A_1 : vector<2048x128xf32> -> vector<2048x128xi32>
    %shift_left3A = arith.constant 16 : i32
    %shift_left3A_2 = vector.broadcast %shift_left3A : i32 to vector<2048x128xi32>
    %shift_left3A_3 = arith.shli %bitcast_convert_type3A, %shift_left3A_2 : vector<2048x128xi32>
    %bitcast_convert_type3A_4 = tpu.bitcast %shift_left3A_3 : vector<2048x128xi32> -> vector<2048x128xf32>
    %and3A = arith.constant -65536 : i32
    %and3A_5 = vector.broadcast %and3A : i32 to vector<2048x128xi32>
    %and3A_6 = arith.andi %bitcast_convert_type3A, %and3A_5 : vector<2048x128xi32>
    %bitcast_convert_type3A_7 = tpu.bitcast %and3A_6 : vector<2048x128xi32> -> vector<2048x128xf32>
    %concatenate3A = tpu.concatenate %bitcast_convert_type3A_4, %bitcast_convert_type3A_7 in 1 : vector<2048x128xf32>, vector<2048x128xf32> -> vector<2048x256xf32>
    %mul3A = arith.constant 5.000000e-01 : f32
    %mul3A_8 = vector.broadcast %mul3A : f32 to vector<2048x256xf32>
    %mul3A_9 = arith.mulf %mul3A_8, %concatenate3A : vector<2048x256xf32>
    %mul3A_10 = arith.constant 0.707106769 : f32
    %mul3A_11 = vector.broadcast %mul3A_10 : f32 to vector<2048x256xf32>
    %mul3A_12 = arith.mulf %concatenate3A, %mul3A_11 : vector<2048x256xf32>
    %erf3A = math.erf %mul3A_12 : vector<2048x256xf32>
    %add3A = arith.constant 1.000000e+00 : f32
    %add3A_13 = vector.broadcast %add3A : f32 to vector<2048x256xf32>
    %add3A_14 = arith.addf %add3A_13, %erf3A : vector<2048x256xf32>
    %mul3A_15 = arith.mulf %mul3A_9, %add3A_14 : vector<2048x256xf32>
    %convert_element_type3A = arith.truncf %mul3A_15 : vector<2048x256xf32> to vector<2048x256xbf16>
    %get3A_16 = arith.constant 0 : index
    %get3A_17 = arith.constant 0 : index
    %get3A_18 = vector.load %arg2[%get3A_16, %get3A_17] : memref<256x512xbf16, #tpu.memory_space<vmem>>, vector<256x512xbf16>
    %dot_general3A = arith.constant dense<0.000000e+00> : vector<2048x512xf32>
    %dot_general3A_19 = tpu.matmul %convert_element_type3A, %get3A_18, %dot_general3A {dimension_numbers = #tpu.dot_dimension_numbers<[1], [0], [0], [1], [0, 0, 1, 1], [], []>, transpose_lhs_hint = false} : vector<2048x256xbf16>, vector<256x512xbf16>, vector<2048x512xf32> -> vector<2048x512xf32>
    %get3A_20 = arith.constant 0 : index
    %get3A_21 = arith.constant 0 : index
    %get3A_22 = vector.load %arg3[%get3A_20, %get3A_21] : memref<1x512xf32, #tpu.memory_space<vmem>>, vector<1x512xf32>
    %add3A_23 = vector.broadcast %get3A_22 : vector<1x512xf32> to vector<2048x512xf32>
    %add3A_24 = arith.addf %dot_general3A_19, %add3A_23 : vector<2048x512xf32>
    %swap3A = arith.constant 0 : index
    %swap3A_25 = arith.constant 0 : index
    %swap3A_26 = vector.load %arg5[%swap3A, %swap3A_25] : memref<2048x512xf32, #tpu.memory_space<vmem>>, vector<2048x512xf32>
    tpu.vector_store %arg5[%swap3A, %swap3A_25], %add3A_24 {strides = array<i32>} : memref<2048x512xf32, #tpu.memory_space<vmem>>, vector<2048x512xf32>,
    return
  }
  func.func @transform_0(%arg0: i32) -> (i32, i32) {
    %c0_i32 = arith.constant 0 : i32
    %c0_i32_0 = arith.constant 0 : i32
    return %arg0, %c0_i32 : i32, i32
  }
  func.func @transform_1(%arg0: i32) -> (i32, i32) {
    %c0_i32 = arith.constant 0 : i32
    %c0_i32_0 = arith.constant 0 : i32
    %c0_i32_1 = arith.constant 0 : i32
    return %c0_i32, %c0_i32_0 : i32, i32
  }
  func.func @transform_2(%arg0: i32) -> (i32, i32) {
    %c0_i32 = arith.constant 0 : i32
    %c0_i32_0 = arith.constant 0 : i32
    %c0_i32_1 = arith.constant 0 : i32
    return %c0_i32, %c0_i32_0 : i32, i32
  }
  func.func @transform_4(%arg0: i32) -> (i32, i32) {
    %add3A = arith.constant 96 : i32
    %add3A_0 = arith.addi %add3A, %arg0 : i32
    %c0_i32 = arith.constant 0 : i32
    %c0_i32_1 = arith.constant 0 : i32
    return %add3A_0, %c0_i32 : i32, i32
  }
}

module attributes {stable_mosaic.version = 14 : i64} {
  func.func @_ffn_body(%arg0: i32, %arg1: memref<2048x128xf32, #tpu.memory_space<vmem>>, %arg2: memref<256x512xbf16, #tpu.memory_space<vmem>>, %arg3: memref<1x512xf32, #tpu.memory_space<vmem>>, %arg4: memref<327680x512xf32, #tpu.memory_space<any>>, %arg5: memref<2048x512xf32, #tpu.memory_space<vmem>>) attributes {dimension_semantics = [#tpu.dimension_semantics<arbitrary>], iteration_bounds = array<i64: 32>, scalar_prefetch = 0 : i64, scratch_operands = 0 : i64, tpu.core_type = #tpu.core_type<tc>, window_params = [{transform_indices = @transform_0, window_bounds = array<i64: 2048, 128>}, {pipeline_mode = #tpu.pipeline_mode<synchronous>, transform_indices = @transform_1, window_bounds = array<i64: 256, 512>}, {pipeline_mode = #tpu.pipeline_mode<synchronous>, transform_indices = @transform_2, window_bounds = array<i64: 1, 512>}, {}, {transform_indices = @transform_4, window_bounds = array<i64: 2048, 512>}]} {
    %get3A = arith.constant 0 : index
    %get3A_0 = arith.constant 0 : index
    %get3A_1 = vector.load %arg1[%get3A, %get3A_0] : memref<2048x128xf32, #tpu.memory_space<vmem>>, vector<2048x128xf32>
    %bitcast_convert_type3A = tpu.bitcast %get3A_1 : vector<2048x128xf32> -> vector<2048x128xi32>
    %shift_left3A = arith.constant 16 : i32
    %shift_left3A_2 = vector.broadcast %shift_left3A : i32 to vector<2048x128xi32>
    %shift_left3A_3 = arith.shli %bitcast_convert_type3A, %shift_left3A_2 : vector<2048x128xi32>
    %bitcast_convert_type3A_4 = tpu.bitcast %shift_left3A_3 : vector<2048x128xi32> -> vector<2048x128xf32>
    %and3A = arith.constant -65536 : i32
    %and3A_5 = vector.broadcast %and3A : i32 to vector<2048x128xi32>
    %and3A_6 = arith.andi %bitcast_convert_type3A, %and3A_5 : vector<2048x128xi32>
    %bitcast_convert_type3A_7 = tpu.bitcast %and3A_6 : vector<2048x128xi32> -> vector<2048x128xf32>
    %concatenate3A = tpu.concatenate %bitcast_convert_type3A_4, %bitcast_convert_type3A_7 in 1 : vector<2048x128xf32>, vector<2048x128xf32> -> vector<2048x256xf32>
    %mul3A = arith.constant 5.000000e-01 : f32
    %mul3A_8 = vector.broadcast %mul3A : f32 to vector<2048x256xf32>
    %mul3A_9 = arith.mulf %mul3A_8, %concatenate3A : vector<2048x256xf32>
    %mul3A_10 = arith.constant 0.707106769 : f32
    %mul3A_11 = vector.broadcast %mul3A_10 : f32 to vector<2048x256xf32>
    %mul3A_12 = arith.mulf %concatenate3A, %mul3A_11 : vector<2048x256xf32>
    %erf3A = math.erf %mul3A_12 : vector<2048x256xf32>
    %add3A = arith.constant 1.000000e+00 : f32
    %add3A_13 = vector.broadcast %add3A : f32 to vector<2048x256xf32>
    %add3A_14 = arith.addf %add3A_13, %erf3A : vector<2048x256xf32>
    %mul3A_15 = arith.mulf %mul3A_9, %add3A_14 : vector<2048x256xf32>
    %convert_element_type3A = arith.truncf %mul3A_15 : vector<2048x256xf32> to vector<2048x256xbf16>
    %get3A_16 = arith.constant 0 : index
    %get3A_17 = arith.constant 0 : index
    %get3A_18 = vector.load %arg2[%get3A_16, %get3A_17] : memref<256x512xbf16, #tpu.memory_space<vmem>>, vector<256x512xbf16>
    %dot_general3A = arith.constant dense<0.000000e+00> : vector<2048x512xf32>
    %dot_general3A_19 = tpu.matmul %convert_element_type3A, %get3A_18, %dot_general3A {dimension_numbers = #tpu.dot_dimension_numbers<[1], [0], [0], [1], [0, 0, 1, 1], [], []>, transpose_lhs_hint = false} : vector<2048x256xbf16>, vector<256x512xbf16>, vector<2048x512xf32> -> vector<2048x512xf32>
    %get3A_20 = arith.constant 0 : index
    %get3A_21 = arith.constant 0 : index
    %get3A_22 = vector.load %arg3[%get3A_20, %get3A_21] : memref<1x512xf32, #tpu.memory_space<vmem>>, vector<1x512xf32>
    %add3A_23 = vector.broadcast %get3A_22 : vector<1x512xf32> to vector<2048x512xf32>
    %add3A_24 = arith.addf %dot_general3A_19, %add3A_23 : vector<2048x512xf32>
    %swap3A = arith.constant 0 : index
    %swap3A_25 = arith.constant 0 : index
    %swap3A_26 = vector.load %arg5[%swap3A, %swap3A_25] : memref<2048x512xf32, #tpu.memory_space<vmem>>, vector<2048x512xf32>
    tpu.vector_store %arg5[%swap3A, %swap3A_25], %add3A_24 {strides = array<i32>} : memref<2048x512xf32, #tpu.memory_space<vmem>>, vector<2048x512xf32>,
    return
  }
  func.func @transform_0(%arg0: i32) -> (i32, i32) {
    %c0_i32 = arith.constant 0 : i32
    %c0_i32_0 = arith.constant 0 : i32
    return %arg0, %c0_i32 : i32, i32
  }
  func.func @transform_1(%arg0: i32) -> (i32, i32) {
    %c0_i32 = arith.constant 0 : i32
    %c0_i32_0 = arith.constant 0 : i32
    %c0_i32_1 = arith.constant 0 : i32
    return %c0_i32, %c0_i32_0 : i32, i32
  }
  func.func @transform_2(%arg0: i32) -> (i32, i32) {
    %c0_i32 = arith.constant 0 : i32
    %c0_i32_0 = arith.constant 0 : i32
    %c0_i32_1 = arith.constant 0 : i32
    return %c0_i32, %c0_i32_0 : i32, i32
  }
  func.func @transform_4(%arg0: i32) -> (i32, i32) {
    %add3A = arith.constant 128 : i32
    %add3A_0 = arith.addi %add3A, %arg0 : i32
    %c0_i32 = arith.constant 0 : i32
    %c0_i32_1 = arith.constant 0 : i32
    return %add3A_0, %c0_i32 : i32, i32
  }
}

</mosaic_0001>

<sc_bundles>
// kernel: kernel.13.cloned.1.call-start
scs
__scs_entry_jumppad:
0x0: {  	(pc) =	sbr.rel $0x88, $3  }
0x1: {  	(tag) =	ssettag $0x0;
	lr =	simm.s32 $0x1  }
0x2: {  	[smem:$0x3F99] =	sst lr;
	_ =	strace $0xD0000000  }
0x3: {  	_ = 	snop  }
0x4: {  	_ = 	snop  }
0x5: {  	_ = 	snop  }
0x6: {  	_ = 	snop  }
0x7: {  	_ = 	snop  }
__scs_overlays_trampoline_lowered:
0x8: {  	[smem:$0x3FA8] =	sst s0  }
0x9: {  	[smem:$0x3FA9] =	sst s1  }
0xa: {  	[smem:$0x3FAA] =	sst s2  }
0xb: {  	[smem:$0x3FAB] =	sst s3  }
0xc: {  	[smem:$0x3FAC] =	sst s4  }
0xd: {  	[smem:$0x3FAD] =	sst s5  }
0xe: {  	[smem:$0x3FAE] =	sst s6  }
0xf: {  	[smem:$0x3FAF] =	sst s7  }
0x10: {  	[smem:$0x3FB0] =	sst s8  }
0x11: {  	[smem:$0x3FB1] =	sst s9;
	s0 =	simm.s32 @!p0 $0x0  }
0x12: {  	s1 =	sld [smem:$0x3F97];
	s0 =	simm.s32 @p0 $0x1  }
0x13: {  	[smem:$0x3FB2] =	sst s0;
	s0 =	simm.s32 @!p1 $0x0  }
0x14: {  	s2 =	sld [smem:$0x3F96];
	s0 =	simm.s32 @p1 $0x1  }
0x15: {  	[smem:$0x3FB3] =	sst s0;
	s0 =	simm.s32 @!p2 $0x0  }
0x16: {  	s3 =	sld [smem:$0x3FDB];
	s0 =	simm.s32 @p2 $0x1  }
0x17: {  	s4 =	simm.s32 $0x1BF5;
	[smem:$0x3FB5] =	sst s0  }
0x18: {  	s0 =	sld [smem:$0x3F98];
	_ =	swait.ge [sflag:s4], $0x0  }
0x19: {  	s7 =	sld [smem:$0x3F99]  }
0x1a: {  	s8 =	sadd.s32 $0xFFFFE003, lr  }
0x1b: {  	s9 =	sadd.s32 $0xFFFFFEF7, lr;
	s5 =	simm.s32 $0xFFFFFFFF;
	p2 =	slt.u32 s8, $0xFFFFF086  }
0x1c: {  	p1 =	slt.u32 s9, $0xF7A;
	s5 =	simm.s32 @!p2 $0x0  }
0x1d: {  	s5 =	simm.s32 @p1 $0x1;
	p0 =	seq.s32 s7, s2  }
0x1e: {  	s7 =	smul.u32 @!p0 $0xF7A, s2;
	p2 =	seq.s32 @!p0 s5, $0x0  }
0x1f: {  	s9 =	smul.u32 $0xF7A, s1;
	s8 =	simm.s32 @!p0 $0x1BF5;
	p2 =	por !p2, p0  }
0x20: {  	[sflag:s8] =	ssyncset.s32 @!p0 $0xFFFFF086;
	s6 =	sadd.s32 @!p0 s3, s7;
	s7 =	simm.s32 @!p0 $0x108  }
0x21: {  	s3 =	sadd.s32 s3, s9;
	s6 =	sadd.s32 @!p0 $0x88, s6;
	s7 =	simm.s32 @p2 $0x1082  }
0x22: {  	[simem:s7], [sflag:s8] =	dma.local @!p0 [hbm:s6], $0xF7A  }
0x23: {  	s9 =	sor.u32 $0xD0000000, s2;
	s6 =	simm.s32 $0x108;
	_ =	swait.ge @!p0 [sflag:s8], $0x0  }
0x24: {  	s3 =	sadd.s32 $0x88, s3;
	s6 =	simm.s32 @!p1 $0x1082;
	[sflag:s4] =	ssyncset.s32 $0xFFFFF086  }
0x25: {  	[simem:s6], [sflag:s4] =	dma.local [hbm:s3], $0xF7A  }
0x26: {  	[smem:$0x3F99] =	sst s1;
	(tag) =	ssettag s2;
	_ =	strace s9  }
0x27: {  	s1 =	sld [smem:$0x3FA9]  }
0x28: {  	s2 =	sld [smem:$0x3FAA]  }
0x29: {  	s4 =	sld [smem:$0x3FAC]  }
0x2a: {  	p0 =	seq.s32 s5, $0x0;
	s5 =	sld [smem:$0x3FAD]  }
0x2b: {  	s6 =	sld [smem:$0x3FAE]  }
0x2c: {  	s7 =	sld [smem:$0x3FAF]  }
0x2d: {  	s3 =	simm.s32 $0x108;
	s8 =	sld [smem:$0x3FB0]  }
0x2e: {  	s3 =	simm.s32 @!p0 $0x1082;
	s9 =	sld [smem:$0x3FB1]  }
0x2f: {  	lr =	sadd.s32 s0, s3;
	s0 =	sld [smem:$0x3FA8]  }
0x30: {  	s3 =	sld [smem:$0x3FAB]  }
0x31: {  	[smem:$0x3FB4] =	sst s10  }
0x32: {  	s10 =	sld [smem:$0x3FB2];
	_ =	sdelay $0x3  }
0x33: {  	p0 =	seq.s32 s10, $0x1;
	s10 =	sld [smem:$0x3FB4];
	_ =	sdelay $0x3  }
0x34: {  	[smem:$0x3FB4] =	sst s10  }
0x35: {  	s10 =	sld [smem:$0x3FB3];
	_ =	sdelay $0x3  }
0x36: {  	p1 =	seq.s32 s10, $0x1;
	s10 =	sld [smem:$0x3FB4];
	_ =	sdelay $0x3  }
0x37: {  	[smem:$0x3FB4] =	sst s10  }
0x38: {  	s10 =	sld [smem:$0x3FB5]  }
0x39: {  	_ = 	snop;
	(pc) =	sbr.ind lr, $3  }
0x3a: {  	_ = 	snop  }
0x3b: {  	_ = 	snop  }
0x3c: {  	p2 =	seq.s32 s10, $0x1;
	s10 =	sld [smem:$0x3FB4]  }
0x3d: {  	_ =	shalt  }
0x3e: {  	_ =	shalt  }
0x3f: {  	_ =	shalt  }
0x40: {  	_ =	shalt  }
0x41: {  	_ =	shalt  }
0x42: {  	_ =	shalt  }
0x43: {  	_ =	shalt  }
0x44: {  	_ =	shalt  }
0x45: {  	_ =	shalt  }
0x46: {  	_ =	shalt  }
0x47: {  	_ =	shalt  }
0x48: {  	_ =	shalt  }
0x49: {  	_ =	shalt  }
0x4a: {  	_ =	shalt  }
0x4b: {  	_ =	shalt  }
0x4c: {  	_ =	shalt  }
0x4d: {  	_ =	shalt  }
0x4e: {  	_ =	shalt  }
0x4f: {  	_ =	shalt  }
0x50: {  	_ =	shalt  }
0x51: {  	_ =	shalt  }
0x52: {  	_ =	shalt  }
0x53: {  	_ =	shalt  }
0x54: {  	_ =	shalt  }
0x55: {  	_ =	shalt  }
0x56: {  	_ =	shalt  }
0x57: {  	_ =	shalt  }
0x58: {  	_ =	shalt  }
0x59: {  	_ =	shalt  }
0x5a: {  	_ =	shalt  }
0x5b: {  	_ =	shalt  }
0x5c: {  	_ =	shalt  }
0x5d: {  	_ =	shalt  }
0x5e: {  	_ =	shalt  }
0x5f: {  	_ =	shalt  }
0x60: {  	_ =	shalt  }
0x61: {  	_ =	shalt  }
0x62: {  	_ =	shalt  }
0x63: {  	_ =	shalt  }
0x64: {  	_ =	shalt  }
0x65: {  	_ =	shalt  }
0x66: {  	_ =	shalt  }
0x67: {  	_ =	shalt  }
0x68: {  	_ =	shalt  }
0x69: {  	_ =	shalt  }
0x6a: {  	_ =	shalt  }
0x6b: {  	_ =	shalt  }
0x6c: {  	_ =	shalt  }
0x6d: {  	_ =	shalt  }
0x6e: {  	_ =	shalt  }
0x6f: {  	_ =	shalt  }
0x70: {  	_ =	shalt  }
0x71: {  	_ =	shalt  }
0x72: {  	_ =	shalt  }
0x73: {  	_ =	shalt  }
0x74: {  	_ =	shalt  }
0x75: {  	_ =	shalt  }
0x76: {  	_ =	shalt  }
0x77: {  	_ =	shalt  }
0x78: {  	_ =	shalt  }
0x79: {  	_ =	shalt  }
0x7a: {  	_ =	shalt  }
0x7b: {  	_ =	shalt  }
0x7c: {  	_ =	shalt  }
0x7d: {  	_ =	shalt  }
0x7e: {  	_ =	shalt  }
0x7f: {  	_ =	shalt  }
0x80: {  	_ =	shalt  }
0x81: {  	_ =	shalt  }
0x82: {  	_ =	shalt  }
0x83: {  	_ =	shalt  }
0x84: {  	_ =	shalt  }
0x85: {  	_ =	shalt  }
0x86: {  	_ =	shalt  }
0x87: {  	_ =	shalt  }
.Lfunc_end0:
.L_simem_size_0:
called_computation_lowered:
.L_overlay_start_0:
0x88: {  	s2 =	sld [smem:$0x3FD9]  }
0x89: {  	s3 =	sld [smem:$0x3FFE];
	_ =	sdelay $0x1  }
0x8a: {  	s1 =	srdreg.scid  }
0x8b: {  	s0 =	sand.u32 $0x1, s1  }
0x8c: {  	s16 =	sshll.u32 s0, $0xA;
	s2 =	sadd.s32 s3, s2  }
0x8d: {  	s2 =	sadd.s32 s2, s16  }
0x8e: {  	[smem:$0x3FC0] =	sst s2  }
0x8f: {  	_ = 	snop  }
0x90: {  	(tm) =	ssettm $0x1  }
0x91: {  	s17 =	sld [smem:$0x3FFB];
	_ =	sdelay $0x3  }
0x92: {  	_ =	strace s17  }
0x93: {  	s2 =	sld [smem:$0x3FFC];
	_ =	sdelay $0x3  }
0x94: {  	_ =	strace s2  }
0x95: {  	s2 =	sld [smem:$0x3FFD];
	_ =	sdelay $0x3  }
0x96: {  	_ =	strace s2  }
0x97: {  	_ =	strace $0x8FFFFFFF  }
0x98: {  	s18 =	sld [smem:$0x3FDB];
	_ =	sdelay $0x1  }
0x99: {  	s19 =	simm.s32 $_scs_section_size  }
0x9a: {  	s4 =	simm.s32 $_size__tile_overlayer_lowered;
	s5 =	simm.s32 $_tile_overlayer_lowered  }
0x9b: {  	s22 =	simm.s32 $0x1BFF;
	s21 =	sshll.u32 s5, $0x1;
	s2 =	sadd.s32 s19, s18  }
0x9c: {  	s6 =	simm.s32 $0x0;
	s20 =	sshll.u32 s4, $0x1;
	s4 =	sadd.s32 s21, s2  }
0x9d: {  	[timem:s6], [sflag:s22] =	dma.local [hbm:s4], s20  }
0x9e: {  	_ =	swait.ge [sflag:s22], s20  }
0x9f: {  	s3 =	ssub.s32 $0x0, s20;
	[sflag:s22] =	ssyncset.done $0x0  }
0xa0: {  	[sflag:s22] =	ssyncadd.s32 s3;
	_ =	sdelay $0x1  }
0xa1: {  	s23 =	simm.s32 $0x1B8B  }
0xa2: {  	_ =	swait.ge [sflag:s23], $0x1  }
0xa3: {  	[sflag:s23] =	ssyncset.done $0x0  }
0xa4: {  	s25 =	simm.s32 $0x1B8E;
	s24 =	sld [smem:$0x3FFE];
	[sflag:s23] =	ssyncadd.s32 $0xFFFFFFFF  }
0xa5: {  	s26 =	simm.s32 $execute0_lowered;
	[smem:$0x3FD2] =	sst s25  }
0xa6: {  	s4 =	sshll.u32 s26, $0x1;
	_ =	strace $0x80000046;
	[dreg:$0x1] =	wrdreg $0xFFFFFFFF  }
0xa7: {  	s28 =	simm.s32 $_size_execute0_lowered;
	s2 =	sadd.s32 s2, s4;
	[dreg:$0x0] =	wrdreg $0x0  }
0xa8: {  	s4 =	sshll.u32 s28, $0x1;
	[dreg:$0x2] =	wrdreg s2  }
0xa9: {  	[dreg:$0x3] =	wrdreg s4  }
0xaa: {  	[dreg:$0x4] =	wrdreg $0xC0  }
0xab: {  	_ =	task [dreg:s6], $0x5FFFF  }
0xac: {  	[dreg:$0x1] =	wrdreg $0xFFFFFFFF  }
0xad: {  	[dreg:$0x0] =	wrdreg $0x60  }
0xae: {  	[dreg:$0x2] =	wrdreg s24  }
0xaf: {  	[dreg:$0x3] =	wrdreg $0x9  }
0xb0: {  	_ =	task.clear_ibuf [dreg:s6], $0x4FFFF;
	_ =	strace $0x90000046  }
0xb1: {  	s29 =	simm.s32 $0x9;
	_ =	strace $0x80000048  }
0xb2: {  	_ =	swait.ge [sflag:s29], $0x1  }
0xb3: {  	[sflag:s29] =	ssyncadd.s32 $0xFFFFFFFF  }
0xb4: {  	_ =	strace $0x90000048  }
0xb5: {  	_ =	sfence  }
0xb6: {  	s30 =	sld [smem:$0x0];
	_ =	sdelay $0x2  }
0xb7: {  	s31 =	sshll.u32 s1, $0xD;
	s1 =	sshrl.u32 s1, $0x2  }
0xb8: {  	s3 =	sand.u32 $0x4000, s31;
	s1 =	sadd.s32 s1, s30  }
0xb9: {  	s0 =	sor.u32 s3, s0;
	s1 =	sshll.u32 s1, $0x11  }
0xba: {  	s0 =	sor.u32 s1, s0  }
0xbb: {  	s0 =	sadd.s32 $0x8F2B, s0  }
0xbc: {  	[sflag:s0] =	ssyncadd.remote.s32 $0x1  }
0xbd: {  	_ =	sfence.sel $0xFFFF  }
0xbe: {  	[dreg:$0x0] =	wrdreg $0xFFFFFFFF;
	(pc) =	sbr.abs _section_cstart, $3  }
0xbf: {  	[dreg:$0x1] =	wrdreg $0xFFFFFFFF  }
0xc0: {  	_ =	task.clear_ibuf [dreg:s6], $0x2FFFF;
	_ =	strace $0x9FFFFFFF  }
0xc1: {  	(tm) =	ssettm $0x7FFFFFFF  }
tec
execute0_lowered:
.L_overlay_start_1:
0x0: {  	(tag) =	ssettag $0x1  }
0x1: {  	s4 =	rddreg [dreg:$0x0]  }
0x2: {  	s0 =	rddreg [dreg:$0x1]  }
0x3: {  	s2 =	simm.s32 $0x0;
	s3 =	srdreg.scid;
	s1 =	stileid.u32  }
0x4: {  	s13 =	simm.s32 $0x8200;
	s14 =	simm.s32 $0x1;
	s15 =	simm.s32 $0x2  }
0x5: {  	s16 =	simm.s32 $0x0;
	[smem:$0x7FF] =	sst s2;
	s7 =	sand.u32 $0x1, s3  }
0x6: {  	s3 =	sadd.s32 $0xC000, s4;
	s5 =	sshll.u32 s1, $0xC;
	s9 =	sadd.s32 $0x1E00, s4  }
0x7: {  	s29 =	sshll.u32 s1, $0x10;
	_ =	strace $0x80000047;
	s6 =	sshll.u32 s7, $0xB  }
0x8: {  	s8 =	ssub.s32 $0x2, s7;
	s12 =	sadd.s32 s29, s4;
	s7 =	sshll.u32 s7, $0xF  }
0x9: {  	s10 =	sor.u32 s6, s5;
	s30 =	sshrl.u32 s8, $0x1;
	s7 =	sadd.s32 s7, s12  }
0xa: {  	s12 =	simm.s32 $0x200;
	s11 =	sshrl.u32 s10, $0x3;
	s6 =	ssub.s32 s8, s30  }
0xb: {  	s31 =	sor.u32 $0x300, s10;
	s10 =	sor.u32 $0x200, s10;
	s7 =	sadd.s32 $0x20C000, s7  }
0xc: {  	s4 =	sadd.s32 s9, s11;
	s6 =	smax.u32 s6, $0x1;
	s8 =	sshrl.u32 s31, $0x3  }
0xd: {  	s10 =	sshrl.u32 s10, $0x3;
	s11 =	simm.s32 $0x100;
	s5 =	sadd.s32 $0x20, s4  }
0xe: {  	s8 =	sadd.s32 s8, s9;
	s9 =	sadd.s32 s10, s9;
	s10 =	simm.s32 $0x3  }
.LBB2_1:
0xf: {  	[tilespmem:s2], [sflag:$0x3] =	stream.linear.gather [hbm4b:s4+s2], $0x100, $0x38;
	[tilespmem:$0x10200] =	vst v63  }
0x10: {  	_ =	swait.ge [sflag:s10], $0x100  }
0x11: {  	[sflag:s10] =	ssyncset.done $0x0  }
0x12: {  	[sflag:s10] =	ssyncadd.s32 $0xFFFFFF00  }
0x13: {  	[tilespmem:s12], [sflag:$0x1] =	stream.indirect.gather [hbm4b:s3+s11], $0x80, s2, s11, $0xb8;
	[tilespmem:$0x10200] =	vst v63  }
0x14: {  	_ = 	snop  }
0x15: {  	[tilespmem:s11], [sflag:$0x3] =	stream.linear.gather [hbm4b:s5+s2], $0x100, $0x38;
	[tilespmem:$0x10200] =	vst v63  }
0x16: {  	_ =	swait.ge [sflag:s10], $0x100  }
0x17: {  	[sflag:s10] =	ssyncset.done $0x0  }
0x18: {  	[sflag:s10] =	ssyncadd.s32 $0xFFFFFF00  }
0x19: {  	[tilespmem:s13], [sflag:$0x2] =	stream.indirect.gather [hbm4b:s3+s11], $0x80, s11, s11, $0xb8;
	[tilespmem:$0x10200] =	vst v63  }
0x1a: {  	_ =	swait.ge [sflag:s14], $0x8000  }
0x1b: {  	[sflag:s14] =	ssyncset.done $0x0  }
0x1c: {  	[sflag:s14] =	ssyncadd.s32 $0xFFFF8000  }
0x1d: {  	[hbm4b:s7+s2] =	stream.linear.scatter [tilespmem:s12], [sflag:$0x3], $0x8000, $0x38;
	[tilespmem:$0x10200] =	vst v63  }
0x1e: {  	_ =	swait.ge [sflag:s10], $0x8000  }
0x1f: {  	[sflag:s10] =	ssyncset.done $0x0  }
0x20: {  	s17 =	sadd.s32 $0x0, s9;
	[sflag:s10] =	ssyncadd.s32 $0xFFFF8000  }
0x21: {  	[tilespmem:s2], [sflag:$0x3] =	stream.linear.gather [hbm4b:s17+s2], $0x100, $0x38;
	[tilespmem:$0x10200] =	vst v63  }
0x22: {  	_ =	swait.ge [sflag:s10], $0x100  }
0x23: {  	[sflag:s10] =	ssyncset.done $0x0  }
0x24: {  	[sflag:s10] =	ssyncadd.s32 $0xFFFFFF00  }
0x25: {  	[tilespmem:s12], [sflag:$0x1] =	stream.indirect.gather [hbm4b:s3+s11], $0x80, s2, s11, $0xb8;
	[tilespmem:$0x10200] =	vst v63  }
0x26: {  	_ =	swait.ge [sflag:s15], $0x8000  }
0x27: {  	[sflag:s15] =	ssyncset.done $0x0  }
0x28: {  	s30 =	sadd.s32 $0x1000, s7;
	[sflag:s15] =	ssyncadd.s32 $0xFFFF8000  }
0x29: {  	[hbm4b:s30+s2] =	stream.linear.scatter [tilespmem:s13], [sflag:$0x3], $0x8000, $0x38;
	[tilespmem:$0x10200] =	vst v63  }
0x2a: {  	_ =	swait.ge [sflag:s10], $0x8000  }
0x2b: {  	[sflag:s10] =	ssyncset.done $0x0  }
0x2c: {  	s31 =	sadd.s32 $0x0, s8;
	[sflag:s10] =	ssyncadd.s32 $0xFFFF8000  }
0x2d: {  	[tilespmem:s11], [sflag:$0x3] =	stream.linear.gather [hbm4b:s31+s2], $0x100, $0x38;
	[tilespmem:$0x10200] =	vst v63  }
0x2e: {  	_ =	swait.ge [sflag:s10], $0x100  }
0x2f: {  	[sflag:s10] =	ssyncset.done $0x0  }
0x30: {  	s18 =	sadd.s32 $0x2000, s7;
	s17 =	simm.s32 $0x40;
	[sflag:s10] =	ssyncadd.s32 $0xFFFFFF00  }
.LBB2_2:
0x31: {  	[tilespmem:s13], [sflag:$0x2] =	stream.indirect.gather [hbm4b:s3+s11], $0x80, s11, s11, $0xb8;
	[tilespmem:$0x10200] =	vst v63  }
0x32: {  	s19 =	smov.u32 s17  }
0x33: {  	p0 =	sne.s32 s17, $0xC0;
	s17 =	sadd.s32 $0x40, s17;
	_ =	swait.ge [sflag:s14], $0x8000  }
0x34: {  	[sflag:s14] =	ssyncset.done $0x0  }
0x35: {  	[sflag:s14] =	ssyncadd.s32 $0xFFFF8000  }
0x36: {  	[hbm4b:s18+s2] =	stream.linear.scatter [tilespmem:s12], [sflag:$0x3], $0x8000, $0x38;
	[tilespmem:$0x10200] =	vst v63  }
0x37: {  	_ =	swait.ge [sflag:s10], $0x8000  }
0x38: {  	[sflag:s10] =	ssyncset.done $0x0  }
0x39: {  	s20 =	sadd.s32 s19, s9;
	[sflag:s10] =	ssyncadd.s32 $0xFFFF8000  }
0x3a: {  	[tilespmem:s2], [sflag:$0x3] =	stream.linear.gather [hbm4b:s20+s2], $0x100, $0x38;
	[tilespmem:$0x10200] =	vst v63  }
0x3b: {  	_ =	swait.ge [sflag:s10], $0x100  }
0x3c: {  	[sflag:s10] =	ssyncset.done $0x0  }
0x3d: {  	[sflag:s10] =	ssyncadd.s32 $0xFFFFFF00  }
0x3e: {  	[tilespmem:s12], [sflag:$0x1] =	stream.indirect.gather [hbm4b:s3+s11], $0x80, s2, s11, $0xb8;
	[tilespmem:$0x10200] =	vst v63  }
0x3f: {  	_ =	swait.ge [sflag:s15], $0x8000  }
0x40: {  	[sflag:s15] =	ssyncset.done $0x0  }
0x41: {  	s20 =	sadd.s32 $0x1000, s18;
	[sflag:s15] =	ssyncadd.s32 $0xFFFF8000  }
0x42: {  	[hbm4b:s20+s2] =	stream.linear.scatter [tilespmem:s13], [sflag:$0x3], $0x8000, $0x38;
	[tilespmem:$0x10200] =	vst v63  }
0x43: {  	_ =	swait.ge [sflag:s10], $0x8000  }
0x44: {  	[sflag:s10] =	ssyncset.done $0x0  }
.Ltmp0:
0x45: {  	s19 =	sadd.s32 s19, s8;
	[sflag:s10] =	ssyncadd.s32 $0xFFFF8000;
	(pc) =	sbr.rel @p0 .LBB2_2-.Ltmp0, $4  }
0x46: {  	[tilespmem:s11], [sflag:$0x3] =	stream.linear.gather [hbm4b:s19+s2], $0x100, $0x38;
	[tilespmem:$0x10200] =	vst v63  }
0x47: {  	_ =	swait.ge [sflag:s10], $0x100  }
0x48: {  	[sflag:s10] =	ssyncset.done $0x0  }
0x49: {  	s18 =	sadd.s32 $0x2000, s18;
	[sflag:s10] =	ssyncadd.s32 $0xFFFFFF00  }
0x4a: {  	[tilespmem:s13], [sflag:$0x2] =	stream.indirect.gather [hbm4b:s3+s11], $0x80, s11, s11, $0xb8;
	[tilespmem:$0x10200] =	vst v63  }
0x4b: {  	s16 =	sadd.s32 $0x1, s16  }
0x4c: {  	_ =	swait.ge [sflag:s14], $0x8000;
	p0 =	sne.s32 s16, s6  }
.Ltmp1:
0x4d: {  	[sflag:s14] =	ssyncset.done $0x0;
	(pc) =	sbr.rel @p0 .LBB2_1-.Ltmp1, $4  }
0x4e: {  	[sflag:s14] =	ssyncadd.s32 $0xFFFF8000  }
0x4f: {  	_ =	swait.ge [sflag:s15], $0x8000  }
0x50: {  	[sflag:s15] =	ssyncset.done $0x0  }
0x51: {  	[sflag:s15] =	ssyncadd.s32 $0xFFFF8000  }
0x52: {  	_ =	sfence.sel $0x180000  }
0x53: {  	[bflag:$0x0] =	sbarrier.arrive $0xFFFF  }
0x54: {  	p0 =	sne.s32 s1, $0x0;
	_ =	strace $0x90000047  }
0x55: {  	s0 =	sadd.s32 @!p0 $0x100000, s0;
	[bflag:$0x2] =	sbarrier.arrive $0xFFFF  }
0x56: {  	[sflag:s0] =	ssyncadd.tile.s32 @!p0 $0x1;
	_ =	shalt  }
.Lfunc_end2:
_tile_overlayer_lowered:
.L_overlay_start_2:
0x57: {  	(tag) =	ssettag $0x2  }
0x58: {  	s0 =	rddreg [dreg:$0x0];
	s2 =	stileid.u32  }
0x59: {  	s1 =	rddreg [dreg:$0x1];
	p0 =	sne.s32 s2, $0x0  }
0x5a: {  	s3 =	rddreg [dreg:$0x2];
	[bflag:$0x3] =	sbarrier.arrive $0xFFFF;
	s2 =	simm.s32 @!p0 $0x1C03  }
0x5b: {  	[timem:s3], [sflag:s2] =	dma.local @!p0 [hbm:s0], s1  }
0x5c: {  	s0 =	simm.s32 @!p0 $0x3  }
0x5d: {  	_ =	swait.ge @!p0 [sflag:s0], s1  }
0x5e: {  	s1 =	ssub.s32 @!p0 $0x0, s1;
	[sflag:s0] =	ssyncset.done @!p0 $0x0  }
0x5f: {  	[sflag:s0] =	ssyncadd.s32 @!p0 s1  }
0x60: {  	[bflag:$0x3] =	sbarrier.arrive $0xFFFF  }
0x61: {  	_ =	shalt  }

// kernel: kernel.16.cloned.1.call-start
scs
__scs_entry_jumppad:
0x0: {  	(pc) =	sbr.rel $0x88, $3  }
0x1: {  	(tag) =	ssettag $0x0;
	lr =	simm.s32 $0x1  }
0x2: {  	[smem:$0x3F99] =	sst lr;
	_ =	strace $0xD0000000  }
0x3: {  	_ = 	snop  }
0x4: {  	_ = 	snop  }
0x5: {  	_ = 	snop  }
0x6: {  	_ = 	snop  }
0x7: {  	_ = 	snop  }
__scs_overlays_trampoline_lowered:
0x8: {  	[smem:$0x3FA8] =	sst s0  }
0x9: {  	[smem:$0x3FA9] =	sst s1  }
0xa: {  	[smem:$0x3FAA] =	sst s2  }
0xb: {  	[smem:$0x3FAB] =	sst s3  }
0xc: {  	[smem:$0x3FAC] =	sst s4  }
0xd: {  	[smem:$0x3FAD] =	sst s5  }
0xe: {  	[smem:$0x3FAE] =	sst s6  }
0xf: {  	[smem:$0x3FAF] =	sst s7  }
0x10: {  	[smem:$0x3FB0] =	sst s8  }
0x11: {  	[smem:$0x3FB1] =	sst s9;
	s0 =	simm.s32 @!p0 $0x0  }
0x12: {  	s1 =	sld [smem:$0x3F97];
	s0 =	simm.s32 @p0 $0x1  }
0x13: {  	[smem:$0x3FB2] =	sst s0;
	s0 =	simm.s32 @!p1 $0x0  }
0x14: {  	s2 =	sld [smem:$0x3F96];
	s0 =	simm.s32 @p1 $0x1  }
0x15: {  	[smem:$0x3FB3] =	sst s0;
	s0 =	simm.s32 @!p2 $0x0  }
0x16: {  	s3 =	sld [smem:$0x3FDB];
	s0 =	simm.s32 @p2 $0x1  }
0x17: {  	s4 =	simm.s32 $0x1BF5;
	[smem:$0x3FB5] =	sst s0  }
0x18: {  	s0 =	sld [smem:$0x3F98];
	_ =	swait.ge [sflag:s4], $0x0  }
0x19: {  	s7 =	sld [smem:$0x3F99]  }
0x1a: {  	s8 =	sadd.s32 $0xFFFFE003, lr  }
0x1b: {  	s9 =	sadd.s32 $0xFFFFFEF7, lr;
	s5 =	simm.s32 $0xFFFFFFFF;
	p2 =	slt.u32 s8, $0xFFFFF086  }
0x1c: {  	p1 =	slt.u32 s9, $0xF7A;
	s5 =	simm.s32 @!p2 $0x0  }
0x1d: {  	s5 =	simm.s32 @p1 $0x1;
	p0 =	seq.s32 s7, s2  }
0x1e: {  	s7 =	smul.u32 @!p0 $0xF7A, s2;
	p2 =	seq.s32 @!p0 s5, $0x0  }
0x1f: {  	s9 =	smul.u32 $0xF7A, s1;
	s8 =	simm.s32 @!p0 $0x1BF5;
	p2 =	por !p2, p0  }
0x20: {  	[sflag:s8] =	ssyncset.s32 @!p0 $0xFFFFF086;
	s6 =	sadd.s32 @!p0 s3, s7;
	s7 =	simm.s32 @!p0 $0x108  }
0x21: {  	s3 =	sadd.s32 s3, s9;
	s6 =	sadd.s32 @!p0 $0x88, s6;
	s7 =	simm.s32 @p2 $0x1082  }
0x22: {  	[simem:s7], [sflag:s8] =	dma.local @!p0 [hbm:s6], $0xF7A  }
0x23: {  	s9 =	sor.u32 $0xD0000000, s2;
	s6 =	simm.s32 $0x108;
	_ =	swait.ge @!p0 [sflag:s8], $0x0  }
0x24: {  	s3 =	sadd.s32 $0x88, s3;
	s6 =	simm.s32 @!p1 $0x1082;
	[sflag:s4] =	ssyncset.s32 $0xFFFFF086  }
0x25: {  	[simem:s6], [sflag:s4] =	dma.local [hbm:s3], $0xF7A  }
0x26: {  	[smem:$0x3F99] =	sst s1;
	(tag) =	ssettag s2;
	_ =	strace s9  }
0x27: {  	s1 =	sld [smem:$0x3FA9]  }
0x28: {  	s2 =	sld [smem:$0x3FAA]  }
0x29: {  	s4 =	sld [smem:$0x3FAC]  }
0x2a: {  	p0 =	seq.s32 s5, $0x0;
	s5 =	sld [smem:$0x3FAD]  }
0x2b: {  	s6 =	sld [smem:$0x3FAE]  }
0x2c: {  	s7 =	sld [smem:$0x3FAF]  }
0x2d: {  	s3 =	simm.s32 $0x108;
	s8 =	sld [smem:$0x3FB0]  }
0x2e: {  	s3 =	simm.s32 @!p0 $0x1082;
	s9 =	sld [smem:$0x3FB1]  }
0x2f: {  	lr =	sadd.s32 s0, s3;
	s0 =	sld [smem:$0x3FA8]  }
0x30: {  	s3 =	sld [smem:$0x3FAB]  }
0x31: {  	[smem:$0x3FB4] =	sst s10  }
0x32: {  	s10 =	sld [smem:$0x3FB2];
	_ =	sdelay $0x3  }
0x33: {  	p0 =	seq.s32 s10, $0x1;
	s10 =	sld [smem:$0x3FB4];
	_ =	sdelay $0x3  }
0x34: {  	[smem:$0x3FB4] =	sst s10  }
0x35: {  	s10 =	sld [smem:$0x3FB3];
	_ =	sdelay $0x3  }
0x36: {  	p1 =	seq.s32 s10, $0x1;
	s10 =	sld [smem:$0x3FB4];
	_ =	sdelay $0x3  }
0x37: {  	[smem:$0x3FB4] =	sst s10  }
0x38: {  	s10 =	sld [smem:$0x3FB5]  }
0x39: {  	_ = 	snop;
	(pc) =	sbr.ind lr, $3  }
0x3a: {  	_ = 	snop  }
0x3b: {  	_ = 	snop  }
0x3c: {  	p2 =	seq.s32 s10, $0x1;
	s10 =	sld [smem:$0x3FB4]  }
0x3d: {  	_ =	shalt  }
0x3e: {  	_ =	shalt  }
0x3f: {  	_ =	shalt  }
0x40: {  	_ =	shalt  }
0x41: {  	_ =	shalt  }
0x42: {  	_ =	shalt  }
0x43: {  	_ =	shalt  }
0x44: {  	_ =	shalt  }
0x45: {  	_ =	shalt  }
0x46: {  	_ =	shalt  }
0x47: {  	_ =	shalt  }
0x48: {  	_ =	shalt  }
0x49: {  	_ =	shalt  }
0x4a: {  	_ =	shalt  }
0x4b: {  	_ =	shalt  }
0x4c: {  	_ =	shalt  }
0x4d: {  	_ =	shalt  }
0x4e: {  	_ =	shalt  }
0x4f: {  	_ =	shalt  }
0x50: {  	_ =	shalt  }
0x51: {  	_ =	shalt  }
0x52: {  	_ =	shalt  }
0x53: {  	_ =	shalt  }
0x54: {  	_ =	shalt  }
0x55: {  	_ =	shalt  }
0x56: {  	_ =	shalt  }
0x57: {  	_ =	shalt  }
0x58: {  	_ =	shalt  }
0x59: {  	_ =	shalt  }
0x5a: {  	_ =	shalt  }
0x5b: {  	_ =	shalt  }
0x5c: {  	_ =	shalt  }
0x5d: {  	_ =	shalt  }
0x5e: {  	_ =	shalt  }
0x5f: {  	_ =	shalt  }
0x60: {  	_ =	shalt  }
0x61: {  	_ =	shalt  }
0x62: {  	_ =	shalt  }
0x63: {  	_ =	shalt  }
0x64: {  	_ =	shalt  }
0x65: {  	_ =	shalt  }
0x66: {  	_ =	shalt  }
0x67: {  	_ =	shalt  }
0x68: {  	_ =	shalt  }
0x69: {  	_ =	shalt  }
0x6a: {  	_ =	shalt  }
0x6b: {  	_ =	shalt  }
0x6c: {  	_ =	shalt  }
0x6d: {  	_ =	shalt  }
0x6e: {  	_ =	shalt  }
0x6f: {  	_ =	shalt  }
0x70: {  	_ =	shalt  }
0x71: {  	_ =	shalt  }
0x72: {  	_ =	shalt  }
0x73: {  	_ =	shalt  }
0x74: {  	_ =	shalt  }
0x75: {  	_ =	shalt  }
0x76: {  	_ =	shalt  }
0x77: {  	_ =	shalt  }
0x78: {  	_ =	shalt  }
0x79: {  	_ =	shalt  }
0x7a: {  	_ =	shalt  }
0x7b: {  	_ =	shalt  }
0x7c: {  	_ =	shalt  }
0x7d: {  	_ =	shalt  }
0x7e: {  	_ =	shalt  }
0x7f: {  	_ =	shalt  }
0x80: {  	_ =	shalt  }
0x81: {  	_ =	shalt  }
0x82: {  	_ =	shalt  }
0x83: {  	_ =	shalt  }
0x84: {  	_ =	shalt  }
0x85: {  	_ =	shalt  }
0x86: {  	_ =	shalt  }
0x87: {  	_ =	shalt  }
.Lfunc_end0:
.L_simem_size_0:
called_computation.1_lowered:
.L_overlay_start_0:
0x88: {  	s2 =	sld [smem:$0x3FD9]  }
0x89: {  	s3 =	sld [smem:$0x3FFE];
	_ =	sdelay $0x1  }
0x8a: {  	s1 =	srdreg.scid  }
0x8b: {  	s0 =	sand.u32 $0x1, s1  }
0x8c: {  	s17 =	sshll.u32 s0, $0xA;
	s2 =	sadd.s32 s3, s2  }
0x8d: {  	s2 =	sadd.s32 s2, s17  }
0x8e: {  	[smem:$0x3FC0] =	sst s2  }
0x8f: {  	_ = 	snop  }
0x90: {  	(tm) =	ssettm $0x1  }
0x91: {  	s18 =	sld [smem:$0x3FFB];
	_ =	sdelay $0x3  }
0x92: {  	_ =	strace s18  }
0x93: {  	s2 =	sld [smem:$0x3FFC];
	_ =	sdelay $0x3  }
0x94: {  	_ =	strace s2  }
0x95: {  	s2 =	sld [smem:$0x3FFD];
	_ =	sdelay $0x3  }
0x96: {  	_ =	strace s2  }
0x97: {  	_ =	strace $0x8FFFFFFF  }
0x98: {  	s19 =	sld [smem:$0x3FDB];
	_ =	sdelay $0x1  }
0x99: {  	s20 =	simm.s32 $_scs_section_size  }
0x9a: {  	s4 =	simm.s32 $_size__tile_overlayer_lowered;
	s5 =	simm.s32 $_tile_overlayer_lowered  }
0x9b: {  	s6 =	simm.s32 $0x1BFF;
	s21 =	sshll.u32 s5, $0x1;
	s3 =	sadd.s32 s20, s19  }
0x9c: {  	s22 =	simm.s32 $0x0;
	s4 =	sshll.u32 s4, $0x1;
	s5 =	sadd.s32 s21, s3  }
0x9d: {  	[timem:s22], [sflag:s6] =	dma.local [hbm:s5], s4  }
0x9e: {  	_ =	swait.ge [sflag:s6], s4  }
0x9f: {  	s4 =	ssub.s32 $0x0, s4;
	[sflag:s6] =	ssyncset.done $0x0  }
0xa0: {  	[sflag:s6] =	ssyncadd.s32 s4;
	_ =	sdelay $0x1  }
0xa1: {  	s23 =	simm.s32 $0x1B8B  }
0xa2: {  	_ =	swait.ge [sflag:s23], $0x1  }
0xa3: {  	[sflag:s23] =	ssyncset.done $0x0  }
0xa4: {  	[sflag:s23] =	ssyncadd.s32 $0xFFFFFFFF  }
0xa5: {  	s4 =	sld [smem:$0x0]  }
0xa6: {  	s5 =	sand.u32 $0xFFFFFFFE, s1  }
0xa7: {  	p0 =	sne.s32 s1, s5  }
0xa8: {  	s5 =	sshll.u32 @p0 s5, $0xE  }
0xa9: {  	s5 =	sadd.s32 @p0 $0x11B8D, s5;
	s6 =	sshll.u32 @p0 s4, $0x11  }
0xaa: {  	s5 =	sor.u32 @p0 s6, s5  }
0xab: {  	[sflag:s5] =	ssyncadd.remote.s32 @p0 $0x1;
	_ =	sdelay $0x1  }
0xac: {  	s5 =	simm.s32 @p0 $0x1B8D  }
0xad: {  	_ =	swait.eq @p0 [sflag:s5], $0x1  }
0xae: {  	[sflag:s5] =	ssyncadd.s32 @p0 $0xFFFFFFFF  }
0xaf: {  	s6 =	sshll.u32 @!p0 s1, $0xE  }
0xb0: {  	s6 =	sor.u32 @!p0 $0x4000, s6;
	s5 =	simm.s32 @!p0 $0x1B8D  }
0xb1: {  	s4 =	sshll.u32 @!p0 s4, $0x11;
	s6 =	sadd.s32 @!p0 $0x11B8D, s6;
	_ =	swait.eq @!p0 [sflag:s5], $0x1  }
0xb2: {  	s4 =	sor.u32 @!p0 s4, s6;
	[sflag:s5] =	ssyncadd.s32 @!p0 $0xFFFFFFFF  }
0xb3: {  	s25 =	simm.s32 $0x1B8E;
	s24 =	sld [smem:$0x3FFE];
	[sflag:s4] =	ssyncadd.remote.s32 @!p0 $0x1  }
0xb4: {  	s26 =	simm.s32 $execute0_lowered;
	[smem:$0x3FD2] =	sst s25  }
0xb5: {  	s5 =	sshll.u32 s26, $0x1;
	_ =	strace $0x80000049;
	[dreg:$0x1] =	wrdreg $0xFFFFFFFF  }
0xb6: {  	s28 =	simm.s32 $_size_execute0_lowered;
	s3 =	sadd.s32 s3, s5;
	[dreg:$0x0] =	wrdreg $0x0  }
0xb7: {  	s5 =	sshll.u32 s28, $0x1;
	[dreg:$0x2] =	wrdreg s3  }
0xb8: {  	[dreg:$0x3] =	wrdreg s5  }
0xb9: {  	[dreg:$0x4] =	wrdreg $0xC0  }
0xba: {  	_ =	task [dreg:s22], $0x5FFFF  }
0xbb: {  	[dreg:$0x1] =	wrdreg $0xFFFFFFFF  }
0xbc: {  	[dreg:$0x0] =	wrdreg $0x60  }
0xbd: {  	[dreg:$0x2] =	wrdreg s24  }
0xbe: {  	[dreg:$0x3] =	wrdreg $0xA  }
0xbf: {  	_ =	task.clear_ibuf [dreg:s22], $0x4FFFF;
	_ =	strace $0x90000049  }
0xc0: {  	s29 =	simm.s32 $0xA;
	_ =	strace $0x8000004B  }
0xc1: {  	_ =	swait.ge [sflag:s29], $0x1  }
0xc2: {  	[sflag:s29] =	ssyncadd.s32 $0xFFFFFFFF  }
0xc3: {  	_ =	strace $0x9000004B  }
0xc4: {  	_ =	sfence  }
0xc5: {  	s30 =	sld [smem:$0x0];
	_ =	sdelay $0x2  }
0xc6: {  	s31 =	sshll.u32 s1, $0xD;
	s1 =	sshrl.u32 s1, $0x2  }
0xc7: {  	s4 =	sand.u32 $0x4000, s31;
	s1 =	sadd.s32 s1, s30  }
0xc8: {  	s0 =	sor.u32 s4, s0;
	s1 =	sshll.u32 s1, $0x11  }
0xc9: {  	s0 =	sor.u32 s1, s0  }
0xca: {  	s0 =	sadd.s32 $0x8F2B, s0  }
0xcb: {  	[sflag:s0] =	ssyncadd.remote.s32 $0x1  }
0xcc: {  	_ =	sfence.sel $0xFFFF  }
0xcd: {  	[dreg:$0x0] =	wrdreg $0xFFFFFFFF;
	(pc) =	sbr.abs _section_cstart, $3  }
0xce: {  	[dreg:$0x1] =	wrdreg $0xFFFFFFFF  }
0xcf: {  	_ =	task.clear_ibuf [dreg:s22], $0x2FFFF;
	_ =	strace $0x9FFFFFFF  }
0xd0: {  	(tm) =	ssettm $0x7FFFFFFF  }
0xd1: {  	_ =	shalt  }
tec
execute0_lowered:
.L_overlay_start_1:
0x0: {  	(tag) =	ssettag $0x1  }
0x1: {  	s4 =	rddreg [dreg:$0x0]  }
0x2: {  	s0 =	rddreg [dreg:$0x1];
	s3 =	srdreg.scid  }
0x3: {  	s2 =	simm.s32 $0x0;
	s1 =	stileid.u32;
	s12 =	simm.s32 $0x200  }
0x4: {  	s13 =	simm.s32 $0x8200;
	s14 =	simm.s32 $0x1;
	s15 =	simm.s32 $0x2  }
0x5: {  	s16 =	simm.s32 $0x0;
	s7 =	sand.u32 $0x1, s3;
	[smem:$0x7FF] =	sst s2  }
0x6: {  	s5 =	sshll.u32 s1, $0xC;
	s3 =	sadd.s32 $0xC000, s4;
	s9 =	sadd.s32 $0x1E00, s4  }
0x7: {  	s10 =	sshll.u32 s1, $0x10;
	s6 =	sshll.u32 s7, $0xB;
	_ =	strace $0x8000004A  }
0x8: {  	s29 =	ssub.s32 $0x2, s7;
	s10 =	sadd.s32 s10, s4;
	s7 =	sshll.u32 s7, $0xF  }
0x9: {  	s8 =	sor.u32 s6, s5;
	s11 =	sshrl.u32 s29, $0x1;
	s7 =	sadd.s32 s7, s10  }
0xa: {  	s6 =	sshrl.u32 s8, $0x3;
	s11 =	ssub.s32 s29, s11;
	s30 =	sor.u32 $0x10300, s8  }
0xb: {  	s8 =	sor.u32 $0x10200, s8;
	s7 =	sadd.s32 $0x30C000, s7;
	s6 =	sadd.s32 s6, s9  }
0xc: {  	s10 =	sshrl.u32 s30, $0x3;
	s31 =	sshrl.u32 s8, $0x3;
	s4 =	sadd.s32 $0x2000, s6  }
0xd: {  	s5 =	sadd.s32 $0x2020, s6;
	s6 =	smax.u32 s11, $0x1;
	s8 =	sadd.s32 s10, s9  }
0xe: {  	s9 =	sadd.s32 s31, s9;
	s10 =	simm.s32 $0x3;
	s11 =	simm.s32 $0x100  }
.LBB2_1:
0xf: {  	[tilespmem:s2], [sflag:$0x3] =	stream.linear.gather [hbm4b:s4+s2], $0x100, $0x38;
	[tilespmem:$0x10200] =	vst v63  }
0x10: {  	_ =	swait.ge [sflag:s10], $0x100  }
0x11: {  	[sflag:s10] =	ssyncset.done $0x0  }
0x12: {  	[sflag:s10] =	ssyncadd.s32 $0xFFFFFF00  }
0x13: {  	[tilespmem:s12], [sflag:$0x1] =	stream.indirect.gather [hbm4b:s3+s11], $0x80, s2, s11, $0xb8;
	[tilespmem:$0x10200] =	vst v63  }
0x14: {  	_ = 	snop  }
0x15: {  	[tilespmem:s11], [sflag:$0x3] =	stream.linear.gather [hbm4b:s5+s2], $0x100, $0x38;
	[tilespmem:$0x10200] =	vst v63  }
0x16: {  	_ =	swait.ge [sflag:s10], $0x100  }
0x17: {  	[sflag:s10] =	ssyncset.done $0x0  }
0x18: {  	[sflag:s10] =	ssyncadd.s32 $0xFFFFFF00  }
0x19: {  	[tilespmem:s13], [sflag:$0x2] =	stream.indirect.gather [hbm4b:s3+s11], $0x80, s11, s11, $0xb8;
	[tilespmem:$0x10200] =	vst v63  }
0x1a: {  	_ =	swait.ge [sflag:s14], $0x8000  }
0x1b: {  	[sflag:s14] =	ssyncset.done $0x0  }
0x1c: {  	[sflag:s14] =	ssyncadd.s32 $0xFFFF8000  }
0x1d: {  	[hbm4b:s7+s2] =	stream.linear.scatter [tilespmem:s12], [sflag:$0x3], $0x8000, $0x38;
	[tilespmem:$0x10200] =	vst v63  }
0x1e: {  	_ =	swait.ge [sflag:s10], $0x8000  }
0x1f: {  	[sflag:s10] =	ssyncset.done $0x0  }
0x20: {  	s17 =	sadd.s32 $0x0, s9;
	[sflag:s10] =	ssyncadd.s32 $0xFFFF8000  }
0x21: {  	[tilespmem:s2], [sflag:$0x3] =	stream.linear.gather [hbm4b:s17+s2], $0x100, $0x38;
	[tilespmem:$0x10200] =	vst v63  }
0x22: {  	_ =	swait.ge [sflag:s10], $0x100  }
0x23: {  	[sflag:s10] =	ssyncset.done $0x0  }
0x24: {  	[sflag:s10] =	ssyncadd.s32 $0xFFFFFF00  }
0x25: {  	[tilespmem:s12], [sflag:$0x1] =	stream.indirect.gather [hbm4b:s3+s11], $0x80, s2, s11, $0xb8;
	[tilespmem:$0x10200] =	vst v63  }
0x26: {  	_ =	swait.ge [sflag:s15], $0x8000  }
0x27: {  	[sflag:s15] =	ssyncset.done $0x0  }
0x28: {  	s30 =	sadd.s32 $0x1000, s7;
	[sflag:s15] =	ssyncadd.s32 $0xFFFF8000  }
0x29: {  	[hbm4b:s30+s2] =	stream.linear.scatter [tilespmem:s13], [sflag:$0x3], $0x8000, $0x38;
	[tilespmem:$0x10200] =	vst v63  }
0x2a: {  	_ =	swait.ge [sflag:s10], $0x8000  }
0x2b: {  	[sflag:s10] =	ssyncset.done $0x0  }
0x2c: {  	s31 =	sadd.s32 $0x0, s8;
	[sflag:s10] =	ssyncadd.s32 $0xFFFF8000  }
0x2d: {  	[tilespmem:s11], [sflag:$0x3] =	stream.linear.gather [hbm4b:s31+s2], $0x100, $0x38;
	[tilespmem:$0x10200] =	vst v63  }
0x2e: {  	_ =	swait.ge [sflag:s10], $0x100  }
0x2f: {  	[sflag:s10] =	ssyncset.done $0x0  }
0x30: {  	s18 =	sadd.s32 $0x2000, s7;
	s17 =	simm.s32 $0x40;
	[sflag:s10] =	ssyncadd.s32 $0xFFFFFF00  }
.LBB2_2:
0x31: {  	[tilespmem:s13], [sflag:$0x2] =	stream.indirect.gather [hbm4b:s3+s11], $0x80, s11, s11, $0xb8;
	[tilespmem:$0x10200] =	vst v63  }
0x32: {  	s19 =	smov.u32 s17  }
0x33: {  	p0 =	sne.s32 s17, $0xC0;
	s17 =	sadd.s32 $0x40, s17;
	_ =	swait.ge [sflag:s14], $0x8000  }
0x34: {  	[sflag:s14] =	ssyncset.done $0x0  }
0x35: {  	[sflag:s14] =	ssyncadd.s32 $0xFFFF8000  }
0x36: {  	[hbm4b:s18+s2] =	stream.linear.scatter [tilespmem:s12], [sflag:$0x3], $0x8000, $0x38;
	[tilespmem:$0x10200] =	vst v63  }
0x37: {  	_ =	swait.ge [sflag:s10], $0x8000  }
0x38: {  	[sflag:s10] =	ssyncset.done $0x0  }
0x39: {  	s20 =	sadd.s32 s19, s9;
	[sflag:s10] =	ssyncadd.s32 $0xFFFF8000  }
0x3a: {  	[tilespmem:s2], [sflag:$0x3] =	stream.linear.gather [hbm4b:s20+s2], $0x100, $0x38;
	[tilespmem:$0x10200] =	vst v63  }
0x3b: {  	_ =	swait.ge [sflag:s10], $0x100  }
0x3c: {  	[sflag:s10] =	ssyncset.done $0x0  }
0x3d: {  	[sflag:s10] =	ssyncadd.s32 $0xFFFFFF00  }
0x3e: {  	[tilespmem:s12], [sflag:$0x1] =	stream.indirect.gather [hbm4b:s3+s11], $0x80, s2, s11, $0xb8;
	[tilespmem:$0x10200] =	vst v63  }
0x3f: {  	_ =	swait.ge [sflag:s15], $0x8000  }
0x40: {  	[sflag:s15] =	ssyncset.done $0x0  }
0x41: {  	s20 =	sadd.s32 $0x1000, s18;
	[sflag:s15] =	ssyncadd.s32 $0xFFFF8000  }
0x42: {  	[hbm4b:s20+s2] =	stream.linear.scatter [tilespmem:s13], [sflag:$0x3], $0x8000, $0x38;
	[tilespmem:$0x10200] =	vst v63  }
0x43: {  	_ =	swait.ge [sflag:s10], $0x8000  }
0x44: {  	[sflag:s10] =	ssyncset.done $0x0  }
.Ltmp0:
0x45: {  	s19 =	sadd.s32 s19, s8;
	[sflag:s10] =	ssyncadd.s32 $0xFFFF8000;
	(pc) =	sbr.rel @p0 .LBB2_2-.Ltmp0, $4  }
0x46: {  	[tilespmem:s11], [sflag:$0x3] =	stream.linear.gather [hbm4b:s19+s2], $0x100, $0x38;
	[tilespmem:$0x10200] =	vst v63  }
0x47: {  	_ =	swait.ge [sflag:s10], $0x100  }
0x48: {  	[sflag:s10] =	ssyncset.done $0x0  }
0x49: {  	s18 =	sadd.s32 $0x2000, s18;
	[sflag:s10] =	ssyncadd.s32 $0xFFFFFF00  }
0x4a: {  	[tilespmem:s13], [sflag:$0x2] =	stream.indirect.gather [hbm4b:s3+s11], $0x80, s11, s11, $0xb8;
	[tilespmem:$0x10200] =	vst v63  }
0x4b: {  	s16 =	sadd.s32 $0x1, s16  }
0x4c: {  	_ =	swait.ge [sflag:s14], $0x8000;
	p0 =	sne.s32 s16, s6  }
.Ltmp1:
0x4d: {  	[sflag:s14] =	ssyncset.done $0x0;
	(pc) =	sbr.rel @p0 .LBB2_1-.Ltmp1, $4  }
0x4e: {  	[sflag:s14] =	ssyncadd.s32 $0xFFFF8000  }
0x4f: {  	_ =	swait.ge [sflag:s15], $0x8000  }
0x50: {  	[sflag:s15] =	ssyncset.done $0x0  }
0x51: {  	[sflag:s15] =	ssyncadd.s32 $0xFFFF8000  }
0x52: {  	_ =	sfence.sel $0x180000  }
0x53: {  	[bflag:$0x0] =	sbarrier.arrive $0xFFFF  }
0x54: {  	p0 =	sne.s32 s1, $0x0;
	_ =	strace $0x9000004A  }
0x55: {  	s0 =	sadd.s32 @!p0 $0x100000, s0;
	[bflag:$0x2] =	sbarrier.arrive $0xFFFF  }
0x56: {  	[sflag:s0] =	ssyncadd.tile.s32 @!p0 $0x1;
	_ =	shalt  }
.Lfunc_end2:
_tile_overlayer_lowered:
.L_overlay_start_2:
0x57: {  	(tag) =	ssettag $0x2  }
0x58: {  	s0 =	rddreg [dreg:$0x0];
	s2 =	stileid.u32  }
0x59: {  	s1 =	rddreg [dreg:$0x1];
	p0 =	sne.s32 s2, $0x0  }
0x5a: {  	s3 =	rddreg [dreg:$0x2];
	[bflag:$0x3] =	sbarrier.arrive $0xFFFF;
	s2 =	simm.s32 @!p0 $0x1C03  }
0x5b: {  	[timem:s3], [sflag:s2] =	dma.local @!p0 [hbm:s0], s1  }
0x5c: {  	s0 =	simm.s32 @!p0 $0x3  }
0x5d: {  	_ =	swait.ge @!p0 [sflag:s0], s1  }
0x5e: {  	s1 =	ssub.s32 @!p0 $0x0, s1;
	[sflag:s0] =	ssyncset.done @!p0 $0x0  }
0x5f: {  	[sflag:s0] =	ssyncadd.s32 @!p0 s1  }
0x60: {  	[bflag:$0x3] =	sbarrier.arrive $0xFFFF  }
0x61: {  	_ =	shalt  }

// kernel: kernel.19.cloned.1.call-start
scs
__scs_entry_jumppad:
0x0: {  	(pc) =	sbr.rel $0x88, $3  }
0x1: {  	(tag) =	ssettag $0x0;
	lr =	simm.s32 $0x1  }
0x2: {  	[smem:$0x3F99] =	sst lr;
	_ =	strace $0xD0000000  }
0x3: {  	_ = 	snop  }
0x4: {  	_ = 	snop  }
0x5: {  	_ = 	snop  }
0x6: {  	_ = 	snop  }
0x7: {  	_ = 	snop  }
__scs_overlays_trampoline_lowered:
0x8: {  	[smem:$0x3FA8] =	sst s0  }
0x9: {  	[smem:$0x3FA9] =	sst s1  }
0xa: {  	[smem:$0x3FAA] =	sst s2  }
0xb: {  	[smem:$0x3FAB] =	sst s3  }
0xc: {  	[smem:$0x3FAC] =	sst s4  }
0xd: {  	[smem:$0x3FAD] =	sst s5  }
0xe: {  	[smem:$0x3FAE] =	sst s6  }
0xf: {  	[smem:$0x3FAF] =	sst s7  }
0x10: {  	[smem:$0x3FB0] =	sst s8  }
0x11: {  	[smem:$0x3FB1] =	sst s9;
	s0 =	simm.s32 @!p0 $0x0  }
0x12: {  	s1 =	sld [smem:$0x3F97];
	s0 =	simm.s32 @p0 $0x1  }
0x13: {  	[smem:$0x3FB2] =	sst s0;
	s0 =	simm.s32 @!p1 $0x0  }
0x14: {  	s2 =	sld [smem:$0x3F96];
	s0 =	simm.s32 @p1 $0x1  }
0x15: {  	[smem:$0x3FB3] =	sst s0;
	s0 =	simm.s32 @!p2 $0x0  }
0x16: {  	s3 =	sld [smem:$0x3FDB];
	s0 =	simm.s32 @p2 $0x1  }
0x17: {  	s4 =	simm.s32 $0x1BF5;
	[smem:$0x3FB5] =	sst s0  }
0x18: {  	s0 =	sld [smem:$0x3F98];
	_ =	swait.ge [sflag:s4], $0x0  }
0x19: {  	s7 =	sld [smem:$0x3F99]  }
0x1a: {  	s8 =	sadd.s32 $0xFFFFE003, lr  }
0x1b: {  	s9 =	sadd.s32 $0xFFFFFEF7, lr;
	s5 =	simm.s32 $0xFFFFFFFF;
	p2 =	slt.u32 s8, $0xFFFFF086  }
0x1c: {  	p1 =	slt.u32 s9, $0xF7A;
	s5 =	simm.s32 @!p2 $0x0  }
0x1d: {  	s5 =	simm.s32 @p1 $0x1;
	p0 =	seq.s32 s7, s2  }
0x1e: {  	s7 =	smul.u32 @!p0 $0xF7A, s2;
	p2 =	seq.s32 @!p0 s5, $0x0  }
0x1f: {  	s9 =	smul.u32 $0xF7A, s1;
	s8 =	simm.s32 @!p0 $0x1BF5;
	p2 =	por !p2, p0  }
0x20: {  	[sflag:s8] =	ssyncset.s32 @!p0 $0xFFFFF086;
	s6 =	sadd.s32 @!p0 s3, s7;
	s7 =	simm.s32 @!p0 $0x108  }
0x21: {  	s3 =	sadd.s32 s3, s9;
	s6 =	sadd.s32 @!p0 $0x88, s6;
	s7 =	simm.s32 @p2 $0x1082  }
0x22: {  	[simem:s7], [sflag:s8] =	dma.local @!p0 [hbm:s6], $0xF7A  }
0x23: {  	s9 =	sor.u32 $0xD0000000, s2;
	s6 =	simm.s32 $0x108;
	_ =	swait.ge @!p0 [sflag:s8], $0x0  }
0x24: {  	s3 =	sadd.s32 $0x88, s3;
	s6 =	simm.s32 @!p1 $0x1082;
	[sflag:s4] =	ssyncset.s32 $0xFFFFF086  }
0x25: {  	[simem:s6], [sflag:s4] =	dma.local [hbm:s3], $0xF7A  }
0x26: {  	[smem:$0x3F99] =	sst s1;
	(tag) =	ssettag s2;
	_ =	strace s9  }
0x27: {  	s1 =	sld [smem:$0x3FA9]  }
0x28: {  	s2 =	sld [smem:$0x3FAA]  }
0x29: {  	s4 =	sld [smem:$0x3FAC]  }
0x2a: {  	p0 =	seq.s32 s5, $0x0;
	s5 =	sld [smem:$0x3FAD]  }
0x2b: {  	s6 =	sld [smem:$0x3FAE]  }
0x2c: {  	s7 =	sld [smem:$0x3FAF]  }
0x2d: {  	s3 =	simm.s32 $0x108;
	s8 =	sld [smem:$0x3FB0]  }
0x2e: {  	s3 =	simm.s32 @!p0 $0x1082;
	s9 =	sld [smem:$0x3FB1]  }
0x2f: {  	lr =	sadd.s32 s0, s3;
	s0 =	sld [smem:$0x3FA8]  }
0x30: {  	s3 =	sld [smem:$0x3FAB]  }
0x31: {  	[smem:$0x3FB4] =	sst s10  }
0x32: {  	s10 =	sld [smem:$0x3FB2];
	_ =	sdelay $0x3  }
0x33: {  	p0 =	seq.s32 s10, $0x1;
	s10 =	sld [smem:$0x3FB4];
	_ =	sdelay $0x3  }
0x34: {  	[smem:$0x3FB4] =	sst s10  }
0x35: {  	s10 =	sld [smem:$0x3FB3];
	_ =	sdelay $0x3  }
0x36: {  	p1 =	seq.s32 s10, $0x1;
	s10 =	sld [smem:$0x3FB4];
	_ =	sdelay $0x3  }
0x37: {  	[smem:$0x3FB4] =	sst s10  }
0x38: {  	s10 =	sld [smem:$0x3FB5]  }
0x39: {  	_ = 	snop;
	(pc) =	sbr.ind lr, $3  }
0x3a: {  	_ = 	snop  }
0x3b: {  	_ = 	snop  }
0x3c: {  	p2 =	seq.s32 s10, $0x1;
	s10 =	sld [smem:$0x3FB4]  }
0x3d: {  	_ =	shalt  }
0x3e: {  	_ =	shalt  }
0x3f: {  	_ =	shalt  }
0x40: {  	_ =	shalt  }
0x41: {  	_ =	shalt  }
0x42: {  	_ =	shalt  }
0x43: {  	_ =	shalt  }
0x44: {  	_ =	shalt  }
0x45: {  	_ =	shalt  }
0x46: {  	_ =	shalt  }
0x47: {  	_ =	shalt  }
0x48: {  	_ =	shalt  }
0x49: {  	_ =	shalt  }
0x4a: {  	_ =	shalt  }
0x4b: {  	_ =	shalt  }
0x4c: {  	_ =	shalt  }
0x4d: {  	_ =	shalt  }
0x4e: {  	_ =	shalt  }
0x4f: {  	_ =	shalt  }
0x50: {  	_ =	shalt  }
0x51: {  	_ =	shalt  }
0x52: {  	_ =	shalt  }
0x53: {  	_ =	shalt  }
0x54: {  	_ =	shalt  }
0x55: {  	_ =	shalt  }
0x56: {  	_ =	shalt  }
0x57: {  	_ =	shalt  }
0x58: {  	_ =	shalt  }
0x59: {  	_ =	shalt  }
0x5a: {  	_ =	shalt  }
0x5b: {  	_ =	shalt  }
0x5c: {  	_ =	shalt  }
0x5d: {  	_ =	shalt  }
0x5e: {  	_ =	shalt  }
0x5f: {  	_ =	shalt  }
0x60: {  	_ =	shalt  }
0x61: {  	_ =	shalt  }
0x62: {  	_ =	shalt  }
0x63: {  	_ =	shalt  }
0x64: {  	_ =	shalt  }
0x65: {  	_ =	shalt  }
0x66: {  	_ =	shalt  }
0x67: {  	_ =	shalt  }
0x68: {  	_ =	shalt  }
0x69: {  	_ =	shalt  }
0x6a: {  	_ =	shalt  }
0x6b: {  	_ =	shalt  }
0x6c: {  	_ =	shalt  }
0x6d: {  	_ =	shalt  }
0x6e: {  	_ =	shalt  }
0x6f: {  	_ =	shalt  }
0x70: {  	_ =	shalt  }
0x71: {  	_ =	shalt  }
0x72: {  	_ =	shalt  }
0x73: {  	_ =	shalt  }
0x74: {  	_ =	shalt  }
0x75: {  	_ =	shalt  }
0x76: {  	_ =	shalt  }
0x77: {  	_ =	shalt  }
0x78: {  	_ =	shalt  }
0x79: {  	_ =	shalt  }
0x7a: {  	_ =	shalt  }
0x7b: {  	_ =	shalt  }
0x7c: {  	_ =	shalt  }
0x7d: {  	_ =	shalt  }
0x7e: {  	_ =	shalt  }
0x7f: {  	_ =	shalt  }
0x80: {  	_ =	shalt  }
0x81: {  	_ =	shalt  }
0x82: {  	_ =	shalt  }
0x83: {  	_ =	shalt  }
0x84: {  	_ =	shalt  }
0x85: {  	_ =	shalt  }
0x86: {  	_ =	shalt  }
0x87: {  	_ =	shalt  }
.Lfunc_end0:
.L_simem_size_0:
called_computation.2_lowered:
.L_overlay_start_0:
0x88: {  	s2 =	sld [smem:$0x3FD9]  }
0x89: {  	s3 =	sld [smem:$0x3FFE];
	_ =	sdelay $0x1  }
0x8a: {  	s1 =	srdreg.scid  }
0x8b: {  	s0 =	sand.u32 $0x1, s1  }
0x8c: {  	s17 =	sshll.u32 s0, $0xA;
	s2 =	sadd.s32 s3, s2  }
0x8d: {  	s2 =	sadd.s32 s2, s17  }
0x8e: {  	[smem:$0x3FC0] =	sst s2  }
0x8f: {  	_ = 	snop  }
0x90: {  	(tm) =	ssettm $0x1  }
0x91: {  	s18 =	sld [smem:$0x3FFB];
	_ =	sdelay $0x3  }
0x92: {  	_ =	strace s18  }
0x93: {  	s2 =	sld [smem:$0x3FFC];
	_ =	sdelay $0x3  }
0x94: {  	_ =	strace s2  }
0x95: {  	s2 =	sld [smem:$0x3FFD];
	_ =	sdelay $0x3  }
0x96: {  	_ =	strace s2  }
0x97: {  	_ =	strace $0x8FFFFFFF  }
0x98: {  	s19 =	sld [smem:$0x3FDB];
	_ =	sdelay $0x1  }
0x99: {  	s20 =	simm.s32 $_scs_section_size  }
0x9a: {  	s4 =	simm.s32 $_size__tile_overlayer_lowered;
	s5 =	simm.s32 $_tile_overlayer_lowered  }
0x9b: {  	s6 =	simm.s32 $0x1BFF;
	s21 =	sshll.u32 s5, $0x1;
	s3 =	sadd.s32 s20, s19  }
0x9c: {  	s22 =	simm.s32 $0x0;
	s4 =	sshll.u32 s4, $0x1;
	s5 =	sadd.s32 s21, s3  }
0x9d: {  	[timem:s22], [sflag:s6] =	dma.local [hbm:s5], s4  }
0x9e: {  	_ =	swait.ge [sflag:s6], s4  }
0x9f: {  	s4 =	ssub.s32 $0x0, s4;
	[sflag:s6] =	ssyncset.done $0x0  }
0xa0: {  	[sflag:s6] =	ssyncadd.s32 s4;
	_ =	sdelay $0x1  }
0xa1: {  	s23 =	simm.s32 $0x1B8B  }
0xa2: {  	_ =	swait.ge [sflag:s23], $0x1  }
0xa3: {  	[sflag:s23] =	ssyncset.done $0x0  }
0xa4: {  	[sflag:s23] =	ssyncadd.s32 $0xFFFFFFFF  }
0xa5: {  	s4 =	sld [smem:$0x0]  }
0xa6: {  	s5 =	sand.u32 $0xFFFFFFFE, s1  }
0xa7: {  	p0 =	sne.s32 s1, s5  }
0xa8: {  	s5 =	sshll.u32 @p0 s5, $0xE  }
0xa9: {  	s5 =	sadd.s32 @p0 $0x11B8D, s5;
	s6 =	sshll.u32 @p0 s4, $0x11  }
0xaa: {  	s5 =	sor.u32 @p0 s6, s5  }
0xab: {  	[sflag:s5] =	ssyncadd.remote.s32 @p0 $0x1;
	_ =	sdelay $0x1  }
0xac: {  	s5 =	simm.s32 @p0 $0x1B8D  }
0xad: {  	_ =	swait.eq @p0 [sflag:s5], $0x1  }
0xae: {  	[sflag:s5] =	ssyncadd.s32 @p0 $0xFFFFFFFF  }
0xaf: {  	s6 =	sshll.u32 @!p0 s1, $0xE  }
0xb0: {  	s6 =	sor.u32 @!p0 $0x4000, s6;
	s5 =	simm.s32 @!p0 $0x1B8D  }
0xb1: {  	s4 =	sshll.u32 @!p0 s4, $0x11;
	s6 =	sadd.s32 @!p0 $0x11B8D, s6;
	_ =	swait.eq @!p0 [sflag:s5], $0x1  }
0xb2: {  	s4 =	sor.u32 @!p0 s4, s6;
	[sflag:s5] =	ssyncadd.s32 @!p0 $0xFFFFFFFF  }
0xb3: {  	s25 =	simm.s32 $0x1B8E;
	s24 =	sld [smem:$0x3FFE];
	[sflag:s4] =	ssyncadd.remote.s32 @!p0 $0x1  }
0xb4: {  	s26 =	simm.s32 $execute0_lowered;
	[smem:$0x3FD2] =	sst s25  }
0xb5: {  	s5 =	sshll.u32 s26, $0x1;
	_ =	strace $0x8000004C;
	[dreg:$0x1] =	wrdreg $0xFFFFFFFF  }
0xb6: {  	s28 =	simm.s32 $_size_execute0_lowered;
	s3 =	sadd.s32 s3, s5;
	[dreg:$0x0] =	wrdreg $0x0  }
0xb7: {  	s5 =	sshll.u32 s28, $0x1;
	[dreg:$0x2] =	wrdreg s3  }
0xb8: {  	[dreg:$0x3] =	wrdreg s5  }
0xb9: {  	[dreg:$0x4] =	wrdreg $0xC0  }
0xba: {  	_ =	task [dreg:s22], $0x5FFFF  }
0xbb: {  	[dreg:$0x1] =	wrdreg $0xFFFFFFFF  }
0xbc: {  	[dreg:$0x0] =	wrdreg $0x60  }
0xbd: {  	[dreg:$0x2] =	wrdreg s24  }
0xbe: {  	[dreg:$0x3] =	wrdreg $0xB  }
0xbf: {  	_ =	task.clear_ibuf [dreg:s22], $0x4FFFF;
	_ =	strace $0x9000004C  }
0xc0: {  	s29 =	simm.s32 $0xB;
	_ =	strace $0x8000004E  }
0xc1: {  	_ =	swait.ge [sflag:s29], $0x1  }
0xc2: {  	[sflag:s29] =	ssyncadd.s32 $0xFFFFFFFF  }
0xc3: {  	_ =	strace $0x9000004E  }
0xc4: {  	_ =	sfence  }
0xc5: {  	s30 =	sld [smem:$0x0];
	_ =	sdelay $0x2  }
0xc6: {  	s31 =	sshll.u32 s1, $0xD;
	s1 =	sshrl.u32 s1, $0x2  }
0xc7: {  	s4 =	sand.u32 $0x4000, s31;
	s1 =	sadd.s32 s1, s30  }
0xc8: {  	s0 =	sor.u32 s4, s0;
	s1 =	sshll.u32 s1, $0x11  }
0xc9: {  	s0 =	sor.u32 s1, s0  }
0xca: {  	s0 =	sadd.s32 $0x8F2B, s0  }
0xcb: {  	[sflag:s0] =	ssyncadd.remote.s32 $0x1  }
0xcc: {  	_ =	sfence.sel $0xFFFF  }
0xcd: {  	[dreg:$0x0] =	wrdreg $0xFFFFFFFF;
	(pc) =	sbr.abs _section_cstart, $3  }
0xce: {  	[dreg:$0x1] =	wrdreg $0xFFFFFFFF  }
0xcf: {  	_ =	task.clear_ibuf [dreg:s22], $0x2FFFF;
	_ =	strace $0x9FFFFFFF  }
0xd0: {  	(tm) =	ssettm $0x7FFFFFFF  }
0xd1: {  	_ =	shalt  }
tec
execute0_lowered:
.L_overlay_start_1:
0x0: {  	(tag) =	ssettag $0x1  }
0x1: {  	s4 =	rddreg [dreg:$0x0]  }
0x2: {  	s0 =	rddreg [dreg:$0x1];
	s3 =	srdreg.scid  }
0x3: {  	s2 =	simm.s32 $0x0;
	s1 =	stileid.u32;
	s12 =	simm.s32 $0x200  }
0x4: {  	s13 =	simm.s32 $0x8200;
	s14 =	simm.s32 $0x1;
	s15 =	simm.s32 $0x2  }
0x5: {  	s16 =	simm.s32 $0x0;
	s7 =	sand.u32 $0x1, s3;
	[smem:$0x7FF] =	sst s2  }
0x6: {  	s5 =	sshll.u32 s1, $0xC;
	s3 =	sadd.s32 $0xC000, s4;
	s9 =	sadd.s32 $0x1E00, s4  }
0x7: {  	s10 =	sshll.u32 s1, $0x10;
	s6 =	sshll.u32 s7, $0xB;
	_ =	strace $0x8000004D  }
0x8: {  	s29 =	ssub.s32 $0x2, s7;
	s10 =	sadd.s32 s10, s4;
	s7 =	sshll.u32 s7, $0xF  }
0x9: {  	s8 =	sor.u32 s6, s5;
	s11 =	sshrl.u32 s29, $0x1;
	s7 =	sadd.s32 s7, s10  }
0xa: {  	s6 =	sshrl.u32 s8, $0x3;
	s11 =	ssub.s32 s29, s11;
	s30 =	sor.u32 $0x20300, s8  }
0xb: {  	s8 =	sor.u32 $0x20200, s8;
	s7 =	sadd.s32 $0x40C000, s7;
	s6 =	sadd.s32 s6, s9  }
0xc: {  	s10 =	sshrl.u32 s30, $0x3;
	s31 =	sshrl.u32 s8, $0x3;
	s4 =	sadd.s32 $0x4000, s6  }
0xd: {  	s5 =	sadd.s32 $0x4020, s6;
	s6 =	smax.u32 s11, $0x1;
	s8 =	sadd.s32 s10, s9  }
0xe: {  	s9 =	sadd.s32 s31, s9;
	s10 =	simm.s32 $0x3;
	s11 =	simm.s32 $0x100  }
.LBB2_1:
0xf: {  	[tilespmem:s2], [sflag:$0x3] =	stream.linear.gather [hbm4b:s4+s2], $0x100, $0x38;
	[tilespmem:$0x10200] =	vst v63  }
0x10: {  	_ =	swait.ge [sflag:s10], $0x100  }
0x11: {  	[sflag:s10] =	ssyncset.done $0x0  }
0x12: {  	[sflag:s10] =	ssyncadd.s32 $0xFFFFFF00  }
0x13: {  	[tilespmem:s12], [sflag:$0x1] =	stream.indirect.gather [hbm4b:s3+s11], $0x80, s2, s11, $0xb8;
	[tilespmem:$0x10200] =	vst v63  }
0x14: {  	_ = 	snop  }
0x15: {  	[tilespmem:s11], [sflag:$0x3] =	stream.linear.gather [hbm4b:s5+s2], $0x100, $0x38;
	[tilespmem:$0x10200] =	vst v63  }
0x16: {  	_ =	swait.ge [sflag:s10], $0x100  }
0x17: {  	[sflag:s10] =	ssyncset.done $0x0  }
0x18: {  	[sflag:s10] =	ssyncadd.s32 $0xFFFFFF00  }
0x19: {  	[tilespmem:s13], [sflag:$0x2] =	stream.indirect.gather [hbm4b:s3+s11], $0x80, s11, s11, $0xb8;
	[tilespmem:$0x10200] =	vst v63  }
0x1a: {  	_ =	swait.ge [sflag:s14], $0x8000  }
0x1b: {  	[sflag:s14] =	ssyncset.done $0x0  }
0x1c: {  	[sflag:s14] =	ssyncadd.s32 $0xFFFF8000  }
0x1d: {  	[hbm4b:s7+s2] =	stream.linear.scatter [tilespmem:s12], [sflag:$0x3], $0x8000, $0x38;
	[tilespmem:$0x10200] =	vst v63  }
0x1e: {  	_ =	swait.ge [sflag:s10], $0x8000  }
0x1f: {  	[sflag:s10] =	ssyncset.done $0x0  }
0x20: {  	s17 =	sadd.s32 $0x0, s9;
	[sflag:s10] =	ssyncadd.s32 $0xFFFF8000  }
0x21: {  	[tilespmem:s2], [sflag:$0x3] =	stream.linear.gather [hbm4b:s17+s2], $0x100, $0x38;
	[tilespmem:$0x10200] =	vst v63  }
0x22: {  	_ =	swait.ge [sflag:s10], $0x100  }
0x23: {  	[sflag:s10] =	ssyncset.done $0x0  }
0x24: {  	[sflag:s10] =	ssyncadd.s32 $0xFFFFFF00  }
0x25: {  	[tilespmem:s12], [sflag:$0x1] =	stream.indirect.gather [hbm4b:s3+s11], $0x80, s2, s11, $0xb8;
	[tilespmem:$0x10200] =	vst v63  }
0x26: {  	_ =	swait.ge [sflag:s15], $0x8000  }
0x27: {  	[sflag:s15] =	ssyncset.done $0x0  }
0x28: {  	s30 =	sadd.s32 $0x1000, s7;
	[sflag:s15] =	ssyncadd.s32 $0xFFFF8000  }
0x29: {  	[hbm4b:s30+s2] =	stream.linear.scatter [tilespmem:s13], [sflag:$0x3], $0x8000, $0x38;
	[tilespmem:$0x10200] =	vst v63  }
0x2a: {  	_ =	swait.ge [sflag:s10], $0x8000  }
0x2b: {  	[sflag:s10] =	ssyncset.done $0x0  }
0x2c: {  	s31 =	sadd.s32 $0x0, s8;
	[sflag:s10] =	ssyncadd.s32 $0xFFFF8000  }
0x2d: {  	[tilespmem:s11], [sflag:$0x3] =	stream.linear.gather [hbm4b:s31+s2], $0x100, $0x38;
	[tilespmem:$0x10200] =	vst v63  }
0x2e: {  	_ =	swait.ge [sflag:s10], $0x100  }
0x2f: {  	[sflag:s10] =	ssyncset.done $0x0  }
0x30: {  	s18 =	sadd.s32 $0x2000, s7;
	s17 =	simm.s32 $0x40;
	[sflag:s10] =	ssyncadd.s32 $0xFFFFFF00  }
.LBB2_2:
0x31: {  	[tilespmem:s13], [sflag:$0x2] =	stream.indirect.gather [hbm4b:s3+s11], $0x80, s11, s11, $0xb8;
	[tilespmem:$0x10200] =	vst v63  }
0x32: {  	s19 =	smov.u32 s17  }
0x33: {  	p0 =	sne.s32 s17, $0xC0;
	s17 =	sadd.s32 $0x40, s17;
	_ =	swait.ge [sflag:s14], $0x8000  }
0x34: {  	[sflag:s14] =	ssyncset.done $0x0  }
0x35: {  	[sflag:s14] =	ssyncadd.s32 $0xFFFF8000  }
0x36: {  	[hbm4b:s18+s2] =	stream.linear.scatter [tilespmem:s12], [sflag:$0x3], $0x8000, $0x38;
	[tilespmem:$0x10200] =	vst v63  }
0x37: {  	_ =	swait.ge [sflag:s10], $0x8000  }
0x38: {  	[sflag:s10] =	ssyncset.done $0x0  }
0x39: {  	s20 =	sadd.s32 s19, s9;
	[sflag:s10] =	ssyncadd.s32 $0xFFFF8000  }
0x3a: {  	[tilespmem:s2], [sflag:$0x3] =	stream.linear.gather [hbm4b:s20+s2], $0x100, $0x38;
	[tilespmem:$0x10200] =	vst v63  }
0x3b: {  	_ =	swait.ge [sflag:s10], $0x100  }
0x3c: {  	[sflag:s10] =	ssyncset.done $0x0  }
0x3d: {  	[sflag:s10] =	ssyncadd.s32 $0xFFFFFF00  }
0x3e: {  	[tilespmem:s12], [sflag:$0x1] =	stream.indirect.gather [hbm4b:s3+s11], $0x80, s2, s11, $0xb8;
	[tilespmem:$0x10200] =	vst v63  }
0x3f: {  	_ =	swait.ge [sflag:s15], $0x8000  }
0x40: {  	[sflag:s15] =	ssyncset.done $0x0  }
0x41: {  	s20 =	sadd.s32 $0x1000, s18;
	[sflag:s15] =	ssyncadd.s32 $0xFFFF8000  }
0x42: {  	[hbm4b:s20+s2] =	stream.linear.scatter [tilespmem:s13], [sflag:$0x3], $0x8000, $0x38;
	[tilespmem:$0x10200] =	vst v63  }
0x43: {  	_ =	swait.ge [sflag:s10], $0x8000  }
0x44: {  	[sflag:s10] =	ssyncset.done $0x0  }
.Ltmp0:
0x45: {  	s19 =	sadd.s32 s19, s8;
	[sflag:s10] =	ssyncadd.s32 $0xFFFF8000;
	(pc) =	sbr.rel @p0 .LBB2_2-.Ltmp0, $4  }
0x46: {  	[tilespmem:s11], [sflag:$0x3] =	stream.linear.gather [hbm4b:s19+s2], $0x100, $0x38;
	[tilespmem:$0x10200] =	vst v63  }
0x47: {  	_ =	swait.ge [sflag:s10], $0x100  }
0x48: {  	[sflag:s10] =	ssyncset.done $0x0  }
0x49: {  	s18 =	sadd.s32 $0x2000, s18;
	[sflag:s10] =	ssyncadd.s32 $0xFFFFFF00  }
0x4a: {  	[tilespmem:s13], [sflag:$0x2] =	stream.indirect.gather [hbm4b:s3+s11], $0x80, s11, s11, $0xb8;
	[tilespmem:$0x10200] =	vst v63  }
0x4b: {  	s16 =	sadd.s32 $0x1, s16  }
0x4c: {  	_ =	swait.ge [sflag:s14], $0x8000;
	p0 =	sne.s32 s16, s6  }
.Ltmp1:
0x4d: {  	[sflag:s14] =	ssyncset.done $0x0;
	(pc) =	sbr.rel @p0 .LBB2_1-.Ltmp1, $4  }
0x4e: {  	[sflag:s14] =	ssyncadd.s32 $0xFFFF8000  }
0x4f: {  	_ =	swait.ge [sflag:s15], $0x8000  }
0x50: {  	[sflag:s15] =	ssyncset.done $0x0  }
0x51: {  	[sflag:s15] =	ssyncadd.s32 $0xFFFF8000  }
0x52: {  	_ =	sfence.sel $0x180000  }
0x53: {  	[bflag:$0x0] =	sbarrier.arrive $0xFFFF  }
0x54: {  	p0 =	sne.s32 s1, $0x0;
	_ =	strace $0x9000004D  }
0x55: {  	s0 =	sadd.s32 @!p0 $0x100000, s0;
	[bflag:$0x2] =	sbarrier.arrive $0xFFFF  }
0x56: {  	[sflag:s0] =	ssyncadd.tile.s32 @!p0 $0x1;
	_ =	shalt  }
.Lfunc_end2:
_tile_overlayer_lowered:
.L_overlay_start_2:
0x57: {  	(tag) =	ssettag $0x2  }
0x58: {  	s0 =	rddreg [dreg:$0x0];
	s2 =	stileid.u32  }
0x59: {  	s1 =	rddreg [dreg:$0x1];
	p0 =	sne.s32 s2, $0x0  }
0x5a: {  	s3 =	rddreg [dreg:$0x2];
	[bflag:$0x3] =	sbarrier.arrive $0xFFFF;
	s2 =	simm.s32 @!p0 $0x1C03  }
0x5b: {  	[timem:s3], [sflag:s2] =	dma.local @!p0 [hbm:s0], s1  }
0x5c: {  	s0 =	simm.s32 @!p0 $0x3  }
0x5d: {  	_ =	swait.ge @!p0 [sflag:s0], s1  }
0x5e: {  	s1 =	ssub.s32 @!p0 $0x0, s1;
	[sflag:s0] =	ssyncset.done @!p0 $0x0  }
0x5f: {  	[sflag:s0] =	ssyncadd.s32 @!p0 s1  }
0x60: {  	[bflag:$0x3] =	sbarrier.arrive $0xFFFF  }
0x61: {  	_ =	shalt  }

// kernel: kernel.22.cloned.1.call-start
scs
__scs_entry_jumppad:
0x0: {  	(pc) =	sbr.rel $0x88, $3  }
0x1: {  	(tag) =	ssettag $0x0;
	lr =	simm.s32 $0x1  }
0x2: {  	[smem:$0x3F99] =	sst lr;
	_ =	strace $0xD0000000  }
0x3: {  	_ = 	snop  }
0x4: {  	_ = 	snop  }
0x5: {  	_ = 	snop  }
0x6: {  	_ = 	snop  }
0x7: {  	_ = 	snop  }
__scs_overlays_trampoline_lowered:
0x8: {  	[smem:$0x3FA8] =	sst s0  }
0x9: {  	[smem:$0x3FA9] =	sst s1  }
0xa: {  	[smem:$0x3FAA] =	sst s2  }
0xb: {  	[smem:$0x3FAB] =	sst s3  }
0xc: {  	[smem:$0x3FAC] =	sst s4  }
0xd: {  	[smem:$0x3FAD] =	sst s5  }
0xe: {  	[smem:$0x3FAE] =	sst s6  }
0xf: {  	[smem:$0x3FAF] =	sst s7  }
0x10: {  	[smem:$0x3FB0] =	sst s8  }
0x11: {  	[smem:$0x3FB1] =	sst s9;
	s0 =	simm.s32 @!p0 $0x0  }
0x12: {  	s1 =	sld [smem:$0x3F97];
	s0 =	simm.s32 @p0 $0x1  }
0x13: {  	[smem:$0x3FB2] =	sst s0;
	s0 =	simm.s32 @!p1 $0x0  }
0x14: {  	s2 =	sld [smem:$0x3F96];
	s0 =	simm.s32 @p1 $0x1  }
0x15: {  	[smem:$0x3FB3] =	sst s0;
	s0 =	simm.s32 @!p2 $0x0  }
0x16: {  	s3 =	sld [smem:$0x3FDB];
	s0 =	simm.s32 @p2 $0x1  }
0x17: {  	s4 =	simm.s32 $0x1BF5;
	[smem:$0x3FB5] =	sst s0  }
0x18: {  	s0 =	sld [smem:$0x3F98];
	_ =	swait.ge [sflag:s4], $0x0  }
0x19: {  	s7 =	sld [smem:$0x3F99]  }
0x1a: {  	s8 =	sadd.s32 $0xFFFFE003, lr  }
0x1b: {  	s9 =	sadd.s32 $0xFFFFFEF7, lr;
	s5 =	simm.s32 $0xFFFFFFFF;
	p2 =	slt.u32 s8, $0xFFFFF086  }
0x1c: {  	p1 =	slt.u32 s9, $0xF7A;
	s5 =	simm.s32 @!p2 $0x0  }
0x1d: {  	s5 =	simm.s32 @p1 $0x1;
	p0 =	seq.s32 s7, s2  }
0x1e: {  	s7 =	smul.u32 @!p0 $0xF7A, s2;
	p2 =	seq.s32 @!p0 s5, $0x0  }
0x1f: {  	s9 =	smul.u32 $0xF7A, s1;
	s8 =	simm.s32 @!p0 $0x1BF5;
	p2 =	por !p2, p0  }
0x20: {  	[sflag:s8] =	ssyncset.s32 @!p0 $0xFFFFF086;
	s6 =	sadd.s32 @!p0 s3, s7;
	s7 =	simm.s32 @!p0 $0x108  }
0x21: {  	s3 =	sadd.s32 s3, s9;
	s6 =	sadd.s32 @!p0 $0x88, s6;
	s7 =	simm.s32 @p2 $0x1082  }
0x22: {  	[simem:s7], [sflag:s8] =	dma.local @!p0 [hbm:s6], $0xF7A  }
0x23: {  	s9 =	sor.u32 $0xD0000000, s2;
	s6 =	simm.s32 $0x108;
	_ =	swait.ge @!p0 [sflag:s8], $0x0  }
0x24: {  	s3 =	sadd.s32 $0x88, s3;
	s6 =	simm.s32 @!p1 $0x1082;
	[sflag:s4] =	ssyncset.s32 $0xFFFFF086  }
0x25: {  	[simem:s6], [sflag:s4] =	dma.local [hbm:s3], $0xF7A  }
0x26: {  	[smem:$0x3F99] =	sst s1;
	(tag) =	ssettag s2;
	_ =	strace s9  }
0x27: {  	s1 =	sld [smem:$0x3FA9]  }
0x28: {  	s2 =	sld [smem:$0x3FAA]  }
0x29: {  	s4 =	sld [smem:$0x3FAC]  }
0x2a: {  	p0 =	seq.s32 s5, $0x0;
	s5 =	sld [smem:$0x3FAD]  }
0x2b: {  	s6 =	sld [smem:$0x3FAE]  }
0x2c: {  	s7 =	sld [smem:$0x3FAF]  }
0x2d: {  	s3 =	simm.s32 $0x108;
	s8 =	sld [smem:$0x3FB0]  }
0x2e: {  	s3 =	simm.s32 @!p0 $0x1082;
	s9 =	sld [smem:$0x3FB1]  }
0x2f: {  	lr =	sadd.s32 s0, s3;
	s0 =	sld [smem:$0x3FA8]  }
0x30: {  	s3 =	sld [smem:$0x3FAB]  }
0x31: {  	[smem:$0x3FB4] =	sst s10  }
0x32: {  	s10 =	sld [smem:$0x3FB2];
	_ =	sdelay $0x3  }
0x33: {  	p0 =	seq.s32 s10, $0x1;
	s10 =	sld [smem:$0x3FB4];
	_ =	sdelay $0x3  }
0x34: {  	[smem:$0x3FB4] =	sst s10  }
0x35: {  	s10 =	sld [smem:$0x3FB3];
	_ =	sdelay $0x3  }
0x36: {  	p1 =	seq.s32 s10, $0x1;
	s10 =	sld [smem:$0x3FB4];
	_ =	sdelay $0x3  }
0x37: {  	[smem:$0x3FB4] =	sst s10  }
0x38: {  	s10 =	sld [smem:$0x3FB5]  }
0x39: {  	_ = 	snop;
	(pc) =	sbr.ind lr, $3  }
0x3a: {  	_ = 	snop  }
0x3b: {  	_ = 	snop  }
0x3c: {  	p2 =	seq.s32 s10, $0x1;
	s10 =	sld [smem:$0x3FB4]  }
0x3d: {  	_ =	shalt  }
0x3e: {  	_ =	shalt  }
0x3f: {  	_ =	shalt  }
0x40: {  	_ =	shalt  }
0x41: {  	_ =	shalt  }
0x42: {  	_ =	shalt  }
0x43: {  	_ =	shalt  }
0x44: {  	_ =	shalt  }
0x45: {  	_ =	shalt  }
0x46: {  	_ =	shalt  }
0x47: {  	_ =	shalt  }
0x48: {  	_ =	shalt  }
0x49: {  	_ =	shalt  }
0x4a: {  	_ =	shalt  }
0x4b: {  	_ =	shalt  }
0x4c: {  	_ =	shalt  }
0x4d: {  	_ =	shalt  }
0x4e: {  	_ =	shalt  }
0x4f: {  	_ =	shalt  }
0x50: {  	_ =	shalt  }
0x51: {  	_ =	shalt  }
0x52: {  	_ =	shalt  }
0x53: {  	_ =	shalt  }
0x54: {  	_ =	shalt  }
0x55: {  	_ =	shalt  }
0x56: {  	_ =	shalt  }
0x57: {  	_ =	shalt  }
0x58: {  	_ =	shalt  }
0x59: {  	_ =	shalt  }
0x5a: {  	_ =	shalt  }
0x5b: {  	_ =	shalt  }
0x5c: {  	_ =	shalt  }
0x5d: {  	_ =	shalt  }
0x5e: {  	_ =	shalt  }
0x5f: {  	_ =	shalt  }
0x60: {  	_ =	shalt  }
0x61: {  	_ =	shalt  }
0x62: {  	_ =	shalt  }
0x63: {  	_ =	shalt  }
0x64: {  	_ =	shalt  }
0x65: {  	_ =	shalt  }
0x66: {  	_ =	shalt  }
0x67: {  	_ =	shalt  }
0x68: {  	_ =	shalt  }
0x69: {  	_ =	shalt  }
0x6a: {  	_ =	shalt  }
0x6b: {  	_ =	shalt  }
0x6c: {  	_ =	shalt  }
0x6d: {  	_ =	shalt  }
0x6e: {  	_ =	shalt  }
0x6f: {  	_ =	shalt  }
0x70: {  	_ =	shalt  }
0x71: {  	_ =	shalt  }
0x72: {  	_ =	shalt  }
0x73: {  	_ =	shalt  }
0x74: {  	_ =	shalt  }
0x75: {  	_ =	shalt  }
0x76: {  	_ =	shalt  }
0x77: {  	_ =	shalt  }
0x78: {  	_ =	shalt  }
0x79: {  	_ =	shalt  }
0x7a: {  	_ =	shalt  }
0x7b: {  	_ =	shalt  }
0x7c: {  	_ =	shalt  }
0x7d: {  	_ =	shalt  }
0x7e: {  	_ =	shalt  }
0x7f: {  	_ =	shalt  }
0x80: {  	_ =	shalt  }
0x81: {  	_ =	shalt  }
0x82: {  	_ =	shalt  }
0x83: {  	_ =	shalt  }
0x84: {  	_ =	shalt  }
0x85: {  	_ =	shalt  }
0x86: {  	_ =	shalt  }
0x87: {  	_ =	shalt  }
.Lfunc_end0:
.L_simem_size_0:
called_computation.3_lowered:
.L_overlay_start_0:
0x88: {  	s2 =	sld [smem:$0x3FD9]  }
0x89: {  	s3 =	sld [smem:$0x3FFE];
	_ =	sdelay $0x1  }
0x8a: {  	s1 =	srdreg.scid  }
0x8b: {  	s0 =	sand.u32 $0x1, s1  }
0x8c: {  	s17 =	sshll.u32 s0, $0xA;
	s2 =	sadd.s32 s3, s2  }
0x8d: {  	s2 =	sadd.s32 s2, s17  }
0x8e: {  	[smem:$0x3FC0] =	sst s2  }
0x8f: {  	_ = 	snop  }
0x90: {  	(tm) =	ssettm $0x1  }
0x91: {  	s18 =	sld [smem:$0x3FFB];
	_ =	sdelay $0x3  }
0x92: {  	_ =	strace s18  }
0x93: {  	s2 =	sld [smem:$0x3FFC];
	_ =	sdelay $0x3  }
0x94: {  	_ =	strace s2  }
0x95: {  	s2 =	sld [smem:$0x3FFD];
	_ =	sdelay $0x3  }
0x96: {  	_ =	strace s2  }
0x97: {  	_ =	strace $0x8FFFFFFF  }
0x98: {  	s19 =	sld [smem:$0x3FDB];
	_ =	sdelay $0x1  }
0x99: {  	s20 =	simm.s32 $_scs_section_size  }
0x9a: {  	s4 =	simm.s32 $_size__tile_overlayer_lowered;
	s5 =	simm.s32 $_tile_overlayer_lowered  }
0x9b: {  	s6 =	simm.s32 $0x1BFF;
	s21 =	sshll.u32 s5, $0x1;
	s3 =	sadd.s32 s20, s19  }
0x9c: {  	s22 =	simm.s32 $0x0;
	s4 =	sshll.u32 s4, $0x1;
	s5 =	sadd.s32 s21, s3  }
0x9d: {  	[timem:s22], [sflag:s6] =	dma.local [hbm:s5], s4  }
0x9e: {  	_ =	swait.ge [sflag:s6], s4  }
0x9f: {  	s4 =	ssub.s32 $0x0, s4;
	[sflag:s6] =	ssyncset.done $0x0  }
0xa0: {  	[sflag:s6] =	ssyncadd.s32 s4;
	_ =	sdelay $0x1  }
0xa1: {  	s23 =	simm.s32 $0x1B8B  }
0xa2: {  	_ =	swait.ge [sflag:s23], $0x1  }
0xa3: {  	[sflag:s23] =	ssyncset.done $0x0  }
0xa4: {  	[sflag:s23] =	ssyncadd.s32 $0xFFFFFFFF  }
0xa5: {  	s4 =	sld [smem:$0x0]  }
0xa6: {  	s5 =	sand.u32 $0xFFFFFFFE, s1  }
0xa7: {  	p0 =	sne.s32 s1, s5  }
0xa8: {  	s5 =	sshll.u32 @p0 s5, $0xE  }
0xa9: {  	s5 =	sadd.s32 @p0 $0x11B8D, s5;
	s6 =	sshll.u32 @p0 s4, $0x11  }
0xaa: {  	s5 =	sor.u32 @p0 s6, s5  }
0xab: {  	[sflag:s5] =	ssyncadd.remote.s32 @p0 $0x1;
	_ =	sdelay $0x1  }
0xac: {  	s5 =	simm.s32 @p0 $0x1B8D  }
0xad: {  	_ =	swait.eq @p0 [sflag:s5], $0x1  }
0xae: {  	[sflag:s5] =	ssyncadd.s32 @p0 $0xFFFFFFFF  }
0xaf: {  	s6 =	sshll.u32 @!p0 s1, $0xE  }
0xb0: {  	s6 =	sor.u32 @!p0 $0x4000, s6;
	s5 =	simm.s32 @!p0 $0x1B8D  }
0xb1: {  	s4 =	sshll.u32 @!p0 s4, $0x11;
	s6 =	sadd.s32 @!p0 $0x11B8D, s6;
	_ =	swait.eq @!p0 [sflag:s5], $0x1  }
0xb2: {  	s4 =	sor.u32 @!p0 s4, s6;
	[sflag:s5] =	ssyncadd.s32 @!p0 $0xFFFFFFFF  }
0xb3: {  	s25 =	simm.s32 $0x1B8E;
	s24 =	sld [smem:$0x3FFE];
	[sflag:s4] =	ssyncadd.remote.s32 @!p0 $0x1  }
0xb4: {  	s26 =	simm.s32 $execute0_lowered;
	[smem:$0x3FD2] =	sst s25  }
0xb5: {  	s5 =	sshll.u32 s26, $0x1;
	_ =	strace $0x8000004F;
	[dreg:$0x1] =	wrdreg $0xFFFFFFFF  }
0xb6: {  	s28 =	simm.s32 $_size_execute0_lowered;
	s3 =	sadd.s32 s3, s5;
	[dreg:$0x0] =	wrdreg $0x0  }
0xb7: {  	s5 =	sshll.u32 s28, $0x1;
	[dreg:$0x2] =	wrdreg s3  }
0xb8: {  	[dreg:$0x3] =	wrdreg s5  }
0xb9: {  	[dreg:$0x4] =	wrdreg $0xC0  }
0xba: {  	_ =	task [dreg:s22], $0x5FFFF  }
0xbb: {  	[dreg:$0x1] =	wrdreg $0xFFFFFFFF  }
0xbc: {  	[dreg:$0x0] =	wrdreg $0x60  }
0xbd: {  	[dreg:$0x2] =	wrdreg s24  }
0xbe: {  	[dreg:$0x3] =	wrdreg $0xC  }
0xbf: {  	_ =	task.clear_ibuf [dreg:s22], $0x4FFFF;
	_ =	strace $0x9000004F  }
0xc0: {  	s29 =	simm.s32 $0xC;
	_ =	strace $0x80000051  }
0xc1: {  	_ =	swait.ge [sflag:s29], $0x1  }
0xc2: {  	[sflag:s29] =	ssyncadd.s32 $0xFFFFFFFF  }
0xc3: {  	_ =	strace $0x90000051  }
0xc4: {  	_ =	sfence  }
0xc5: {  	s30 =	sld [smem:$0x0];
	_ =	sdelay $0x2  }
0xc6: {  	s31 =	sshll.u32 s1, $0xD;
	s1 =	sshrl.u32 s1, $0x2  }
0xc7: {  	s4 =	sand.u32 $0x4000, s31;
	s1 =	sadd.s32 s1, s30  }
0xc8: {  	s0 =	sor.u32 s4, s0;
	s1 =	sshll.u32 s1, $0x11  }
0xc9: {  	s0 =	sor.u32 s1, s0  }
0xca: {  	s0 =	sadd.s32 $0x8F2B, s0  }
0xcb: {  	[sflag:s0] =	ssyncadd.remote.s32 $0x1  }
0xcc: {  	_ =	sfence.sel $0xFFFF  }
0xcd: {  	[dreg:$0x0] =	wrdreg $0xFFFFFFFF;
	(pc) =	sbr.abs _section_cstart, $3  }
0xce: {  	[dreg:$0x1] =	wrdreg $0xFFFFFFFF  }
0xcf: {  	_ =	task.clear_ibuf [dreg:s22], $0x2FFFF;
	_ =	strace $0x9FFFFFFF  }
0xd0: {  	(tm) =	ssettm $0x7FFFFFFF  }
0xd1: {  	_ =	shalt  }
tec
execute0_lowered:
.L_overlay_start_1:
0x0: {  	(tag) =	ssettag $0x1  }
0x1: {  	s4 =	rddreg [dreg:$0x0]  }
0x2: {  	s0 =	rddreg [dreg:$0x1];
	s3 =	srdreg.scid  }
0x3: {  	s2 =	simm.s32 $0x0;
	s1 =	stileid.u32;
	s12 =	simm.s32 $0x200  }
0x4: {  	s13 =	simm.s32 $0x8200;
	s14 =	simm.s32 $0x1;
	s15 =	simm.s32 $0x2  }
0x5: {  	s16 =	simm.s32 $0x0;
	s7 =	sand.u32 $0x1, s3;
	[smem:$0x7FF] =	sst s2  }
0x6: {  	s5 =	sshll.u32 s1, $0xC;
	s3 =	sadd.s32 $0xC000, s4;
	s9 =	sadd.s32 $0x1E00, s4  }
0x7: {  	s10 =	sshll.u32 s1, $0x10;
	s6 =	sshll.u32 s7, $0xB;
	_ =	strace $0x80000050  }
0x8: {  	s29 =	ssub.s32 $0x2, s7;
	s10 =	sadd.s32 s10, s4;
	s7 =	sshll.u32 s7, $0xF  }
0x9: {  	s8 =	sor.u32 s6, s5;
	s11 =	sshrl.u32 s29, $0x1;
	s7 =	sadd.s32 s7, s10  }
0xa: {  	s6 =	sshrl.u32 s8, $0x3;
	s11 =	ssub.s32 s29, s11;
	s30 =	sor.u32 $0x30300, s8  }
0xb: {  	s8 =	sor.u32 $0x30200, s8;
	s7 =	sadd.s32 $0x50C000, s7;
	s6 =	sadd.s32 s6, s9  }
0xc: {  	s10 =	sshrl.u32 s30, $0x3;
	s31 =	sshrl.u32 s8, $0x3;
	s4 =	sadd.s32 $0x6000, s6  }
0xd: {  	s5 =	sadd.s32 $0x6020, s6;
	s6 =	smax.u32 s11, $0x1;
	s8 =	sadd.s32 s10, s9  }
0xe: {  	s9 =	sadd.s32 s31, s9;
	s10 =	simm.s32 $0x3;
	s11 =	simm.s32 $0x100  }
.LBB2_1:
0xf: {  	[tilespmem:s2], [sflag:$0x3] =	stream.linear.gather [hbm4b:s4+s2], $0x100, $0x38;
	[tilespmem:$0x10200] =	vst v63  }
0x10: {  	_ =	swait.ge [sflag:s10], $0x100  }
0x11: {  	[sflag:s10] =	ssyncset.done $0x0  }
0x12: {  	[sflag:s10] =	ssyncadd.s32 $0xFFFFFF00  }
0x13: {  	[tilespmem:s12], [sflag:$0x1] =	stream.indirect.gather [hbm4b:s3+s11], $0x80, s2, s11, $0xb8;
	[tilespmem:$0x10200] =	vst v63  }
0x14: {  	_ = 	snop  }
0x15: {  	[tilespmem:s11], [sflag:$0x3] =	stream.linear.gather [hbm4b:s5+s2], $0x100, $0x38;
	[tilespmem:$0x10200] =	vst v63  }
0x16: {  	_ =	swait.ge [sflag:s10], $0x100  }
0x17: {  	[sflag:s10] =	ssyncset.done $0x0  }
0x18: {  	[sflag:s10] =	ssyncadd.s32 $0xFFFFFF00  }
0x19: {  	[tilespmem:s13], [sflag:$0x2] =	stream.indirect.gather [hbm4b:s3+s11], $0x80, s11, s11, $0xb8;
	[tilespmem:$0x10200] =	vst v63  }
0x1a: {  	_ =	swait.ge [sflag:s14], $0x8000  }
0x1b: {  	[sflag:s14] =	ssyncset.done $0x0  }
0x1c: {  	[sflag:s14] =	ssyncadd.s32 $0xFFFF8000  }
0x1d: {  	[hbm4b:s7+s2] =	stream.linear.scatter [tilespmem:s12], [sflag:$0x3], $0x8000, $0x38;
	[tilespmem:$0x10200] =	vst v63  }
0x1e: {  	_ =	swait.ge [sflag:s10], $0x8000  }
0x1f: {  	[sflag:s10] =	ssyncset.done $0x0  }
0x20: {  	s17 =	sadd.s32 $0x0, s9;
	[sflag:s10] =	ssyncadd.s32 $0xFFFF8000  }
0x21: {  	[tilespmem:s2], [sflag:$0x3] =	stream.linear.gather [hbm4b:s17+s2], $0x100, $0x38;
	[tilespmem:$0x10200] =	vst v63  }
0x22: {  	_ =	swait.ge [sflag:s10], $0x100  }
0x23: {  	[sflag:s10] =	ssyncset.done $0x0  }
0x24: {  	[sflag:s10] =	ssyncadd.s32 $0xFFFFFF00  }
0x25: {  	[tilespmem:s12], [sflag:$0x1] =	stream.indirect.gather [hbm4b:s3+s11], $0x80, s2, s11, $0xb8;
	[tilespmem:$0x10200] =	vst v63  }
0x26: {  	_ =	swait.ge [sflag:s15], $0x8000  }
0x27: {  	[sflag:s15] =	ssyncset.done $0x0  }
0x28: {  	s30 =	sadd.s32 $0x1000, s7;
	[sflag:s15] =	ssyncadd.s32 $0xFFFF8000  }
0x29: {  	[hbm4b:s30+s2] =	stream.linear.scatter [tilespmem:s13], [sflag:$0x3], $0x8000, $0x38;
	[tilespmem:$0x10200] =	vst v63  }
0x2a: {  	_ =	swait.ge [sflag:s10], $0x8000  }
0x2b: {  	[sflag:s10] =	ssyncset.done $0x0  }
0x2c: {  	s31 =	sadd.s32 $0x0, s8;
	[sflag:s10] =	ssyncadd.s32 $0xFFFF8000  }
0x2d: {  	[tilespmem:s11], [sflag:$0x3] =	stream.linear.gather [hbm4b:s31+s2], $0x100, $0x38;
	[tilespmem:$0x10200] =	vst v63  }
0x2e: {  	_ =	swait.ge [sflag:s10], $0x100  }
0x2f: {  	[sflag:s10] =	ssyncset.done $0x0  }
0x30: {  	s18 =	sadd.s32 $0x2000, s7;
	s17 =	simm.s32 $0x40;
	[sflag:s10] =	ssyncadd.s32 $0xFFFFFF00  }
.LBB2_2:
0x31: {  	[tilespmem:s13], [sflag:$0x2] =	stream.indirect.gather [hbm4b:s3+s11], $0x80, s11, s11, $0xb8;
	[tilespmem:$0x10200] =	vst v63  }
0x32: {  	s19 =	smov.u32 s17  }
0x33: {  	p0 =	sne.s32 s17, $0xC0;
	s17 =	sadd.s32 $0x40, s17;
	_ =	swait.ge [sflag:s14], $0x8000  }
0x34: {  	[sflag:s14] =	ssyncset.done $0x0  }
0x35: {  	[sflag:s14] =	ssyncadd.s32 $0xFFFF8000  }
0x36: {  	[hbm4b:s18+s2] =	stream.linear.scatter [tilespmem:s12], [sflag:$0x3], $0x8000, $0x38;
	[tilespmem:$0x10200] =	vst v63  }
0x37: {  	_ =	swait.ge [sflag:s10], $0x8000  }
0x38: {  	[sflag:s10] =	ssyncset.done $0x0  }
0x39: {  	s20 =	sadd.s32 s19, s9;
	[sflag:s10] =	ssyncadd.s32 $0xFFFF8000  }
0x3a: {  	[tilespmem:s2], [sflag:$0x3] =	stream.linear.gather [hbm4b:s20+s2], $0x100, $0x38;
	[tilespmem:$0x10200] =	vst v63  }
0x3b: {  	_ =	swait.ge [sflag:s10], $0x100  }
0x3c: {  	[sflag:s10] =	ssyncset.done $0x0  }
0x3d: {  	[sflag:s10] =	ssyncadd.s32 $0xFFFFFF00  }
0x3e: {  	[tilespmem:s12], [sflag:$0x1] =	stream.indirect.gather [hbm4b:s3+s11], $0x80, s2, s11, $0xb8;
	[tilespmem:$0x10200] =	vst v63  }
0x3f: {  	_ =	swait.ge [sflag:s15], $0x8000  }
0x40: {  	[sflag:s15] =	ssyncset.done $0x0  }
0x41: {  	s20 =	sadd.s32 $0x1000, s18;
	[sflag:s15] =	ssyncadd.s32 $0xFFFF8000  }
0x42: {  	[hbm4b:s20+s2] =	stream.linear.scatter [tilespmem:s13], [sflag:$0x3], $0x8000, $0x38;
	[tilespmem:$0x10200] =	vst v63  }
0x43: {  	_ =	swait.ge [sflag:s10], $0x8000  }
0x44: {  	[sflag:s10] =	ssyncset.done $0x0  }
.Ltmp0:
0x45: {  	s19 =	sadd.s32 s19, s8;
	[sflag:s10] =	ssyncadd.s32 $0xFFFF8000;
	(pc) =	sbr.rel @p0 .LBB2_2-.Ltmp0, $4  }
0x46: {  	[tilespmem:s11], [sflag:$0x3] =	stream.linear.gather [hbm4b:s19+s2], $0x100, $0x38;
	[tilespmem:$0x10200] =	vst v63  }
0x47: {  	_ =	swait.ge [sflag:s10], $0x100  }
0x48: {  	[sflag:s10] =	ssyncset.done $0x0  }
0x49: {  	s18 =	sadd.s32 $0x2000, s18;
	[sflag:s10] =	ssyncadd.s32 $0xFFFFFF00  }
0x4a: {  	[tilespmem:s13], [sflag:$0x2] =	stream.indirect.gather [hbm4b:s3+s11], $0x80, s11, s11, $0xb8;
	[tilespmem:$0x10200] =	vst v63  }
0x4b: {  	s16 =	sadd.s32 $0x1, s16  }
0x4c: {  	_ =	swait.ge [sflag:s14], $0x8000;
	p0 =	sne.s32 s16, s6  }
.Ltmp1:
0x4d: {  	[sflag:s14] =	ssyncset.done $0x0;
	(pc) =	sbr.rel @p0 .LBB2_1-.Ltmp1, $4  }
0x4e: {  	[sflag:s14] =	ssyncadd.s32 $0xFFFF8000  }
0x4f: {  	_ =	swait.ge [sflag:s15], $0x8000  }
0x50: {  	[sflag:s15] =	ssyncset.done $0x0  }
0x51: {  	[sflag:s15] =	ssyncadd.s32 $0xFFFF8000  }
0x52: {  	_ =	sfence.sel $0x180000  }
0x53: {  	[bflag:$0x0] =	sbarrier.arrive $0xFFFF  }
0x54: {  	p0 =	sne.s32 s1, $0x0;
	_ =	strace $0x90000050  }
0x55: {  	s0 =	sadd.s32 @!p0 $0x100000, s0;
	[bflag:$0x2] =	sbarrier.arrive $0xFFFF  }
0x56: {  	[sflag:s0] =	ssyncadd.tile.s32 @!p0 $0x1;
	_ =	shalt  }
.Lfunc_end2:
_tile_overlayer_lowered:
.L_overlay_start_2:
0x57: {  	(tag) =	ssettag $0x2  }
0x58: {  	s0 =	rddreg [dreg:$0x0];
	s2 =	stileid.u32  }
0x59: {  	s1 =	rddreg [dreg:$0x1];
	p0 =	sne.s32 s2, $0x0  }
0x5a: {  	s3 =	rddreg [dreg:$0x2];
	[bflag:$0x3] =	sbarrier.arrive $0xFFFF;
	s2 =	simm.s32 @!p0 $0x1C03  }
0x5b: {  	[timem:s3], [sflag:s2] =	dma.local @!p0 [hbm:s0], s1  }
0x5c: {  	s0 =	simm.s32 @!p0 $0x3  }
0x5d: {  	_ =	swait.ge @!p0 [sflag:s0], s1  }
0x5e: {  	s1 =	ssub.s32 @!p0 $0x0, s1;
	[sflag:s0] =	ssyncset.done @!p0 $0x0  }
0x5f: {  	[sflag:s0] =	ssyncadd.s32 @!p0 s1  }
0x60: {  	[bflag:$0x3] =	sbarrier.arrive $0xFFFF  }
0x61: {  	_ =	shalt  }

// kernel: kernel.25.cloned.1.call-start
scs
__scs_entry_jumppad:
0x0: {  	(pc) =	sbr.rel $0x88, $3  }
0x1: {  	(tag) =	ssettag $0x0;
	lr =	simm.s32 $0x1  }
0x2: {  	[smem:$0x3F99] =	sst lr;
	_ =	strace $0xD0000000  }
0x3: {  	_ = 	snop  }
0x4: {  	_ = 	snop  }
0x5: {  	_ = 	snop  }
0x6: {  	_ = 	snop  }
0x7: {  	_ = 	snop  }
__scs_overlays_trampoline_lowered:
0x8: {  	[smem:$0x3FA8] =	sst s0  }
0x9: {  	[smem:$0x3FA9] =	sst s1  }
0xa: {  	[smem:$0x3FAA] =	sst s2  }
0xb: {  	[smem:$0x3FAB] =	sst s3  }
0xc: {  	[smem:$0x3FAC] =	sst s4  }
0xd: {  	[smem:$0x3FAD] =	sst s5  }
0xe: {  	[smem:$0x3FAE] =	sst s6  }
0xf: {  	[smem:$0x3FAF] =	sst s7  }
0x10: {  	[smem:$0x3FB0] =	sst s8  }
0x11: {  	[smem:$0x3FB1] =	sst s9;
	s0 =	simm.s32 @!p0 $0x0  }
0x12: {  	s1 =	sld [smem:$0x3F97];
	s0 =	simm.s32 @p0 $0x1  }
0x13: {  	[smem:$0x3FB2] =	sst s0;
	s0 =	simm.s32 @!p1 $0x0  }
0x14: {  	s2 =	sld [smem:$0x3F96];
	s0 =	simm.s32 @p1 $0x1  }
0x15: {  	[smem:$0x3FB3] =	sst s0;
	s0 =	simm.s32 @!p2 $0x0  }
0x16: {  	s3 =	sld [smem:$0x3FDB];
	s0 =	simm.s32 @p2 $0x1  }
0x17: {  	s4 =	simm.s32 $0x1BF5;
	[smem:$0x3FB5] =	sst s0  }
0x18: {  	s0 =	sld [smem:$0x3F98];
	_ =	swait.ge [sflag:s4], $0x0  }
0x19: {  	s7 =	sld [smem:$0x3F99]  }
0x1a: {  	s8 =	sadd.s32 $0xFFFFE003, lr  }
0x1b: {  	s9 =	sadd.s32 $0xFFFFFEF7, lr;
	s5 =	simm.s32 $0xFFFFFFFF;
	p2 =	slt.u32 s8, $0xFFFFF086  }
0x1c: {  	p1 =	slt.u32 s9, $0xF7A;
	s5 =	simm.s32 @!p2 $0x0  }
0x1d: {  	s5 =	simm.s32 @p1 $0x1;
	p0 =	seq.s32 s7, s2  }
0x1e: {  	s7 =	smul.u32 @!p0 $0xF7A, s2;
	p2 =	seq.s32 @!p0 s5, $0x0  }
0x1f: {  	s9 =	smul.u32 $0xF7A, s1;
	s8 =	simm.s32 @!p0 $0x1BF5;
	p2 =	por !p2, p0  }
0x20: {  	[sflag:s8] =	ssyncset.s32 @!p0 $0xFFFFF086;
	s6 =	sadd.s32 @!p0 s3, s7;
	s7 =	simm.s32 @!p0 $0x108  }
0x21: {  	s3 =	sadd.s32 s3, s9;
	s6 =	sadd.s32 @!p0 $0x88, s6;
	s7 =	simm.s32 @p2 $0x1082  }
0x22: {  	[simem:s7], [sflag:s8] =	dma.local @!p0 [hbm:s6], $0xF7A  }
0x23: {  	s9 =	sor.u32 $0xD0000000, s2;
	s6 =	simm.s32 $0x108;
	_ =	swait.ge @!p0 [sflag:s8], $0x0  }
0x24: {  	s3 =	sadd.s32 $0x88, s3;
	s6 =	simm.s32 @!p1 $0x1082;
	[sflag:s4] =	ssyncset.s32 $0xFFFFF086  }
0x25: {  	[simem:s6], [sflag:s4] =	dma.local [hbm:s3], $0xF7A  }
0x26: {  	[smem:$0x3F99] =	sst s1;
	(tag) =	ssettag s2;
	_ =	strace s9  }
0x27: {  	s1 =	sld [smem:$0x3FA9]  }
0x28: {  	s2 =	sld [smem:$0x3FAA]  }
0x29: {  	s4 =	sld [smem:$0x3FAC]  }
0x2a: {  	p0 =	seq.s32 s5, $0x0;
	s5 =	sld [smem:$0x3FAD]  }
0x2b: {  	s6 =	sld [smem:$0x3FAE]  }
0x2c: {  	s7 =	sld [smem:$0x3FAF]  }
0x2d: {  	s3 =	simm.s32 $0x108;
	s8 =	sld [smem:$0x3FB0]  }
0x2e: {  	s3 =	simm.s32 @!p0 $0x1082;
	s9 =	sld [smem:$0x3FB1]  }
0x2f: {  	lr =	sadd.s32 s0, s3;
	s0 =	sld [smem:$0x3FA8]  }
0x30: {  	s3 =	sld [smem:$0x3FAB]  }
0x31: {  	[smem:$0x3FB4] =	sst s10  }
0x32: {  	s10 =	sld [smem:$0x3FB2];
	_ =	sdelay $0x3  }
0x33: {  	p0 =	seq.s32 s10, $0x1;
	s10 =	sld [smem:$0x3FB4];
	_ =	sdelay $0x3  }
0x34: {  	[smem:$0x3FB4] =	sst s10  }
0x35: {  	s10 =	sld [smem:$0x3FB3];
	_ =	sdelay $0x3  }
0x36: {  	p1 =	seq.s32 s10, $0x1;
	s10 =	sld [smem:$0x3FB4];
	_ =	sdelay $0x3  }
0x37: {  	[smem:$0x3FB4] =	sst s10  }
0x38: {  	s10 =	sld [smem:$0x3FB5]  }
0x39: {  	_ = 	snop;
	(pc) =	sbr.ind lr, $3  }
0x3a: {  	_ = 	snop  }
0x3b: {  	_ = 	snop  }
0x3c: {  	p2 =	seq.s32 s10, $0x1;
	s10 =	sld [smem:$0x3FB4]  }
0x3d: {  	_ =	shalt  }
0x3e: {  	_ =	shalt  }
0x3f: {  	_ =	shalt  }
0x40: {  	_ =	shalt  }
0x41: {  	_ =	shalt  }
0x42: {  	_ =	shalt  }
0x43: {  	_ =	shalt  }
0x44: {  	_ =	shalt  }
0x45: {  	_ =	shalt  }
0x46: {  	_ =	shalt  }
0x47: {  	_ =	shalt  }
0x48: {  	_ =	shalt  }
0x49: {  	_ =	shalt  }
0x4a: {  	_ =	shalt  }
0x4b: {  	_ =	shalt  }
0x4c: {  	_ =	shalt  }
0x4d: {  	_ =	shalt  }
0x4e: {  	_ =	shalt  }
0x4f: {  	_ =	shalt  }
0x50: {  	_ =	shalt  }
0x51: {  	_ =	shalt  }
0x52: {  	_ =	shalt  }
0x53: {  	_ =	shalt  }
0x54: {  	_ =	shalt  }
0x55: {  	_ =	shalt  }
0x56: {  	_ =	shalt  }
0x57: {  	_ =	shalt  }
0x58: {  	_ =	shalt  }
0x59: {  	_ =	shalt  }
0x5a: {  	_ =	shalt  }
0x5b: {  	_ =	shalt  }
0x5c: {  	_ =	shalt  }
0x5d: {  	_ =	shalt  }
0x5e: {  	_ =	shalt  }
0x5f: {  	_ =	shalt  }
0x60: {  	_ =	shalt  }
0x61: {  	_ =	shalt  }
0x62: {  	_ =	shalt  }
0x63: {  	_ =	shalt  }
0x64: {  	_ =	shalt  }
0x65: {  	_ =	shalt  }
0x66: {  	_ =	shalt  }
0x67: {  	_ =	shalt  }
0x68: {  	_ =	shalt  }
0x69: {  	_ =	shalt  }
0x6a: {  	_ =	shalt  }
0x6b: {  	_ =	shalt  }
0x6c: {  	_ =	shalt  }
0x6d: {  	_ =	shalt  }
0x6e: {  	_ =	shalt  }
0x6f: {  	_ =	shalt  }
0x70: {  	_ =	shalt  }
0x71: {  	_ =	shalt  }
0x72: {  	_ =	shalt  }
0x73: {  	_ =	shalt  }
0x74: {  	_ =	shalt  }
0x75: {  	_ =	shalt  }
0x76: {  	_ =	shalt  }
0x77: {  	_ =	shalt  }
0x78: {  	_ =	shalt  }
0x79: {  	_ =	shalt  }
0x7a: {  	_ =	shalt  }
0x7b: {  	_ =	shalt  }
0x7c: {  	_ =	shalt  }
0x7d: {  	_ =	shalt  }
0x7e: {  	_ =	shalt  }
0x7f: {  	_ =	shalt  }
0x80: {  	_ =	shalt  }
0x81: {  	_ =	shalt  }
0x82: {  	_ =	shalt  }
0x83: {  	_ =	shalt  }
0x84: {  	_ =	shalt  }
0x85: {  	_ =	shalt  }
0x86: {  	_ =	shalt  }
0x87: {  	_ =	shalt  }
.Lfunc_end0:
.L_simem_size_0:
called_computation.4_lowered:
.L_overlay_start_0:
0x88: {  	s2 =	sld [smem:$0x3FD9]  }
0x89: {  	s3 =	sld [smem:$0x3FFE];
	_ =	sdelay $0x1  }
0x8a: {  	s1 =	srdreg.scid  }
0x8b: {  	s0 =	sand.u32 $0x1, s1  }
0x8c: {  	s17 =	sshll.u32 s0, $0xA;
	s2 =	sadd.s32 s3, s2  }
0x8d: {  	s2 =	sadd.s32 s2, s17  }
0x8e: {  	[smem:$0x3FC0] =	sst s2  }
0x8f: {  	_ = 	snop  }
0x90: {  	(tm) =	ssettm $0x1  }
0x91: {  	s18 =	sld [smem:$0x3FFB];
	_ =	sdelay $0x3  }
0x92: {  	_ =	strace s18  }
0x93: {  	s2 =	sld [smem:$0x3FFC];
	_ =	sdelay $0x3  }
0x94: {  	_ =	strace s2  }
0x95: {  	s2 =	sld [smem:$0x3FFD];
	_ =	sdelay $0x3  }
0x96: {  	_ =	strace s2  }
0x97: {  	_ =	strace $0x8FFFFFFF  }
0x98: {  	s19 =	sld [smem:$0x3FDB];
	_ =	sdelay $0x1  }
0x99: {  	s20 =	simm.s32 $_scs_section_size  }
0x9a: {  	s4 =	simm.s32 $_size__tile_overlayer_lowered;
	s5 =	simm.s32 $_tile_overlayer_lowered  }
0x9b: {  	s6 =	simm.s32 $0x1BFF;
	s21 =	sshll.u32 s5, $0x1;
	s3 =	sadd.s32 s20, s19  }
0x9c: {  	s22 =	simm.s32 $0x0;
	s4 =	sshll.u32 s4, $0x1;
	s5 =	sadd.s32 s21, s3  }
0x9d: {  	[timem:s22], [sflag:s6] =	dma.local [hbm:s5], s4  }
0x9e: {  	_ =	swait.ge [sflag:s6], s4  }
0x9f: {  	s4 =	ssub.s32 $0x0, s4;
	[sflag:s6] =	ssyncset.done $0x0  }
0xa0: {  	[sflag:s6] =	ssyncadd.s32 s4;
	_ =	sdelay $0x1  }
0xa1: {  	s23 =	simm.s32 $0x1B8B  }
0xa2: {  	_ =	swait.ge [sflag:s23], $0x1  }
0xa3: {  	[sflag:s23] =	ssyncset.done $0x0  }
0xa4: {  	[sflag:s23] =	ssyncadd.s32 $0xFFFFFFFF  }
0xa5: {  	s4 =	sld [smem:$0x0]  }
0xa6: {  	s5 =	sand.u32 $0xFFFFFFFE, s1  }
0xa7: {  	p0 =	sne.s32 s1, s5  }
0xa8: {  	s5 =	sshll.u32 @p0 s5, $0xE  }
0xa9: {  	s5 =	sadd.s32 @p0 $0x11B8D, s5;
	s6 =	sshll.u32 @p0 s4, $0x11  }
0xaa: {  	s5 =	sor.u32 @p0 s6, s5  }
0xab: {  	[sflag:s5] =	ssyncadd.remote.s32 @p0 $0x1;
	_ =	sdelay $0x1  }
0xac: {  	s5 =	simm.s32 @p0 $0x1B8D  }
0xad: {  	_ =	swait.eq @p0 [sflag:s5], $0x1  }
0xae: {  	[sflag:s5] =	ssyncadd.s32 @p0 $0xFFFFFFFF  }
0xaf: {  	s6 =	sshll.u32 @!p0 s1, $0xE  }
0xb0: {  	s6 =	sor.u32 @!p0 $0x4000, s6;
	s5 =	simm.s32 @!p0 $0x1B8D  }
0xb1: {  	s4 =	sshll.u32 @!p0 s4, $0x11;
	s6 =	sadd.s32 @!p0 $0x11B8D, s6;
	_ =	swait.eq @!p0 [sflag:s5], $0x1  }
0xb2: {  	s4 =	sor.u32 @!p0 s4, s6;
	[sflag:s5] =	ssyncadd.s32 @!p0 $0xFFFFFFFF  }
0xb3: {  	s25 =	simm.s32 $0x1B8E;
	s24 =	sld [smem:$0x3FFE];
	[sflag:s4] =	ssyncadd.remote.s32 @!p0 $0x1  }
0xb4: {  	s26 =	simm.s32 $execute0_lowered;
	[smem:$0x3FD2] =	sst s25  }
0xb5: {  	s5 =	sshll.u32 s26, $0x1;
	_ =	strace $0x80000052;
	[dreg:$0x1] =	wrdreg $0xFFFFFFFF  }
0xb6: {  	s28 =	simm.s32 $_size_execute0_lowered;
	s3 =	sadd.s32 s3, s5;
	[dreg:$0x0] =	wrdreg $0x0  }
0xb7: {  	s5 =	sshll.u32 s28, $0x1;
	[dreg:$0x2] =	wrdreg s3  }
0xb8: {  	[dreg:$0x3] =	wrdreg s5  }
0xb9: {  	[dreg:$0x4] =	wrdreg $0xC0  }
0xba: {  	_ =	task [dreg:s22], $0x5FFFF  }
0xbb: {  	[dreg:$0x1] =	wrdreg $0xFFFFFFFF  }
0xbc: {  	[dreg:$0x0] =	wrdreg $0x60  }
0xbd: {  	[dreg:$0x2] =	wrdreg s24  }
0xbe: {  	[dreg:$0x3] =	wrdreg $0xD  }
0xbf: {  	_ =	task.clear_ibuf [dreg:s22], $0x4FFFF;
	_ =	strace $0x90000052  }
0xc0: {  	s29 =	simm.s32 $0xD;
	_ =	strace $0x80000054  }
0xc1: {  	_ =	swait.ge [sflag:s29], $0x1  }
0xc2: {  	[sflag:s29] =	ssyncadd.s32 $0xFFFFFFFF  }
0xc3: {  	_ =	strace $0x90000054  }
0xc4: {  	_ =	sfence  }
0xc5: {  	s30 =	sld [smem:$0x0];
	_ =	sdelay $0x2  }
0xc6: {  	s31 =	sshll.u32 s1, $0xD;
	s1 =	sshrl.u32 s1, $0x2  }
0xc7: {  	s4 =	sand.u32 $0x4000, s31;
	s1 =	sadd.s32 s1, s30  }
0xc8: {  	s0 =	sor.u32 s4, s0;
	s1 =	sshll.u32 s1, $0x11  }
0xc9: {  	s0 =	sor.u32 s1, s0  }
0xca: {  	s0 =	sadd.s32 $0x8F2B, s0  }
0xcb: {  	[sflag:s0] =	ssyncadd.remote.s32 $0x1  }
0xcc: {  	_ =	sfence.sel $0xFFFF  }
0xcd: {  	[dreg:$0x0] =	wrdreg $0xFFFFFFFF;
	(pc) =	sbr.abs _section_cstart, $3  }
0xce: {  	[dreg:$0x1] =	wrdreg $0xFFFFFFFF  }
0xcf: {  	_ =	task.clear_ibuf [dreg:s22], $0x2FFFF;
	_ =	strace $0x9FFFFFFF  }
0xd0: {  	(tm) =	ssettm $0x7FFFFFFF  }
0xd1: {  	_ =	shalt  }
tec
execute0_lowered:
.L_overlay_start_1:
0x0: {  	(tag) =	ssettag $0x1  }
0x1: {  	s4 =	rddreg [dreg:$0x0]  }
0x2: {  	s0 =	rddreg [dreg:$0x1];
	s3 =	srdreg.scid  }
0x3: {  	s2 =	simm.s32 $0x0;
	s1 =	stileid.u32;
	s12 =	simm.s32 $0x200  }
0x4: {  	s13 =	simm.s32 $0x8200;
	s14 =	simm.s32 $0x1;
	s15 =	simm.s32 $0x2  }
0x5: {  	s16 =	simm.s32 $0x0;
	s7 =	sand.u32 $0x1, s3;
	[smem:$0x7FF] =	sst s2  }
0x6: {  	s5 =	sshll.u32 s1, $0xC;
	s3 =	sadd.s32 $0xC000, s4;
	s9 =	sadd.s32 $0x1E00, s4  }
0x7: {  	s10 =	sshll.u32 s1, $0x10;
	s6 =	sshll.u32 s7, $0xB;
	_ =	strace $0x80000053  }
0x8: {  	s29 =	ssub.s32 $0x2, s7;
	s10 =	sadd.s32 s10, s4;
	s7 =	sshll.u32 s7, $0xF  }
0x9: {  	s8 =	sor.u32 s6, s5;
	s11 =	sshrl.u32 s29, $0x1;
	s7 =	sadd.s32 s7, s10  }
0xa: {  	s6 =	sshrl.u32 s8, $0x3;
	s11 =	ssub.s32 s29, s11;
	s30 =	sor.u32 $0x40300, s8  }
0xb: {  	s8 =	sor.u32 $0x40200, s8;
	s7 =	sadd.s32 $0x60C000, s7;
	s6 =	sadd.s32 s6, s9  }
0xc: {  	s10 =	sshrl.u32 s30, $0x3;
	s31 =	sshrl.u32 s8, $0x3;
	s4 =	sadd.s32 $0x8000, s6  }
0xd: {  	s5 =	sadd.s32 $0x8020, s6;
	s6 =	smax.u32 s11, $0x1;
	s8 =	sadd.s32 s10, s9  }
0xe: {  	s9 =	sadd.s32 s31, s9;
	s10 =	simm.s32 $0x3;
	s11 =	simm.s32 $0x100  }
.LBB2_1:
0xf: {  	[tilespmem:s2], [sflag:$0x3] =	stream.linear.gather [hbm4b:s4+s2], $0x100, $0x38;
	[tilespmem:$0x10200] =	vst v63  }
0x10: {  	_ =	swait.ge [sflag:s10], $0x100  }
0x11: {  	[sflag:s10] =	ssyncset.done $0x0  }
0x12: {  	[sflag:s10] =	ssyncadd.s32 $0xFFFFFF00  }
0x13: {  	[tilespmem:s12], [sflag:$0x1] =	stream.indirect.gather [hbm4b:s3+s11], $0x80, s2, s11, $0xb8;
	[tilespmem:$0x10200] =	vst v63  }
0x14: {  	_ = 	snop  }
0x15: {  	[tilespmem:s11], [sflag:$0x3] =	stream.linear.gather [hbm4b:s5+s2], $0x100, $0x38;
	[tilespmem:$0x10200] =	vst v63  }
0x16: {  	_ =	swait.ge [sflag:s10], $0x100  }
0x17: {  	[sflag:s10] =	ssyncset.done $0x0  }
0x18: {  	[sflag:s10] =	ssyncadd.s32 $0xFFFFFF00  }
0x19: {  	[tilespmem:s13], [sflag:$0x2] =	stream.indirect.gather [hbm4b:s3+s11], $0x80, s11, s11, $0xb8;
	[tilespmem:$0x10200] =	vst v63  }
0x1a: {  	_ =	swait.ge [sflag:s14], $0x8000  }
0x1b: {  	[sflag:s14] =	ssyncset.done $0x0  }
0x1c: {  	[sflag:s14] =	ssyncadd.s32 $0xFFFF8000  }
0x1d: {  	[hbm4b:s7+s2] =	stream.linear.scatter [tilespmem:s12], [sflag:$0x3], $0x8000, $0x38;
	[tilespmem:$0x10200] =	vst v63  }
0x1e: {  	_ =	swait.ge [sflag:s10], $0x8000  }
0x1f: {  	[sflag:s10] =	ssyncset.done $0x0  }
0x20: {  	s17 =	sadd.s32 $0x0, s9;
	[sflag:s10] =	ssyncadd.s32 $0xFFFF8000  }
0x21: {  	[tilespmem:s2], [sflag:$0x3] =	stream.linear.gather [hbm4b:s17+s2], $0x100, $0x38;
	[tilespmem:$0x10200] =	vst v63  }
0x22: {  	_ =	swait.ge [sflag:s10], $0x100  }
0x23: {  	[sflag:s10] =	ssyncset.done $0x0  }
0x24: {  	[sflag:s10] =	ssyncadd.s32 $0xFFFFFF00  }
0x25: {  	[tilespmem:s12], [sflag:$0x1] =	stream.indirect.gather [hbm4b:s3+s11], $0x80, s2, s11, $0xb8;
	[tilespmem:$0x10200] =	vst v63  }
0x26: {  	_ =	swait.ge [sflag:s15], $0x8000  }
0x27: {  	[sflag:s15] =	ssyncset.done $0x0  }
0x28: {  	s30 =	sadd.s32 $0x1000, s7;
	[sflag:s15] =	ssyncadd.s32 $0xFFFF8000  }
0x29: {  	[hbm4b:s30+s2] =	stream.linear.scatter [tilespmem:s13], [sflag:$0x3], $0x8000, $0x38;
	[tilespmem:$0x10200] =	vst v63  }
0x2a: {  	_ =	swait.ge [sflag:s10], $0x8000  }
0x2b: {  	[sflag:s10] =	ssyncset.done $0x0  }
0x2c: {  	s31 =	sadd.s32 $0x0, s8;
	[sflag:s10] =	ssyncadd.s32 $0xFFFF8000  }
0x2d: {  	[tilespmem:s11], [sflag:$0x3] =	stream.linear.gather [hbm4b:s31+s2], $0x100, $0x38;
	[tilespmem:$0x10200] =	vst v63  }
0x2e: {  	_ =	swait.ge [sflag:s10], $0x100  }
0x2f: {  	[sflag:s10] =	ssyncset.done $0x0  }
0x30: {  	s18 =	sadd.s32 $0x2000, s7;
	s17 =	simm.s32 $0x40;
	[sflag:s10] =	ssyncadd.s32 $0xFFFFFF00  }
.LBB2_2:
0x31: {  	[tilespmem:s13], [sflag:$0x2] =	stream.indirect.gather [hbm4b:s3+s11], $0x80, s11, s11, $0xb8;
	[tilespmem:$0x10200] =	vst v63  }
0x32: {  	s19 =	smov.u32 s17  }
0x33: {  	p0 =	sne.s32 s17, $0xC0;
	s17 =	sadd.s32 $0x40, s17;
	_ =	swait.ge [sflag:s14], $0x8000  }
0x34: {  	[sflag:s14] =	ssyncset.done $0x0  }
0x35: {  	[sflag:s14] =	ssyncadd.s32 $0xFFFF8000  }
0x36: {  	[hbm4b:s18+s2] =	stream.linear.scatter [tilespmem:s12], [sflag:$0x3], $0x8000, $0x38;
	[tilespmem:$0x10200] =	vst v63  }
0x37: {  	_ =	swait.ge [sflag:s10], $0x8000  }
0x38: {  	[sflag:s10] =	ssyncset.done $0x0  }
0x39: {  	s20 =	sadd.s32 s19, s9;
	[sflag:s10] =	ssyncadd.s32 $0xFFFF8000  }
0x3a: {  	[tilespmem:s2], [sflag:$0x3] =	stream.linear.gather [hbm4b:s20+s2], $0x100, $0x38;
	[tilespmem:$0x10200] =	vst v63  }
0x3b: {  	_ =	swait.ge [sflag:s10], $0x100  }
0x3c: {  	[sflag:s10] =	ssyncset.done $0x0  }
0x3d: {  	[sflag:s10] =	ssyncadd.s32 $0xFFFFFF00  }
0x3e: {  	[tilespmem:s12], [sflag:$0x1] =	stream.indirect.gather [hbm4b:s3+s11], $0x80, s2, s11, $0xb8;
	[tilespmem:$0x10200] =	vst v63  }
0x3f: {  	_ =	swait.ge [sflag:s15], $0x8000  }
0x40: {  	[sflag:s15] =	ssyncset.done $0x0  }
0x41: {  	s20 =	sadd.s32 $0x1000, s18;
	[sflag:s15] =	ssyncadd.s32 $0xFFFF8000  }
0x42: {  	[hbm4b:s20+s2] =	stream.linear.scatter [tilespmem:s13], [sflag:$0x3], $0x8000, $0x38;
	[tilespmem:$0x10200] =	vst v63  }
0x43: {  	_ =	swait.ge [sflag:s10], $0x8000  }
0x44: {  	[sflag:s10] =	ssyncset.done $0x0  }
.Ltmp0:
0x45: {  	s19 =	sadd.s32 s19, s8;
	[sflag:s10] =	ssyncadd.s32 $0xFFFF8000;
	(pc) =	sbr.rel @p0 .LBB2_2-.Ltmp0, $4  }
0x46: {  	[tilespmem:s11], [sflag:$0x3] =	stream.linear.gather [hbm4b:s19+s2], $0x100, $0x38;
	[tilespmem:$0x10200] =	vst v63  }
0x47: {  	_ =	swait.ge [sflag:s10], $0x100  }
0x48: {  	[sflag:s10] =	ssyncset.done $0x0  }
0x49: {  	s18 =	sadd.s32 $0x2000, s18;
	[sflag:s10] =	ssyncadd.s32 $0xFFFFFF00  }
0x4a: {  	[tilespmem:s13], [sflag:$0x2] =	stream.indirect.gather [hbm4b:s3+s11], $0x80, s11, s11, $0xb8;
	[tilespmem:$0x10200] =	vst v63  }
0x4b: {  	s16 =	sadd.s32 $0x1, s16  }
0x4c: {  	_ =	swait.ge [sflag:s14], $0x8000;
	p0 =	sne.s32 s16, s6  }
.Ltmp1:
0x4d: {  	[sflag:s14] =	ssyncset.done $0x0;
	(pc) =	sbr.rel @p0 .LBB2_1-.Ltmp1, $4  }
0x4e: {  	[sflag:s14] =	ssyncadd.s32 $0xFFFF8000  }
0x4f: {  	_ =	swait.ge [sflag:s15], $0x8000  }
0x50: {  	[sflag:s15] =	ssyncset.done $0x0  }
0x51: {  	[sflag:s15] =	ssyncadd.s32 $0xFFFF8000  }
0x52: {  	_ =	sfence.sel $0x180000  }
0x53: {  	[bflag:$0x0] =	sbarrier.arrive $0xFFFF  }
0x54: {  	p0 =	sne.s32 s1, $0x0;
	_ =	strace $0x90000053  }
0x55: {  	s0 =	sadd.s32 @!p0 $0x100000, s0;
	[bflag:$0x2] =	sbarrier.arrive $0xFFFF  }
0x56: {  	[sflag:s0] =	ssyncadd.tile.s32 @!p0 $0x1;
	_ =	shalt  }
.Lfunc_end2:
_tile_overlayer_lowered:
.L_overlay_start_2:
0x57: {  	(tag) =	ssettag $0x2  }
0x58: {  	s0 =	rddreg [dreg:$0x0];
	s2 =	stileid.u32  }
0x59: {  	s1 =	rddreg [dreg:$0x1];
	p0 =	sne.s32 s2, $0x0  }
0x5a: {  	s3 =	rddreg [dreg:$0x2];
	[bflag:$0x3] =	sbarrier.arrive $0xFFFF;
	s2 =	simm.s32 @!p0 $0x1C03  }
0x5b: {  	[timem:s3], [sflag:s2] =	dma.local @!p0 [hbm:s0], s1  }
0x5c: {  	s0 =	simm.s32 @!p0 $0x3  }
0x5d: {  	_ =	swait.ge @!p0 [sflag:s0], s1  }
0x5e: {  	s1 =	ssub.s32 @!p0 $0x0, s1;
	[sflag:s0] =	ssyncset.done @!p0 $0x0  }
0x5f: {  	[sflag:s0] =	ssyncadd.s32 @!p0 s1  }
0x60: {  	[bflag:$0x3] =	sbarrier.arrive $0xFFFF  }
0x61: {  	_ =	shalt  }

</sc_bundles>
